<compile_context>
chip_gen: v7x
topology: tpu7x:2x2x1
jax: 0.10.2.dev20260603
libtpu: 0.0.44.dev20260713+nightly
codegen_flags: <defaults>
</compile_context>

<pallas_src>
import functools

import jax
import jax.numpy as jnp
from jax import lax
from jax.experimental import pallas as pl
from jax.experimental.pallas import tpu as pltpu
from jax.experimental.pallas import tpu_sc as plsc

NODE_NUM = 512
DIM = 128
INPUT_DIM = 5
TOPK = 30
BATCH = 32
INTER = 256
EPS = 1e-5
NEG_INF = float("-inf")

SC_CORES = 2
SC_SUBCORES = 16
NUM_WORKERS = SC_CORES * SC_SUBCORES
ROWS_PER_W = NODE_NUM // NUM_WORKERS
LANES = 16


def _cos_kernel(emb_ref, cos_ref):
    w = emb_ref[...]
    g = jnp.dot(w, w.T, preferred_element_type=jnp.float32)
    nrm = jnp.sqrt(jnp.sum(w * w, axis=1, keepdims=True))
    cos_ref[...] = g / (nrm * nrm.T)


_UNROLL = 4


def _sc_topk_body(cos_hbm, mask_hbm, t_v, k_v, hist_v, coarse_v, out_v):
    wid = lax.axis_index("s") * SC_CORES + lax.axis_index("c")
    base = wid * ROWS_PER_W
    pltpu.sync_copy(cos_hbm.at[pl.ds(base, ROWS_PER_W), :], t_v)

    lane = lax.iota(jnp.int32, LANES)
    ones = jnp.full((LANES,), 1, jnp.int32)
    zeros = jnp.full((LANES,), 0, jnp.int32)
    kvec = jnp.full((LANES,), TOPK, jnp.int32)

    def splat(v):
        return jnp.full((LANES,), v, jnp.int32)

    def zero_hists(i, _):
        for u in range(8):
            plsc.store_scatter(hist_v, [splat(i * 8 + u), lane], zeros)
        return 0

    def zero_coarse(i, _):
        plsc.store_scatter(coarse_v, [splat(i), lane], zeros)
        return 0

    def bump(b, matched=None):
        plsc.addupdate_scatter(hist_v, [b, lane], ones, mask=matched)
        plsc.addupdate_scatter(coarse_v, [b >> 4, lane], ones, mask=matched)

    def scan_hist(kneed):
        def cbody(i, carry):
            cum, selc, cumbef, found = carry
            bb = splat(15 - i)
            c = plsc.load_gather(coarse_v, [bb, lane])
            hit = jnp.logical_and(found == 0, (cum + c) >= kneed)
            selc = jnp.where(hit, bb, selc)
            cumbef = jnp.where(hit, cum, cumbef)
            found = jnp.where(hit, ones, found)
            return cum + c, selc, cumbef, found

        _, selc, cumbef_c, _ = lax.fori_loop(
            0, 16, cbody, (zeros, zeros, zeros, zeros))
        kneed_f = kneed - cumbef_c

        def fbody(i, carry):
            cum, self_, cumbef, found = carry
            tt = splat(15 - i)
            c = plsc.load_gather(hist_v, [selc * 16 + tt, lane])
            hit = jnp.logical_and(found == 0, (cum + c) >= kneed_f)
            self_ = jnp.where(hit, tt, self_)
            cumbef = jnp.where(hit, cum, cumbef)
            found = jnp.where(hit, ones, found)
            return cum + c, self_, cumbef, found

        _, self_, cumbef_f, _ = lax.fori_loop(
            0, 16, fbody, (zeros, zeros, zeros, zeros))
        return selc * 16 + self_, cumbef_c + cumbef_f

    lax.fori_loop(0, 32, zero_hists, 0)
    lax.fori_loop(0, 16, zero_coarse, 0)

    def l0(i, _):
        for u in range(_UNROLL):
            j = i * _UNROLL + u
            x = plsc.load_gather(t_v, [lane, splat(j)]) + 0.0
            b = plsc.bitcast(x, jnp.int32)
            key = jnp.where(b >= 0, b, b ^ jnp.int32(0x7FFFFFFF))
            plsc.store_scatter(k_v, [splat(j), lane], key)
            bump((key >> 24) + 128)
        return 0

    lax.fori_loop(0, NODE_NUM // _UNROLL, l0, 0)
    sel1, cumbef = scan_hist(kvec)
    total_gt = cumbef

    def refine(shift, want):
        lax.fori_loop(0, 32, zero_hists, 0)
        lax.fori_loop(0, 16, zero_coarse, 0)

        def body(i, _):
            for u in range(_UNROLL):
                j = i * _UNROLL + u
                key = plsc.load_gather(k_v, [splat(j), lane])
                matched = (key >> (shift + 8)) == want
                bump((key >> shift) & 0xFF, matched)
            return 0

        lax.fori_loop(0, NODE_NUM // _UNROLL, body, 0)
        return scan_hist(kvec - total_gt)

    want1 = sel1 - 128
    sel2, cumbef = refine(16, want1)
    total_gt = total_gt + cumbef
    want2 = (want1 << 8) + sel2
    sel3, cumbef = refine(8, want2)
    total_gt = total_gt + cumbef
    want3 = (want2 << 8) + sel3
    sel4, cumbef = refine(0, want3)
    total_gt = total_gt + cumbef

    thr = (want3 << 8) + sel4
    need = kvec - total_gt

    def final(i, run):
        for u in range(_UNROLL):
            j = i * _UNROLL + u
            key = plsc.load_gather(k_v, [splat(j), lane])
            gt = key > thr
            eq = key == thr
            take = jnp.logical_or(gt, jnp.logical_and(eq, run < need))
            take = jnp.logical_or(take, splat(j) == base + lane)
            plsc.store_scatter(out_v, [lane, splat(j)],
                               jnp.where(take, 1.0, 0.0).astype(jnp.float32))
            run = run + eq.astype(jnp.int32)
        return run

    lax.fori_loop(0, NODE_NUM // _UNROLL, final, zeros)
    pltpu.sync_copy(out_v, mask_hbm.at[pl.ds(base, ROWS_PER_W), :])


_sc_topk = functools.partial(
    pl.kernel,
    out_type=jax.ShapeDtypeStruct((NODE_NUM, NODE_NUM), jnp.float32),
    mesh=plsc.VectorSubcoreMesh(core_axis_name="c", subcore_axis_name="s",
                                num_cores=SC_CORES, num_subcores=SC_SUBCORES),
    scratch_types=[
        pltpu.VMEM((ROWS_PER_W, NODE_NUM), jnp.float32),
        pltpu.VMEM((NODE_NUM, LANES), jnp.int32),
        pltpu.VMEM((256, LANES), jnp.int32),
        pltpu.VMEM((16, LANES), jnp.int32),
        pltpu.VMEM((ROWS_PER_W, NODE_NUM), jnp.float32),
    ],
    compiler_params=pltpu.CompilerParams(needs_layout_passes=False),
)(_sc_topk_body)


FWD_BB = 4


def _fwd_kernel(data_ref, mask_ref, emb_ref, lin_wT_ref, att_i_ref, att_j_ref,
                att_em_i_ref, att_em_j_ref, gl_bias_ref, bn1_g_ref, bn1_b_ref,
                bno_g_ref, bno_b_ref, w1T_ref, b1_ref, bn2_g_ref, bn2_b_ref,
                w2_ref, b2_ref, out_ref):
    emb = emb_ref[...]
    valid = mask_ref[...] > 0.0
    e_i = jnp.sum(emb * att_em_i_ref[...], axis=1, keepdims=True)
    e_j = jnp.sum(emb * att_em_j_ref[...], axis=1, keepdims=True)
    for u in range(FWD_BB):
        d = data_ref[u]
        xl = jnp.dot(d, lin_wT_ref[...], preferred_element_type=jnp.float32)

        a = jnp.sum(xl * att_i_ref[...], axis=1, keepdims=True) + e_i
        b = jnp.sum(xl * att_j_ref[...], axis=1, keepdims=True) + e_j

        alpha = a + b.T
        alpha = jnp.where(alpha >= 0, alpha, 0.2 * alpha)
        am = jnp.where(valid, alpha, NEG_INF)
        amax = jnp.max(am, axis=1, keepdims=True)
        p = jnp.exp(am - amax)
        att = p / (jnp.sum(p, axis=1, keepdims=True) + 1e-16)

        agg = jnp.dot(att, xl, preferred_element_type=jnp.float32)
        out = agg + gl_bias_ref[...]
        out = out * (bn1_g_ref[...] * lax.rsqrt(1.0 + EPS)) + bn1_b_ref[...]
        out = jnp.maximum(out, 0.0)

        xo = out * emb
        xo = xo * (bno_g_ref[...] * lax.rsqrt(1.0 + EPS)) + bno_b_ref[...]
        xo = jnp.maximum(xo, 0.0)

        h = (jnp.dot(xo, w1T_ref[...], preferred_element_type=jnp.float32)
             + b1_ref[...])
        h = h * (bn2_g_ref[...] * lax.rsqrt(1.0 + EPS)) + bn2_b_ref[...]
        h = jnp.maximum(h, 0.0)

        y = lax.dot_general(w2_ref[...], h, (((1,), (1,)), ((), ())),
                            preferred_element_type=jnp.float32)
        out_ref[u] = y + b2_ref[...]


def kernel(data, emb, lin_w, att_i, att_j, att_em_i, att_em_j, gl_bias,
           bn1_g, bn1_b, bno_g, bno_b, w1, b1, bn2_g, bn2_b, w2, b2):
    cos = pl.pallas_call(
        _cos_kernel,
        out_shape=jax.ShapeDtypeStruct((NODE_NUM, NODE_NUM), jnp.float32),
    )(emb)
    mask = _sc_topk(cos)

    data3 = data.reshape(BATCH, NODE_NUM, INPUT_DIM)
    data3 = jnp.pad(data3, ((0, 0), (0, 0), (0, 8 - INPUT_DIM)))
    lin_wT = jnp.pad(lin_w.T, ((0, 8 - INPUT_DIM), (0, 0)))

    row = lambda v: v.reshape(1, -1)
    grid_spec = pl.GridSpec(
        grid=(BATCH // FWD_BB,),
        in_specs=[
            pl.BlockSpec((FWD_BB, NODE_NUM, 8), lambda b: (b, 0, 0)),
            pl.BlockSpec((NODE_NUM, NODE_NUM), lambda b: (0, 0)),
            pl.BlockSpec((NODE_NUM, DIM), lambda b: (0, 0)),
            pl.BlockSpec((8, DIM), lambda b: (0, 0)),
        ] + [pl.BlockSpec((1, DIM), lambda b: (0, 0))] * 9 + [
            pl.BlockSpec((DIM, INTER), lambda b: (0, 0)),
            pl.BlockSpec((1, INTER), lambda b: (0, 0)),
            pl.BlockSpec((1, INTER), lambda b: (0, 0)),
            pl.BlockSpec((1, INTER), lambda b: (0, 0)),
            pl.BlockSpec((1, INTER), lambda b: (0, 0)),
            pl.BlockSpec((1, 1), lambda b: (0, 0)),
        ],
        out_specs=pl.BlockSpec((FWD_BB, 1, NODE_NUM), lambda b: (b, 0, 0)),
    )
    out = pl.pallas_call(
        _fwd_kernel,
        grid_spec=grid_spec,
        out_shape=jax.ShapeDtypeStruct((BATCH, 1, NODE_NUM), jnp.float32),
        compiler_params=pltpu.CompilerParams(
            dimension_semantics=("arbitrary",),
        ),
    )(data3, mask, emb, lin_wT, row(att_i), row(att_j), row(att_em_i),
      row(att_em_j), row(gl_bias), row(bn1_g), row(bn1_b), row(bno_g),
      row(bno_b), w1.T, row(b1), row(bn2_g), row(bn2_b), w2, b2.reshape(1, 1))
    return out.reshape(BATCH, NODE_NUM)

# --- scband reference (transcript-rebuilt; emitter-appended) ---
"""Pipeline reference for scband-gdn-41240275976741 (READ-ONLY COPY).

The authoritative reference and input builder live on the scoring server;
editing this copy changes nothing except your own understanding.
"""

import jax, jax.numpy as jnp
import numpy as np

NODE_NUM = 512
DIM = 128
INPUT_DIM = 5
TOPK = 30
BATCH = 32
INTER = 256
EPS = 1e-5


def _bn_eval(x, g, b):
    # eval-mode BatchNorm1d with running_mean=0, running_var=1
    return x * (g / jnp.sqrt(1.0 + EPS)) + b


def setup_inputs(seed: int = 0) -> dict:
    key = jax.random.key(seed)
    ks = jax.random.split(key, 12)

    def uni(k, shape, fan_in):
        lim = 1.0 / np.sqrt(fan_in)
        return jax.random.uniform(k, shape, jnp.float32, -lim, lim)

    return {
        "data": jax.random.normal(ks[0], (BATCH * NODE_NUM, INPUT_DIM), jnp.float32),
        "emb": jax.random.normal(ks[1], (NODE_NUM, DIM), jnp.float32) * 0.1,
        "lin_w": uni(ks[2], (DIM, INPUT_DIM), INPUT_DIM),
        "att_i": uni(ks[3], (DIM,), DIM),
        "att_j": uni(ks[4], (DIM,), DIM),
        "att_em_i": uni(ks[5], (DIM,), DIM) * 0.1,
        "att_em_j": uni(ks[6], (DIM,), DIM) * 0.1,
        "gl_bias": jnp.zeros((DIM,), jnp.float32),
        "bn1_g": jnp.ones((DIM,), jnp.float32),
        "bn1_b": jnp.zeros((DIM,), jnp.float32),
        "bno_g": jnp.ones((DIM,), jnp.float32),
        "bno_b": jnp.zeros((DIM,), jnp.float32),
        "w1": uni(ks[7], (INTER, DIM), DIM),
        "b1": jnp.zeros((INTER,), jnp.float32),
        "bn2_g": jnp.ones((INTER,), jnp.float32),
        "bn2_b": jnp.zeros((INTER,), jnp.float32),
        "w2": uni(ks[8], (1, INTER), INTER),
        "b2": jnp.zeros((1,), jnp.float32),
    }


def _build_edges(emb):
    # learned graph: topk cosine similarity over (detached) node embeddings
    w = jax.lax.stop_gradient(emb)
    cos = w @ w.T
    nrm = jnp.linalg.norm(w, axis=-1)
    cos = cos / (nrm[:, None] * nrm[None, :])
    topk_idx = jax.lax.top_k(cos, TOPK)[1]  # [N, topk]
    gated_i = jnp.repeat(jnp.arange(NODE_NUM), TOPK)  # targets
    gated_j = topk_idx.reshape(-1)  # sources
    off = jnp.arange(BATCH) * NODE_NUM
    src = (gated_j[None, :] + off[:, None]).reshape(-1)
    dst = (gated_i[None, :] + off[:, None]).reshape(-1)
    # remove_self_loops then add_self_loops (PyG semantics)
    mask = src != dst
    dst = jnp.where(mask, dst, NODE_NUM * BATCH)
    loop = jnp.arange(NODE_NUM * BATCH)
    src = jnp.concatenate([src, loop])
    dst = jnp.concatenate([dst, loop])
    return src, dst


def _forward(data, emb, lin_w, att_i, att_j, att_em_i, att_em_j, gl_bias,
             bn1_g, bn1_b, bno_g, bno_b, w1, b1, bn2_g, bn2_b, w2, b2, src, dst):
    n_total = NODE_NUM * BATCH
    xl = data @ lin_w.T  # [B*N, DIM] (heads=1)
    all_emb = jnp.tile(emb, (BATCH, 1))  # [B*N, DIM]
    # message: gather endpoints
    x_j = xl[src]
    x_i = xl[dst]
    e_i = all_emb[dst]
    e_j = all_emb[src]
    key_i = jnp.concatenate([x_i, e_i], axis=-1)
    key_j = jnp.concatenate([x_j, e_j], axis=-1)
    cat_i = jnp.concatenate([att_i, att_em_i])
    cat_j = jnp.concatenate([att_j, att_em_j])
    alpha = (key_i * cat_i).sum(-1) + (key_j * cat_j).sum(-1)
    alpha = jnp.where(alpha >= 0, alpha, 0.2 * alpha)  # leaky_relu(0.2)
    # segment softmax over destination index
    amax = jax.ops.segment_max(alpha, dst, num_segments=n_total)
    ea = jnp.exp(alpha - amax[dst])
    den = jax.ops.segment_sum(ea, dst, num_segments=n_total)
    att = ea / (den[dst] + 1e-16)
    # aggregate (aggr='add')
    agg = jax.ops.segment_sum(x_j * att[:, None], dst, num_segments=n_total)
    out = agg + gl_bias
    # GNNLayer: BN + ReLU (eval-mode BN, dropout p=0)
    out = jax.nn.relu(_bn_eval(out, bn1_g, bn1_b))
    # GDN tail
    xo = out.reshape(BATCH, NODE_NUM, DIM)
    xo = xo * emb[None, :, :]  # mul by embedding(indexes)
    xo = jax.nn.relu(_bn_eval(xo, bno_g, bno_b))  # bn_outlayer_in over channel dim
    # OutLayer: Linear -> BN -> ReLU -> Linear
    xo = xo @ w1.T + b1
    xo = jax.nn.relu(_bn_eval(xo, bn2_g, bn2_b))
    xo = xo @ w2.T + b2  # [B, N, 1]
    return xo.reshape(-1, NODE_NUM)


def reference(data, emb, lin_w, att_i, att_j, att_em_i, att_em_j, gl_bias,
              bn1_g, bn1_b, bno_g, bno_b, w1, b1, bn2_g, bn2_b, w2, b2):
    src, dst = _build_edges(emb)
    return _forward(data, emb, lin_w, att_i, att_j, att_em_i, att_em_j, gl_bias,
                    bn1_g, bn1_b, bno_g, bno_b, w1, b1, bn2_g, bn2_b, w2, b2, src, dst)

if __name__ == "__main__":
    import jax
    _d = setup_inputs()
    print(jax.jit(kernel)(*tuple(_d.values())))

</pallas_src>

<mosaic_0001>
#map = affine_map<(d0, d1) -> (0, 0)>
module attributes {stable_mosaic.version = 14 : i64} {
  func.func @_sc_topk_body(%arg0: i32, %arg1: i32, %arg2: memref<512x512xf32, #tpu.memory_space<hbm>>, %arg3: memref<512x512xf32, #tpu.memory_space<hbm>>, %arg4: memref<16x512xf32, #tpu.memory_space<vmem>>, %arg5: memref<512x16xi32, #tpu.memory_space<vmem>>, %arg6: memref<256x16xi32, #tpu.memory_space<vmem>>, %arg7: memref<16x16xi32, #tpu.memory_space<vmem>>, %arg8: memref<16x512xf32, #tpu.memory_space<vmem>>) attributes {dimension_semantics = [#tpu.dimension_semantics<core_parallel>, #tpu.dimension_semantics<subcore_parallel>], iteration_bounds = array<i64: 2, 16>, scalar_prefetch = 0 : i64, scratch_operands = 5 : i64, tpu.core_type = #tpu.core_type<sc_vector_subcore>, window_params = [{transform_indices = #map}, {transform_indices = #map}]} {
    %mul3A = arith.constant 2 : i32
    %mul3A_0 = arith.muli %arg1, %mul3A : i32
    %add3A = arith.addi %mul3A_0, %arg0 : i32
    %mul3A_1 = arith.constant 16 : i32
    %mul3A_2 = arith.muli %add3A, %mul3A_1 : i32
    "tpu.region"() ({
      %run_scoped3A = tpu.sem_alloc : memref<!tpu.dma_semaphore, #tpu.memory_space<semaphore_mem>>
      %dma_start3A = arith.constant 0 : i32
      %dma_start3A_189 = tpu.memref_slice %arg2[%mul3A_2, %dma_start3A] : memref<512x512xf32, #tpu.memory_space<hbm>> -> memref<16x512xf32, #tpu.memory_space<hbm>>
      %dma_start3A_190 = arith.constant 0 : i32
      %dma_start3A_191 = tpu.memref_slice %arg2[%mul3A_2, %dma_start3A_190] : memref<512x512xf32, #tpu.memory_space<hbm>> -> memref<16x512xf32, #tpu.memory_space<hbm>>
      tpu.enqueue_dma source(%dma_start3A_191 : memref<16x512xf32, #tpu.memory_space<hbm>>) target(%arg4 : memref<16x512xf32, #tpu.memory_space<vmem>>) target_semaphore(%run_scoped3A : memref<!tpu.dma_semaphore, #tpu.memory_space<semaphore_mem>>)
      %dma_wait3A = arith.constant 0 : i32
      %dma_wait3A_192 = tpu.memref_slice %arg2[%mul3A_2, %dma_wait3A] : memref<512x512xf32, #tpu.memory_space<hbm>> -> memref<16x512xf32, #tpu.memory_space<hbm>>
      %dma_wait3A_193 = arith.constant 0 : i32
      %dma_wait3A_194 = tpu.memref_slice %arg2[%mul3A_2, %dma_wait3A_193] : memref<512x512xf32, #tpu.memory_space<hbm>> -> memref<16x512xf32, #tpu.memory_space<hbm>>
      tpu.wait_dma2 semaphore(%run_scoped3A : memref<!tpu.dma_semaphore, #tpu.memory_space<semaphore_mem>>) src(%dma_wait3A_194 : memref<16x512xf32, #tpu.memory_space<hbm>>) dst(%arg4 : memref<16x512xf32, #tpu.memory_space<vmem>>)
      tpu.yield
    }) : () -> ()
    %iota3A = tpu.iota {dimensions = array<i32: 0>} : vector<16xi32>
    %broadcast_in_dim3A = arith.constant 1 : i32
    %broadcast_in_dim3A_3 = vector.broadcast %broadcast_in_dim3A : i32 to vector<16xi32>
    %broadcast_in_dim3A_4 = arith.constant 0 : i32
    %broadcast_in_dim3A_5 = vector.broadcast %broadcast_in_dim3A_4 : i32 to vector<16xi32>
    %broadcast_in_dim3A_6 = arith.constant 30 : i32
    %broadcast_in_dim3A_7 = vector.broadcast %broadcast_in_dim3A_6 : i32 to vector<16xi32>
    %scan3A = arith.constant 0 : i32
    %scan3A_8 = arith.constant 0 : i32
    %scan3A_9 = arith.constant 32 : i32
    %scan3A_10 = arith.addi %scan3A_8, %scan3A_9 : i32
    %scan3A_11 = arith.constant 1 : i32
    %scan3A_12 = scf.for %scan3A_189 = %scan3A_8 to %scan3A_10 step %scan3A_11 iter_args(%scan3A_190 = %scan3A) -> (i32)  : i32 {
      %mul3A_191 = arith.constant 8 : i32
      %mul3A_192 = arith.muli %scan3A_189, %mul3A_191 : i32
      %add3A_193 = arith.constant 0 : i32
      %add3A_194 = arith.addi %mul3A_192, %add3A_193 : i32
      %broadcast_in_dim3A_195 = vector.broadcast %add3A_194 : i32 to vector<16xi32>
      tpu.vector_store_idx %arg6[%broadcast_in_dim3A_195, %iota3A], %broadcast_in_dim3A_5 : memref<256x16xi32, #tpu.memory_space<vmem>>[vector<16xi32>, vector<16xi32>], vector<16xi32>,
      %mul3A_196 = arith.constant 8 : i32
      %mul3A_197 = arith.muli %scan3A_189, %mul3A_196 : i32
      %add3A_198 = arith.constant 1 : i32
      %add3A_199 = arith.addi %mul3A_197, %add3A_198 : i32
      %broadcast_in_dim3A_200 = vector.broadcast %add3A_199 : i32 to vector<16xi32>
      tpu.vector_store_idx %arg6[%broadcast_in_dim3A_200, %iota3A], %broadcast_in_dim3A_5 : memref<256x16xi32, #tpu.memory_space<vmem>>[vector<16xi32>, vector<16xi32>], vector<16xi32>,
      %mul3A_201 = arith.constant 8 : i32
      %mul3A_202 = arith.muli %scan3A_189, %mul3A_201 : i32
      %add3A_203 = arith.constant 2 : i32
      %add3A_204 = arith.addi %mul3A_202, %add3A_203 : i32
      %broadcast_in_dim3A_205 = vector.broadcast %add3A_204 : i32 to vector<16xi32>
      tpu.vector_store_idx %arg6[%broadcast_in_dim3A_205, %iota3A], %broadcast_in_dim3A_5 : memref<256x16xi32, #tpu.memory_space<vmem>>[vector<16xi32>, vector<16xi32>], vector<16xi32>,
      %mul3A_206 = arith.constant 8 : i32
      %mul3A_207 = arith.muli %scan3A_189, %mul3A_206 : i32
      %add3A_208 = arith.constant 3 : i32
      %add3A_209 = arith.addi %mul3A_207, %add3A_208 : i32
      %broadcast_in_dim3A_210 = vector.broadcast %add3A_209 : i32 to vector<16xi32>
      tpu.vector_store_idx %arg6[%broadcast_in_dim3A_210, %iota3A], %broadcast_in_dim3A_5 : memref<256x16xi32, #tpu.memory_space<vmem>>[vector<16xi32>, vector<16xi32>], vector<16xi32>,
      %mul3A_211 = arith.constant 8 : i32
      %mul3A_212 = arith.muli %scan3A_189, %mul3A_211 : i32
      %add3A_213 = arith.constant 4 : i32
      %add3A_214 = arith.addi %mul3A_212, %add3A_213 : i32
      %broadcast_in_dim3A_215 = vector.broadcast %add3A_214 : i32 to vector<16xi32>
      tpu.vector_store_idx %arg6[%broadcast_in_dim3A_215, %iota3A], %broadcast_in_dim3A_5 : memref<256x16xi32, #tpu.memory_space<vmem>>[vector<16xi32>, vector<16xi32>], vector<16xi32>,
      %mul3A_216 = arith.constant 8 : i32
      %mul3A_217 = arith.muli %scan3A_189, %mul3A_216 : i32
      %add3A_218 = arith.constant 5 : i32
      %add3A_219 = arith.addi %mul3A_217, %add3A_218 : i32
      %broadcast_in_dim3A_220 = vector.broadcast %add3A_219 : i32 to vector<16xi32>
      tpu.vector_store_idx %arg6[%broadcast_in_dim3A_220, %iota3A], %broadcast_in_dim3A_5 : memref<256x16xi32, #tpu.memory_space<vmem>>[vector<16xi32>, vector<16xi32>], vector<16xi32>,
      %mul3A_221 = arith.constant 8 : i32
      %mul3A_222 = arith.muli %scan3A_189, %mul3A_221 : i32
      %add3A_223 = arith.constant 6 : i32
      %add3A_224 = arith.addi %mul3A_222, %add3A_223 : i32
      %broadcast_in_dim3A_225 = vector.broadcast %add3A_224 : i32 to vector<16xi32>
      tpu.vector_store_idx %arg6[%broadcast_in_dim3A_225, %iota3A], %broadcast_in_dim3A_5 : memref<256x16xi32, #tpu.memory_space<vmem>>[vector<16xi32>, vector<16xi32>], vector<16xi32>,
      %mul3A_226 = arith.constant 8 : i32
      %mul3A_227 = arith.muli %scan3A_189, %mul3A_226 : i32
      %add3A_228 = arith.constant 7 : i32
      %add3A_229 = arith.addi %mul3A_227, %add3A_228 : i32
      %broadcast_in_dim3A_230 = vector.broadcast %add3A_229 : i32 to vector<16xi32>
      tpu.vector_store_idx %arg6[%broadcast_in_dim3A_230, %iota3A], %broadcast_in_dim3A_5 : memref<256x16xi32, #tpu.memory_space<vmem>>[vector<16xi32>, vector<16xi32>], vector<16xi32>,
      %scan3A_231 = arith.constant 0 : i32
      scf.yield %scan3A_231 : i32
    }
    %scan3A_13 = arith.constant 32 : i32
    %scan3A_14 = arith.constant 0 : i32
    %scan3A_15 = arith.constant 0 : i32
    %scan3A_16 = arith.constant 16 : i32
    %scan3A_17 = arith.addi %scan3A_15, %scan3A_16 : i32
    %scan3A_18 = arith.constant 1 : i32
    %scan3A_19 = scf.for %scan3A_189 = %scan3A_15 to %scan3A_17 step %scan3A_18 iter_args(%scan3A_190 = %scan3A_14) -> (i32)  : i32 {
      %broadcast_in_dim3A_191 = vector.broadcast %scan3A_189 : i32 to vector<16xi32>
      tpu.vector_store_idx %arg7[%broadcast_in_dim3A_191, %iota3A], %broadcast_in_dim3A_5 : memref<16x16xi32, #tpu.memory_space<vmem>>[vector<16xi32>, vector<16xi32>], vector<16xi32>,
      %scan3A_192 = arith.constant 0 : i32
      scf.yield %scan3A_192 : i32
    }
    %scan3A_20 = arith.constant 16 : i32
    %scan3A_21 = arith.constant 0 : i32
    %scan3A_22 = arith.constant 0 : i32
    %scan3A_23 = arith.constant 128 : i32
    %scan3A_24 = arith.addi %scan3A_22, %scan3A_23 : i32
    %scan3A_25 = arith.constant 1 : i32
    %scan3A_26 = scf.for %scan3A_189 = %scan3A_22 to %scan3A_24 step %scan3A_25 iter_args(%scan3A_190 = %scan3A_21) -> (i32)  : i32 {
      %mul3A_191 = arith.constant 4 : i32
      %mul3A_192 = arith.muli %scan3A_189, %mul3A_191 : i32
      %add3A_193 = arith.constant 0 : i32
      %add3A_194 = arith.addi %mul3A_192, %add3A_193 : i32
      %broadcast_in_dim3A_195 = vector.broadcast %add3A_194 : i32 to vector<16xi32>
      %gather3A = tpu.vector_load_idx %arg4[%iota3A, %broadcast_in_dim3A_195] : memref<16x512xf32, #tpu.memory_space<vmem>>[vector<16xi32>, vector<16xi32>], vector<16xf32>,
      %add3A_196 = arith.constant 0.000000e+00 : f32
      %add3A_197 = vector.broadcast %add3A_196 : f32 to vector<16xf32>
      %add3A_198 = arith.addf %gather3A, %add3A_197 : vector<16xf32>
      %bitcast3A = vector.bitcast %add3A_198 : vector<16xf32> to vector<16xi32>
      %ge3A = arith.constant 0 : i32
      %ge3A_199 = vector.broadcast %ge3A : i32 to vector<16xi32>
      %ge3A_200 = arith.cmpi sge, %bitcast3A, %ge3A_199 : vector<16xi32>
      %xor3A = arith.constant 2147483647 : i32
      %xor3A_201 = vector.broadcast %xor3A : i32 to vector<16xi32>
      %xor3A_202 = arith.xori %bitcast3A, %xor3A_201 : vector<16xi32>
      %select_n3A = arith.select %ge3A_200, %bitcast3A, %xor3A_202 : vector<16xi1>, vector<16xi32>
      %broadcast_in_dim3A_203 = vector.broadcast %add3A_194 : i32 to vector<16xi32>
      tpu.vector_store_idx %arg5[%broadcast_in_dim3A_203, %iota3A], %select_n3A : memref<512x16xi32, #tpu.memory_space<vmem>>[vector<16xi32>, vector<16xi32>], vector<16xi32>,
      %shift_right_arithmetic3A = arith.constant 24 : i32
      %shift_right_arithmetic3A_204 = vector.broadcast %shift_right_arithmetic3A : i32 to vector<16xi32>
      %shift_right_arithmetic3A_205 = arith.shrsi %select_n3A, %shift_right_arithmetic3A_204 : vector<16xi32>
      %add3A_206 = arith.constant 128 : i32
      %add3A_207 = vector.broadcast %add3A_206 : i32 to vector<16xi32>
      %add3A_208 = arith.addi %shift_right_arithmetic3A_205, %add3A_207 : vector<16xi32>
      tpu.vector_store_idx %arg6[%add3A_208, %iota3A], %broadcast_in_dim3A_3 {add = true} : memref<256x16xi32, #tpu.memory_space<vmem>>[vector<16xi32>, vector<16xi32>], vector<16xi32>,
      %shift_right_arithmetic3A_209 = arith.constant 4 : i32
      %shift_right_arithmetic3A_210 = vector.broadcast %shift_right_arithmetic3A_209 : i32 to vector<16xi32>
      %shift_right_arithmetic3A_211 = arith.shrsi %add3A_208, %shift_right_arithmetic3A_210 : vector<16xi32>
      tpu.vector_store_idx %arg7[%shift_right_arithmetic3A_211, %iota3A], %broadcast_in_dim3A_3 {add = true} : memref<16x16xi32, #tpu.memory_space<vmem>>[vector<16xi32>, vector<16xi32>], vector<16xi32>,
      %mul3A_212 = arith.constant 4 : i32
      %mul3A_213 = arith.muli %scan3A_189, %mul3A_212 : i32
      %add3A_214 = arith.constant 1 : i32
      %add3A_215 = arith.addi %mul3A_213, %add3A_214 : i32
      %broadcast_in_dim3A_216 = vector.broadcast %add3A_215 : i32 to vector<16xi32>
      %gather3A_217 = tpu.vector_load_idx %arg4[%iota3A, %broadcast_in_dim3A_216] : memref<16x512xf32, #tpu.memory_space<vmem>>[vector<16xi32>, vector<16xi32>], vector<16xf32>,
      %add3A_218 = arith.constant 0.000000e+00 : f32
      %add3A_219 = vector.broadcast %add3A_218 : f32 to vector<16xf32>
      %add3A_220 = arith.addf %gather3A_217, %add3A_219 : vector<16xf32>
      %bitcast3A_221 = vector.bitcast %add3A_220 : vector<16xf32> to vector<16xi32>
      %ge3A_222 = arith.constant 0 : i32
      %ge3A_223 = vector.broadcast %ge3A_222 : i32 to vector<16xi32>
      %ge3A_224 = arith.cmpi sge, %bitcast3A_221, %ge3A_223 : vector<16xi32>
      %xor3A_225 = arith.constant 2147483647 : i32
      %xor3A_226 = vector.broadcast %xor3A_225 : i32 to vector<16xi32>
      %xor3A_227 = arith.xori %bitcast3A_221, %xor3A_226 : vector<16xi32>
      %select_n3A_228 = arith.select %ge3A_224, %bitcast3A_221, %xor3A_227 : vector<16xi1>, vector<16xi32>
      %broadcast_in_dim3A_229 = vector.broadcast %add3A_215 : i32 to vector<16xi32>
      tpu.vector_store_idx %arg5[%broadcast_in_dim3A_229, %iota3A], %select_n3A_228 : memref<512x16xi32, #tpu.memory_space<vmem>>[vector<16xi32>, vector<16xi32>], vector<16xi32>,
      %shift_right_arithmetic3A_230 = arith.constant 24 : i32
      %shift_right_arithmetic3A_231 = vector.broadcast %shift_right_arithmetic3A_230 : i32 to vector<16xi32>
      %shift_right_arithmetic3A_232 = arith.shrsi %select_n3A_228, %shift_right_arithmetic3A_231 : vector<16xi32>
      %add3A_233 = arith.constant 128 : i32
      %add3A_234 = vector.broadcast %add3A_233 : i32 to vector<16xi32>
      %add3A_235 = arith.addi %shift_right_arithmetic3A_232, %add3A_234 : vector<16xi32>
      tpu.vector_store_idx %arg6[%add3A_235, %iota3A], %broadcast_in_dim3A_3 {add = true} : memref<256x16xi32, #tpu.memory_space<vmem>>[vector<16xi32>, vector<16xi32>], vector<16xi32>,
      %shift_right_arithmetic3A_236 = arith.constant 4 : i32
      %shift_right_arithmetic3A_237 = vector.broadcast %shift_right_arithmetic3A_236 : i32 to vector<16xi32>
      %shift_right_arithmetic3A_238 = arith.shrsi %add3A_235, %shift_right_arithmetic3A_237 : vector<16xi32>
      tpu.vector_store_idx %arg7[%shift_right_arithmetic3A_238, %iota3A], %broadcast_in_dim3A_3 {add = true} : memref<16x16xi32, #tpu.memory_space<vmem>>[vector<16xi32>, vector<16xi32>], vector<16xi32>,
      %mul3A_239 = arith.constant 4 : i32
      %mul3A_240 = arith.muli %scan3A_189, %mul3A_239 : i32
      %add3A_241 = arith.constant 2 : i32
      %add3A_242 = arith.addi %mul3A_240, %add3A_241 : i32
      %broadcast_in_dim3A_243 = vector.broadcast %add3A_242 : i32 to vector<16xi32>
      %gather3A_244 = tpu.vector_load_idx %arg4[%iota3A, %broadcast_in_dim3A_243] : memref<16x512xf32, #tpu.memory_space<vmem>>[vector<16xi32>, vector<16xi32>], vector<16xf32>,
      %add3A_245 = arith.constant 0.000000e+00 : f32
      %add3A_246 = vector.broadcast %add3A_245 : f32 to vector<16xf32>
      %add3A_247 = arith.addf %gather3A_244, %add3A_246 : vector<16xf32>
      %bitcast3A_248 = vector.bitcast %add3A_247 : vector<16xf32> to vector<16xi32>
      %ge3A_249 = arith.constant 0 : i32
      %ge3A_250 = vector.broadcast %ge3A_249 : i32 to vector<16xi32>
      %ge3A_251 = arith.cmpi sge, %bitcast3A_248, %ge3A_250 : vector<16xi32>
      %xor3A_252 = arith.constant 2147483647 : i32
      %xor3A_253 = vector.broadcast %xor3A_252 : i32 to vector<16xi32>
      %xor3A_254 = arith.xori %bitcast3A_248, %xor3A_253 : vector<16xi32>
      %select_n3A_255 = arith.select %ge3A_251, %bitcast3A_248, %xor3A_254 : vector<16xi1>, vector<16xi32>
      %broadcast_in_dim3A_256 = vector.broadcast %add3A_242 : i32 to vector<16xi32>
      tpu.vector_store_idx %arg5[%broadcast_in_dim3A_256, %iota3A], %select_n3A_255 : memref<512x16xi32, #tpu.memory_space<vmem>>[vector<16xi32>, vector<16xi32>], vector<16xi32>,
      %shift_right_arithmetic3A_257 = arith.constant 24 : i32
      %shift_right_arithmetic3A_258 = vector.broadcast %shift_right_arithmetic3A_257 : i32 to vector<16xi32>
      %shift_right_arithmetic3A_259 = arith.shrsi %select_n3A_255, %shift_right_arithmetic3A_258 : vector<16xi32>
      %add3A_260 = arith.constant 128 : i32
      %add3A_261 = vector.broadcast %add3A_260 : i32 to vector<16xi32>
      %add3A_262 = arith.addi %shift_right_arithmetic3A_259, %add3A_261 : vector<16xi32>
      tpu.vector_store_idx %arg6[%add3A_262, %iota3A], %broadcast_in_dim3A_3 {add = true} : memref<256x16xi32, #tpu.memory_space<vmem>>[vector<16xi32>, vector<16xi32>], vector<16xi32>,
      %shift_right_arithmetic3A_263 = arith.constant 4 : i32
      %shift_right_arithmetic3A_264 = vector.broadcast %shift_right_arithmetic3A_263 : i32 to vector<16xi32>
      %shift_right_arithmetic3A_265 = arith.shrsi %add3A_262, %shift_right_arithmetic3A_264 : vector<16xi32>
      tpu.vector_store_idx %arg7[%shift_right_arithmetic3A_265, %iota3A], %broadcast_in_dim3A_3 {add = true} : memref<16x16xi32, #tpu.memory_space<vmem>>[vector<16xi32>, vector<16xi32>], vector<16xi32>,
      %mul3A_266 = arith.constant 4 : i32
      %mul3A_267 = arith.muli %scan3A_189, %mul3A_266 : i32
      %add3A_268 = arith.constant 3 : i32
      %add3A_269 = arith.addi %mul3A_267, %add3A_268 : i32
      %broadcast_in_dim3A_270 = vector.broadcast %add3A_269 : i32 to vector<16xi32>
      %gather3A_271 = tpu.vector_load_idx %arg4[%iota3A, %broadcast_in_dim3A_270] : memref<16x512xf32, #tpu.memory_space<vmem>>[vector<16xi32>, vector<16xi32>], vector<16xf32>,
      %add3A_272 = arith.constant 0.000000e+00 : f32
      %add3A_273 = vector.broadcast %add3A_272 : f32 to vector<16xf32>
      %add3A_274 = arith.addf %gather3A_271, %add3A_273 : vector<16xf32>
      %bitcast3A_275 = vector.bitcast %add3A_274 : vector<16xf32> to vector<16xi32>
      %ge3A_276 = arith.constant 0 : i32
      %ge3A_277 = vector.broadcast %ge3A_276 : i32 to vector<16xi32>
      %ge3A_278 = arith.cmpi sge, %bitcast3A_275, %ge3A_277 : vector<16xi32>
      %xor3A_279 = arith.constant 2147483647 : i32
      %xor3A_280 = vector.broadcast %xor3A_279 : i32 to vector<16xi32>
      %xor3A_281 = arith.xori %bitcast3A_275, %xor3A_280 : vector<16xi32>
      %select_n3A_282 = arith.select %ge3A_278, %bitcast3A_275, %xor3A_281 : vector<16xi1>, vector<16xi32>
      %broadcast_in_dim3A_283 = vector.broadcast %add3A_269 : i32 to vector<16xi32>
      tpu.vector_store_idx %arg5[%broadcast_in_dim3A_283, %iota3A], %select_n3A_282 : memref<512x16xi32, #tpu.memory_space<vmem>>[vector<16xi32>, vector<16xi32>], vector<16xi32>,
      %shift_right_arithmetic3A_284 = arith.constant 24 : i32
      %shift_right_arithmetic3A_285 = vector.broadcast %shift_right_arithmetic3A_284 : i32 to vector<16xi32>
      %shift_right_arithmetic3A_286 = arith.shrsi %select_n3A_282, %shift_right_arithmetic3A_285 : vector<16xi32>
      %add3A_287 = arith.constant 128 : i32
      %add3A_288 = vector.broadcast %add3A_287 : i32 to vector<16xi32>
      %add3A_289 = arith.addi %shift_right_arithmetic3A_286, %add3A_288 : vector<16xi32>
      tpu.vector_store_idx %arg6[%add3A_289, %iota3A], %broadcast_in_dim3A_3 {add = true} : memref<256x16xi32, #tpu.memory_space<vmem>>[vector<16xi32>, vector<16xi32>], vector<16xi32>,
      %shift_right_arithmetic3A_290 = arith.constant 4 : i32
      %shift_right_arithmetic3A_291 = vector.broadcast %shift_right_arithmetic3A_290 : i32 to vector<16xi32>
      %shift_right_arithmetic3A_292 = arith.shrsi %add3A_289, %shift_right_arithmetic3A_291 : vector<16xi32>
      tpu.vector_store_idx %arg7[%shift_right_arithmetic3A_292, %iota3A], %broadcast_in_dim3A_3 {add = true} : memref<16x16xi32, #tpu.memory_space<vmem>>[vector<16xi32>, vector<16xi32>], vector<16xi32>,
      %scan3A_293 = arith.constant 0 : i32
      scf.yield %scan3A_293 : i32
    }
    %scan3A_27 = arith.constant 128 : i32
    %scan3A_28 = arith.constant 0 : i32
    %scan3A_29 = arith.constant 16 : i32
    %scan3A_30 = arith.addi %scan3A_28, %scan3A_29 : i32
    %scan3A_31 = arith.constant 1 : i32
    %scan3A_32:4 = scf.for %scan3A_189 = %scan3A_28 to %scan3A_30 step %scan3A_31 iter_args(%scan3A_190 = %broadcast_in_dim3A_5, %scan3A_191 = %broadcast_in_dim3A_5, %scan3A_192 = %broadcast_in_dim3A_5, %scan3A_193 = %broadcast_in_dim3A_5) -> (vector<16xi32>, vector<16xi32>, vector<16xi32>, vector<16xi32>)  : i32 {
      %sub3A_194 = arith.constant 15 : i32
      %sub3A_195 = arith.subi %sub3A_194, %scan3A_189 : i32
      %broadcast_in_dim3A_196 = vector.broadcast %sub3A_195 : i32 to vector<16xi32>
      %gather3A = tpu.vector_load_idx %arg7[%broadcast_in_dim3A_196, %iota3A] : memref<16x16xi32, #tpu.memory_space<vmem>>[vector<16xi32>, vector<16xi32>], vector<16xi32>,
      %eq3A = arith.constant 0 : i32
      %eq3A_197 = vector.broadcast %eq3A : i32 to vector<16xi32>
      %eq3A_198 = arith.cmpi eq, %scan3A_193, %eq3A_197 : vector<16xi32>
      %add3A_199 = arith.addi %scan3A_190, %gather3A : vector<16xi32>
      %ge3A = arith.cmpi sge, %add3A_199, %broadcast_in_dim3A_7 : vector<16xi32>
      %and3A = arith.andi %eq3A_198, %ge3A : vector<16xi1>
      %select_n3A = arith.select %and3A, %broadcast_in_dim3A_196, %scan3A_191 : vector<16xi1>, vector<16xi32>
      %select_n3A_200 = arith.select %and3A, %scan3A_190, %scan3A_192 : vector<16xi1>, vector<16xi32>
      %select_n3A_201 = arith.select %and3A, %broadcast_in_dim3A_3, %scan3A_193 : vector<16xi1>, vector<16xi32>
      %add3A_202 = arith.addi %scan3A_190, %gather3A : vector<16xi32>
      scf.yield %add3A_202, %select_n3A, %select_n3A_200, %select_n3A_201 : vector<16xi32>, vector<16xi32>, vector<16xi32>, vector<16xi32>
    }
    %scan3A_33 = arith.constant 16 : i32
    %sub3A = arith.subi %broadcast_in_dim3A_7, %scan3A_32#2 : vector<16xi32>
    %scan3A_34 = arith.constant 0 : i32
    %scan3A_35 = arith.constant 16 : i32
    %scan3A_36 = arith.addi %scan3A_34, %scan3A_35 : i32
    %scan3A_37 = arith.constant 1 : i32
    %scan3A_38:4 = scf.for %scan3A_189 = %scan3A_34 to %scan3A_36 step %scan3A_37 iter_args(%scan3A_190 = %broadcast_in_dim3A_5, %scan3A_191 = %broadcast_in_dim3A_5, %scan3A_192 = %broadcast_in_dim3A_5, %scan3A_193 = %broadcast_in_dim3A_5) -> (vector<16xi32>, vector<16xi32>, vector<16xi32>, vector<16xi32>)  : i32 {
      %sub3A_194 = arith.constant 15 : i32
      %sub3A_195 = arith.subi %sub3A_194, %scan3A_189 : i32
      %broadcast_in_dim3A_196 = vector.broadcast %sub3A_195 : i32 to vector<16xi32>
      %mul3A_197 = arith.constant 16 : i32
      %mul3A_198 = vector.broadcast %mul3A_197 : i32 to vector<16xi32>
      %mul3A_199 = arith.muli %scan3A_32#1, %mul3A_198 : vector<16xi32>
      %add3A_200 = arith.addi %mul3A_199, %broadcast_in_dim3A_196 : vector<16xi32>
      %gather3A = tpu.vector_load_idx %arg6[%add3A_200, %iota3A] : memref<256x16xi32, #tpu.memory_space<vmem>>[vector<16xi32>, vector<16xi32>], vector<16xi32>,
      %eq3A = arith.constant 0 : i32
      %eq3A_201 = vector.broadcast %eq3A : i32 to vector<16xi32>
      %eq3A_202 = arith.cmpi eq, %scan3A_193, %eq3A_201 : vector<16xi32>
      %add3A_203 = arith.addi %scan3A_190, %gather3A : vector<16xi32>
      %ge3A = arith.cmpi sge, %add3A_203, %sub3A : vector<16xi32>
      %and3A = arith.andi %eq3A_202, %ge3A : vector<16xi1>
      %select_n3A = arith.select %and3A, %broadcast_in_dim3A_196, %scan3A_191 : vector<16xi1>, vector<16xi32>
      %select_n3A_204 = arith.select %and3A, %scan3A_190, %scan3A_192 : vector<16xi1>, vector<16xi32>
      %select_n3A_205 = arith.select %and3A, %broadcast_in_dim3A_3, %scan3A_193 : vector<16xi1>, vector<16xi32>
      %add3A_206 = arith.addi %scan3A_190, %gather3A : vector<16xi32>
      scf.yield %add3A_206, %select_n3A, %select_n3A_204, %select_n3A_205 : vector<16xi32>, vector<16xi32>, vector<16xi32>, vector<16xi32>
    }
    %scan3A_39 = arith.constant 16 : i32
    %mul3A_40 = arith.constant 16 : i32
    %mul3A_41 = vector.broadcast %mul3A_40 : i32 to vector<16xi32>
    %mul3A_42 = arith.muli %scan3A_32#1, %mul3A_41 : vector<16xi32>
    %add3A_43 = arith.addi %mul3A_42, %scan3A_38#1 : vector<16xi32>
    %add3A_44 = arith.addi %scan3A_32#2, %scan3A_38#2 : vector<16xi32>
    %sub3A_45 = arith.constant 128 : i32
    %sub3A_46 = vector.broadcast %sub3A_45 : i32 to vector<16xi32>
    %sub3A_47 = arith.subi %add3A_43, %sub3A_46 : vector<16xi32>
    %scan3A_48 = arith.constant 0 : i32
    %scan3A_49 = arith.constant 0 : i32
    %scan3A_50 = arith.constant 32 : i32
    %scan3A_51 = arith.addi %scan3A_49, %scan3A_50 : i32
    %scan3A_52 = arith.constant 1 : i32
    %scan3A_53 = scf.for %scan3A_189 = %scan3A_49 to %scan3A_51 step %scan3A_52 iter_args(%scan3A_190 = %scan3A_48) -> (i32)  : i32 {
      %mul3A_191 = arith.constant 8 : i32
      %mul3A_192 = arith.muli %scan3A_189, %mul3A_191 : i32
      %add3A_193 = arith.constant 0 : i32
      %add3A_194 = arith.addi %mul3A_192, %add3A_193 : i32
      %broadcast_in_dim3A_195 = vector.broadcast %add3A_194 : i32 to vector<16xi32>
      tpu.vector_store_idx %arg6[%broadcast_in_dim3A_195, %iota3A], %broadcast_in_dim3A_5 : memref<256x16xi32, #tpu.memory_space<vmem>>[vector<16xi32>, vector<16xi32>], vector<16xi32>,
      %mul3A_196 = arith.constant 8 : i32
      %mul3A_197 = arith.muli %scan3A_189, %mul3A_196 : i32
      %add3A_198 = arith.constant 1 : i32
      %add3A_199 = arith.addi %mul3A_197, %add3A_198 : i32
      %broadcast_in_dim3A_200 = vector.broadcast %add3A_199 : i32 to vector<16xi32>
      tpu.vector_store_idx %arg6[%broadcast_in_dim3A_200, %iota3A], %broadcast_in_dim3A_5 : memref<256x16xi32, #tpu.memory_space<vmem>>[vector<16xi32>, vector<16xi32>], vector<16xi32>,
      %mul3A_201 = arith.constant 8 : i32
      %mul3A_202 = arith.muli %scan3A_189, %mul3A_201 : i32
      %add3A_203 = arith.constant 2 : i32
      %add3A_204 = arith.addi %mul3A_202, %add3A_203 : i32
      %broadcast_in_dim3A_205 = vector.broadcast %add3A_204 : i32 to vector<16xi32>
      tpu.vector_store_idx %arg6[%broadcast_in_dim3A_205, %iota3A], %broadcast_in_dim3A_5 : memref<256x16xi32, #tpu.memory_space<vmem>>[vector<16xi32>, vector<16xi32>], vector<16xi32>,
      %mul3A_206 = arith.constant 8 : i32
      %mul3A_207 = arith.muli %scan3A_189, %mul3A_206 : i32
      %add3A_208 = arith.constant 3 : i32
      %add3A_209 = arith.addi %mul3A_207, %add3A_208 : i32
      %broadcast_in_dim3A_210 = vector.broadcast %add3A_209 : i32 to vector<16xi32>
      tpu.vector_store_idx %arg6[%broadcast_in_dim3A_210, %iota3A], %broadcast_in_dim3A_5 : memref<256x16xi32, #tpu.memory_space<vmem>>[vector<16xi32>, vector<16xi32>], vector<16xi32>,
      %mul3A_211 = arith.constant 8 : i32
      %mul3A_212 = arith.muli %scan3A_189, %mul3A_211 : i32
      %add3A_213 = arith.constant 4 : i32
      %add3A_214 = arith.addi %mul3A_212, %add3A_213 : i32
      %broadcast_in_dim3A_215 = vector.broadcast %add3A_214 : i32 to vector<16xi32>
      tpu.vector_store_idx %arg6[%broadcast_in_dim3A_215, %iota3A], %broadcast_in_dim3A_5 : memref<256x16xi32, #tpu.memory_space<vmem>>[vector<16xi32>, vector<16xi32>], vector<16xi32>,
      %mul3A_216 = arith.constant 8 : i32
      %mul3A_217 = arith.muli %scan3A_189, %mul3A_216 : i32
      %add3A_218 = arith.constant 5 : i32
      %add3A_219 = arith.addi %mul3A_217, %add3A_218 : i32
      %broadcast_in_dim3A_220 = vector.broadcast %add3A_219 : i32 to vector<16xi32>
      tpu.vector_store_idx %arg6[%broadcast_in_dim3A_220, %iota3A], %broadcast_in_dim3A_5 : memref<256x16xi32, #tpu.memory_space<vmem>>[vector<16xi32>, vector<16xi32>], vector<16xi32>,
      %mul3A_221 = arith.constant 8 : i32
      %mul3A_222 = arith.muli %scan3A_189, %mul3A_221 : i32
      %add3A_223 = arith.constant 6 : i32
      %add3A_224 = arith.addi %mul3A_222, %add3A_223 : i32
      %broadcast_in_dim3A_225 = vector.broadcast %add3A_224 : i32 to vector<16xi32>
      tpu.vector_store_idx %arg6[%broadcast_in_dim3A_225, %iota3A], %broadcast_in_dim3A_5 : memref<256x16xi32, #tpu.memory_space<vmem>>[vector<16xi32>, vector<16xi32>], vector<16xi32>,
      %mul3A_226 = arith.constant 8 : i32
      %mul3A_227 = arith.muli %scan3A_189, %mul3A_226 : i32
      %add3A_228 = arith.constant 7 : i32
      %add3A_229 = arith.addi %mul3A_227, %add3A_228 : i32
      %broadcast_in_dim3A_230 = vector.broadcast %add3A_229 : i32 to vector<16xi32>
      tpu.vector_store_idx %arg6[%broadcast_in_dim3A_230, %iota3A], %broadcast_in_dim3A_5 : memref<256x16xi32, #tpu.memory_space<vmem>>[vector<16xi32>, vector<16xi32>], vector<16xi32>,
      %scan3A_231 = arith.constant 0 : i32
      scf.yield %scan3A_231 : i32
    }
    %scan3A_54 = arith.constant 32 : i32
    %scan3A_55 = arith.constant 0 : i32
    %scan3A_56 = arith.constant 0 : i32
    %scan3A_57 = arith.constant 16 : i32
    %scan3A_58 = arith.addi %scan3A_56, %scan3A_57 : i32
    %scan3A_59 = arith.constant 1 : i32
    %scan3A_60 = scf.for %scan3A_189 = %scan3A_56 to %scan3A_58 step %scan3A_59 iter_args(%scan3A_190 = %scan3A_55) -> (i32)  : i32 {
      %broadcast_in_dim3A_191 = vector.broadcast %scan3A_189 : i32 to vector<16xi32>
      tpu.vector_store_idx %arg7[%broadcast_in_dim3A_191, %iota3A], %broadcast_in_dim3A_5 : memref<16x16xi32, #tpu.memory_space<vmem>>[vector<16xi32>, vector<16xi32>], vector<16xi32>,
      %scan3A_192 = arith.constant 0 : i32
      scf.yield %scan3A_192 : i32
    }
    %scan3A_61 = arith.constant 16 : i32
    %scan3A_62 = arith.constant 0 : i32
    %scan3A_63 = arith.constant 0 : i32
    %scan3A_64 = arith.constant 128 : i32
    %scan3A_65 = arith.addi %scan3A_63, %scan3A_64 : i32
    %scan3A_66 = arith.constant 1 : i32
    %scan3A_67 = scf.for %scan3A_189 = %scan3A_63 to %scan3A_65 step %scan3A_66 iter_args(%scan3A_190 = %scan3A_62) -> (i32)  : i32 {
      %mul3A_191 = arith.constant 4 : i32
      %mul3A_192 = arith.muli %scan3A_189, %mul3A_191 : i32
      %add3A_193 = arith.constant 0 : i32
      %add3A_194 = arith.addi %mul3A_192, %add3A_193 : i32
      %broadcast_in_dim3A_195 = vector.broadcast %add3A_194 : i32 to vector<16xi32>
      %gather3A = tpu.vector_load_idx %arg5[%broadcast_in_dim3A_195, %iota3A] : memref<512x16xi32, #tpu.memory_space<vmem>>[vector<16xi32>, vector<16xi32>], vector<16xi32>,
      %shift_right_arithmetic3A = arith.constant 24 : i32
      %shift_right_arithmetic3A_196 = vector.broadcast %shift_right_arithmetic3A : i32 to vector<16xi32>
      %shift_right_arithmetic3A_197 = arith.shrsi %gather3A, %shift_right_arithmetic3A_196 : vector<16xi32>
      %eq3A = arith.cmpi eq, %shift_right_arithmetic3A_197, %sub3A_47 : vector<16xi32>
      %shift_right_arithmetic3A_198 = arith.constant 16 : i32
      %shift_right_arithmetic3A_199 = vector.broadcast %shift_right_arithmetic3A_198 : i32 to vector<16xi32>
      %shift_right_arithmetic3A_200 = arith.shrsi %gather3A, %shift_right_arithmetic3A_199 : vector<16xi32>
      %and3A = arith.constant 255 : i32
      %and3A_201 = vector.broadcast %and3A : i32 to vector<16xi32>
      %and3A_202 = arith.andi %shift_right_arithmetic3A_200, %and3A_201 : vector<16xi32>
      tpu.vector_store_idx %arg6[%and3A_202, %iota3A], %broadcast_in_dim3A_3 masked %eq3A {add = true} : memref<256x16xi32, #tpu.memory_space<vmem>>[vector<16xi32>, vector<16xi32>], vector<16xi32>, vector<16xi1>
      %shift_right_arithmetic3A_203 = arith.constant 4 : i32
      %shift_right_arithmetic3A_204 = vector.broadcast %shift_right_arithmetic3A_203 : i32 to vector<16xi32>
      %shift_right_arithmetic3A_205 = arith.shrsi %and3A_202, %shift_right_arithmetic3A_204 : vector<16xi32>
      tpu.vector_store_idx %arg7[%shift_right_arithmetic3A_205, %iota3A], %broadcast_in_dim3A_3 masked %eq3A {add = true} : memref<16x16xi32, #tpu.memory_space<vmem>>[vector<16xi32>, vector<16xi32>], vector<16xi32>, vector<16xi1>
      %mul3A_206 = arith.constant 4 : i32
      %mul3A_207 = arith.muli %scan3A_189, %mul3A_206 : i32
      %add3A_208 = arith.constant 1 : i32
      %add3A_209 = arith.addi %mul3A_207, %add3A_208 : i32
      %broadcast_in_dim3A_210 = vector.broadcast %add3A_209 : i32 to vector<16xi32>
      %gather3A_211 = tpu.vector_load_idx %arg5[%broadcast_in_dim3A_210, %iota3A] : memref<512x16xi32, #tpu.memory_space<vmem>>[vector<16xi32>, vector<16xi32>], vector<16xi32>,
      %shift_right_arithmetic3A_212 = arith.constant 24 : i32
      %shift_right_arithmetic3A_213 = vector.broadcast %shift_right_arithmetic3A_212 : i32 to vector<16xi32>
      %shift_right_arithmetic3A_214 = arith.shrsi %gather3A_211, %shift_right_arithmetic3A_213 : vector<16xi32>
      %eq3A_215 = arith.cmpi eq, %shift_right_arithmetic3A_214, %sub3A_47 : vector<16xi32>
      %shift_right_arithmetic3A_216 = arith.constant 16 : i32
      %shift_right_arithmetic3A_217 = vector.broadcast %shift_right_arithmetic3A_216 : i32 to vector<16xi32>
      %shift_right_arithmetic3A_218 = arith.shrsi %gather3A_211, %shift_right_arithmetic3A_217 : vector<16xi32>
      %and3A_219 = arith.constant 255 : i32
      %and3A_220 = vector.broadcast %and3A_219 : i32 to vector<16xi32>
      %and3A_221 = arith.andi %shift_right_arithmetic3A_218, %and3A_220 : vector<16xi32>
      tpu.vector_store_idx %arg6[%and3A_221, %iota3A], %broadcast_in_dim3A_3 masked %eq3A_215 {add = true} : memref<256x16xi32, #tpu.memory_space<vmem>>[vector<16xi32>, vector<16xi32>], vector<16xi32>, vector<16xi1>
      %shift_right_arithmetic3A_222 = arith.constant 4 : i32
      %shift_right_arithmetic3A_223 = vector.broadcast %shift_right_arithmetic3A_222 : i32 to vector<16xi32>
      %shift_right_arithmetic3A_224 = arith.shrsi %and3A_221, %shift_right_arithmetic3A_223 : vector<16xi32>
      tpu.vector_store_idx %arg7[%shift_right_arithmetic3A_224, %iota3A], %broadcast_in_dim3A_3 masked %eq3A_215 {add = true} : memref<16x16xi32, #tpu.memory_space<vmem>>[vector<16xi32>, vector<16xi32>], vector<16xi32>, vector<16xi1>
      %mul3A_225 = arith.constant 4 : i32
      %mul3A_226 = arith.muli %scan3A_189, %mul3A_225 : i32
      %add3A_227 = arith.constant 2 : i32
      %add3A_228 = arith.addi %mul3A_226, %add3A_227 : i32
      %broadcast_in_dim3A_229 = vector.broadcast %add3A_228 : i32 to vector<16xi32>
      %gather3A_230 = tpu.vector_load_idx %arg5[%broadcast_in_dim3A_229, %iota3A] : memref<512x16xi32, #tpu.memory_space<vmem>>[vector<16xi32>, vector<16xi32>], vector<16xi32>,
      %shift_right_arithmetic3A_231 = arith.constant 24 : i32
      %shift_right_arithmetic3A_232 = vector.broadcast %shift_right_arithmetic3A_231 : i32 to vector<16xi32>
      %shift_right_arithmetic3A_233 = arith.shrsi %gather3A_230, %shift_right_arithmetic3A_232 : vector<16xi32>
      %eq3A_234 = arith.cmpi eq, %shift_right_arithmetic3A_233, %sub3A_47 : vector<16xi32>
      %shift_right_arithmetic3A_235 = arith.constant 16 : i32
      %shift_right_arithmetic3A_236 = vector.broadcast %shift_right_arithmetic3A_235 : i32 to vector<16xi32>
      %shift_right_arithmetic3A_237 = arith.shrsi %gather3A_230, %shift_right_arithmetic3A_236 : vector<16xi32>
      %and3A_238 = arith.constant 255 : i32
      %and3A_239 = vector.broadcast %and3A_238 : i32 to vector<16xi32>
      %and3A_240 = arith.andi %shift_right_arithmetic3A_237, %and3A_239 : vector<16xi32>
      tpu.vector_store_idx %arg6[%and3A_240, %iota3A], %broadcast_in_dim3A_3 masked %eq3A_234 {add = true} : memref<256x16xi32, #tpu.memory_space<vmem>>[vector<16xi32>, vector<16xi32>], vector<16xi32>, vector<16xi1>
      %shift_right_arithmetic3A_241 = arith.constant 4 : i32
      %shift_right_arithmetic3A_242 = vector.broadcast %shift_right_arithmetic3A_241 : i32 to vector<16xi32>
      %shift_right_arithmetic3A_243 = arith.shrsi %and3A_240, %shift_right_arithmetic3A_242 : vector<16xi32>
      tpu.vector_store_idx %arg7[%shift_right_arithmetic3A_243, %iota3A], %broadcast_in_dim3A_3 masked %eq3A_234 {add = true} : memref<16x16xi32, #tpu.memory_space<vmem>>[vector<16xi32>, vector<16xi32>], vector<16xi32>, vector<16xi1>
      %mul3A_244 = arith.constant 4 : i32
      %mul3A_245 = arith.muli %scan3A_189, %mul3A_244 : i32
      %add3A_246 = arith.constant 3 : i32
      %add3A_247 = arith.addi %mul3A_245, %add3A_246 : i32
      %broadcast_in_dim3A_248 = vector.broadcast %add3A_247 : i32 to vector<16xi32>
      %gather3A_249 = tpu.vector_load_idx %arg5[%broadcast_in_dim3A_248, %iota3A] : memref<512x16xi32, #tpu.memory_space<vmem>>[vector<16xi32>, vector<16xi32>], vector<16xi32>,
      %shift_right_arithmetic3A_250 = arith.constant 24 : i32
      %shift_right_arithmetic3A_251 = vector.broadcast %shift_right_arithmetic3A_250 : i32 to vector<16xi32>
      %shift_right_arithmetic3A_252 = arith.shrsi %gather3A_249, %shift_right_arithmetic3A_251 : vector<16xi32>
      %eq3A_253 = arith.cmpi eq, %shift_right_arithmetic3A_252, %sub3A_47 : vector<16xi32>
      %shift_right_arithmetic3A_254 = arith.constant 16 : i32
      %shift_right_arithmetic3A_255 = vector.broadcast %shift_right_arithmetic3A_254 : i32 to vector<16xi32>
      %shift_right_arithmetic3A_256 = arith.shrsi %gather3A_249, %shift_right_arithmetic3A_255 : vector<16xi32>
      %and3A_257 = arith.constant 255 : i32
      %and3A_258 = vector.broadcast %and3A_257 : i32 to vector<16xi32>
      %and3A_259 = arith.andi %shift_right_arithmetic3A_256, %and3A_258 : vector<16xi32>
      tpu.vector_store_idx %arg6[%and3A_259, %iota3A], %broadcast_in_dim3A_3 masked %eq3A_253 {add = true} : memref<256x16xi32, #tpu.memory_space<vmem>>[vector<16xi32>, vector<16xi32>], vector<16xi32>, vector<16xi1>
      %shift_right_arithmetic3A_260 = arith.constant 4 : i32
      %shift_right_arithmetic3A_261 = vector.broadcast %shift_right_arithmetic3A_260 : i32 to vector<16xi32>
      %shift_right_arithmetic3A_262 = arith.shrsi %and3A_259, %shift_right_arithmetic3A_261 : vector<16xi32>
      tpu.vector_store_idx %arg7[%shift_right_arithmetic3A_262, %iota3A], %broadcast_in_dim3A_3 masked %eq3A_253 {add = true} : memref<16x16xi32, #tpu.memory_space<vmem>>[vector<16xi32>, vector<16xi32>], vector<16xi32>, vector<16xi1>
      %scan3A_263 = arith.constant 0 : i32
      scf.yield %scan3A_263 : i32
    }
    %scan3A_68 = arith.constant 128 : i32
    %sub3A_69 = arith.subi %broadcast_in_dim3A_7, %add3A_44 : vector<16xi32>
    %scan3A_70 = arith.constant 0 : i32
    %scan3A_71 = arith.constant 16 : i32
    %scan3A_72 = arith.addi %scan3A_70, %scan3A_71 : i32
    %scan3A_73 = arith.constant 1 : i32
    %scan3A_74:4 = scf.for %scan3A_189 = %scan3A_70 to %scan3A_72 step %scan3A_73 iter_args(%scan3A_190 = %broadcast_in_dim3A_5, %scan3A_191 = %broadcast_in_dim3A_5, %scan3A_192 = %broadcast_in_dim3A_5, %scan3A_193 = %broadcast_in_dim3A_5) -> (vector<16xi32>, vector<16xi32>, vector<16xi32>, vector<16xi32>)  : i32 {
      %sub3A_194 = arith.constant 15 : i32
      %sub3A_195 = arith.subi %sub3A_194, %scan3A_189 : i32
      %broadcast_in_dim3A_196 = vector.broadcast %sub3A_195 : i32 to vector<16xi32>
      %gather3A = tpu.vector_load_idx %arg7[%broadcast_in_dim3A_196, %iota3A] : memref<16x16xi32, #tpu.memory_space<vmem>>[vector<16xi32>, vector<16xi32>], vector<16xi32>,
      %eq3A = arith.constant 0 : i32
      %eq3A_197 = vector.broadcast %eq3A : i32 to vector<16xi32>
      %eq3A_198 = arith.cmpi eq, %scan3A_193, %eq3A_197 : vector<16xi32>
      %add3A_199 = arith.addi %scan3A_190, %gather3A : vector<16xi32>
      %ge3A = arith.cmpi sge, %add3A_199, %sub3A_69 : vector<16xi32>
      %and3A = arith.andi %eq3A_198, %ge3A : vector<16xi1>
      %select_n3A = arith.select %and3A, %broadcast_in_dim3A_196, %scan3A_191 : vector<16xi1>, vector<16xi32>
      %select_n3A_200 = arith.select %and3A, %scan3A_190, %scan3A_192 : vector<16xi1>, vector<16xi32>
      %select_n3A_201 = arith.select %and3A, %broadcast_in_dim3A_3, %scan3A_193 : vector<16xi1>, vector<16xi32>
      %add3A_202 = arith.addi %scan3A_190, %gather3A : vector<16xi32>
      scf.yield %add3A_202, %select_n3A, %select_n3A_200, %select_n3A_201 : vector<16xi32>, vector<16xi32>, vector<16xi32>, vector<16xi32>
    }
    %scan3A_75 = arith.constant 16 : i32
    %sub3A_76 = arith.subi %sub3A_69, %scan3A_74#2 : vector<16xi32>
    %scan3A_77 = arith.constant 0 : i32
    %scan3A_78 = arith.constant 16 : i32
    %scan3A_79 = arith.addi %scan3A_77, %scan3A_78 : i32
    %scan3A_80 = arith.constant 1 : i32
    %scan3A_81:4 = scf.for %scan3A_189 = %scan3A_77 to %scan3A_79 step %scan3A_80 iter_args(%scan3A_190 = %broadcast_in_dim3A_5, %scan3A_191 = %broadcast_in_dim3A_5, %scan3A_192 = %broadcast_in_dim3A_5, %scan3A_193 = %broadcast_in_dim3A_5) -> (vector<16xi32>, vector<16xi32>, vector<16xi32>, vector<16xi32>)  : i32 {
      %sub3A_194 = arith.constant 15 : i32
      %sub3A_195 = arith.subi %sub3A_194, %scan3A_189 : i32
      %broadcast_in_dim3A_196 = vector.broadcast %sub3A_195 : i32 to vector<16xi32>
      %mul3A_197 = arith.constant 16 : i32
      %mul3A_198 = vector.broadcast %mul3A_197 : i32 to vector<16xi32>
      %mul3A_199 = arith.muli %scan3A_74#1, %mul3A_198 : vector<16xi32>
      %add3A_200 = arith.addi %mul3A_199, %broadcast_in_dim3A_196 : vector<16xi32>
      %gather3A = tpu.vector_load_idx %arg6[%add3A_200, %iota3A] : memref<256x16xi32, #tpu.memory_space<vmem>>[vector<16xi32>, vector<16xi32>], vector<16xi32>,
      %eq3A = arith.constant 0 : i32
      %eq3A_201 = vector.broadcast %eq3A : i32 to vector<16xi32>
      %eq3A_202 = arith.cmpi eq, %scan3A_193, %eq3A_201 : vector<16xi32>
      %add3A_203 = arith.addi %scan3A_190, %gather3A : vector<16xi32>
      %ge3A = arith.cmpi sge, %add3A_203, %sub3A_76 : vector<16xi32>
      %and3A = arith.andi %eq3A_202, %ge3A : vector<16xi1>
      %select_n3A = arith.select %and3A, %broadcast_in_dim3A_196, %scan3A_191 : vector<16xi1>, vector<16xi32>
      %select_n3A_204 = arith.select %and3A, %scan3A_190, %scan3A_192 : vector<16xi1>, vector<16xi32>
      %select_n3A_205 = arith.select %and3A, %broadcast_in_dim3A_3, %scan3A_193 : vector<16xi1>, vector<16xi32>
      %add3A_206 = arith.addi %scan3A_190, %gather3A : vector<16xi32>
      scf.yield %add3A_206, %select_n3A, %select_n3A_204, %select_n3A_205 : vector<16xi32>, vector<16xi32>, vector<16xi32>, vector<16xi32>
    }
    %scan3A_82 = arith.constant 16 : i32
    %mul3A_83 = arith.constant 16 : i32
    %mul3A_84 = vector.broadcast %mul3A_83 : i32 to vector<16xi32>
    %mul3A_85 = arith.muli %scan3A_74#1, %mul3A_84 : vector<16xi32>
    %add3A_86 = arith.addi %mul3A_85, %scan3A_81#1 : vector<16xi32>
    %add3A_87 = arith.addi %scan3A_74#2, %scan3A_81#2 : vector<16xi32>
    %add3A_88 = arith.addi %add3A_44, %add3A_87 : vector<16xi32>
    %shift_left3A = arith.constant 8 : i32
    %shift_left3A_89 = vector.broadcast %shift_left3A : i32 to vector<16xi32>
    %shift_left3A_90 = arith.shli %sub3A_47, %shift_left3A_89 : vector<16xi32>
    %add3A_91 = arith.addi %shift_left3A_90, %add3A_86 : vector<16xi32>
    %scan3A_92 = arith.constant 0 : i32
    %scan3A_93 = arith.constant 0 : i32
    %scan3A_94 = arith.constant 32 : i32
    %scan3A_95 = arith.addi %scan3A_93, %scan3A_94 : i32
    %scan3A_96 = arith.constant 1 : i32
    %scan3A_97 = scf.for %scan3A_189 = %scan3A_93 to %scan3A_95 step %scan3A_96 iter_args(%scan3A_190 = %scan3A_92) -> (i32)  : i32 {
      %mul3A_191 = arith.constant 8 : i32
      %mul3A_192 = arith.muli %scan3A_189, %mul3A_191 : i32
      %add3A_193 = arith.constant 0 : i32
      %add3A_194 = arith.addi %mul3A_192, %add3A_193 : i32
      %broadcast_in_dim3A_195 = vector.broadcast %add3A_194 : i32 to vector<16xi32>
      tpu.vector_store_idx %arg6[%broadcast_in_dim3A_195, %iota3A], %broadcast_in_dim3A_5 : memref<256x16xi32, #tpu.memory_space<vmem>>[vector<16xi32>, vector<16xi32>], vector<16xi32>,
      %mul3A_196 = arith.constant 8 : i32
      %mul3A_197 = arith.muli %scan3A_189, %mul3A_196 : i32
      %add3A_198 = arith.constant 1 : i32
      %add3A_199 = arith.addi %mul3A_197, %add3A_198 : i32
      %broadcast_in_dim3A_200 = vector.broadcast %add3A_199 : i32 to vector<16xi32>
      tpu.vector_store_idx %arg6[%broadcast_in_dim3A_200, %iota3A], %broadcast_in_dim3A_5 : memref<256x16xi32, #tpu.memory_space<vmem>>[vector<16xi32>, vector<16xi32>], vector<16xi32>,
      %mul3A_201 = arith.constant 8 : i32
      %mul3A_202 = arith.muli %scan3A_189, %mul3A_201 : i32
      %add3A_203 = arith.constant 2 : i32
      %add3A_204 = arith.addi %mul3A_202, %add3A_203 : i32
      %broadcast_in_dim3A_205 = vector.broadcast %add3A_204 : i32 to vector<16xi32>
      tpu.vector_store_idx %arg6[%broadcast_in_dim3A_205, %iota3A], %broadcast_in_dim3A_5 : memref<256x16xi32, #tpu.memory_space<vmem>>[vector<16xi32>, vector<16xi32>], vector<16xi32>,
      %mul3A_206 = arith.constant 8 : i32
      %mul3A_207 = arith.muli %scan3A_189, %mul3A_206 : i32
      %add3A_208 = arith.constant 3 : i32
      %add3A_209 = arith.addi %mul3A_207, %add3A_208 : i32
      %broadcast_in_dim3A_210 = vector.broadcast %add3A_209 : i32 to vector<16xi32>
      tpu.vector_store_idx %arg6[%broadcast_in_dim3A_210, %iota3A], %broadcast_in_dim3A_5 : memref<256x16xi32, #tpu.memory_space<vmem>>[vector<16xi32>, vector<16xi32>], vector<16xi32>,
      %mul3A_211 = arith.constant 8 : i32
      %mul3A_212 = arith.muli %scan3A_189, %mul3A_211 : i32
      %add3A_213 = arith.constant 4 : i32
      %add3A_214 = arith.addi %mul3A_212, %add3A_213 : i32
      %broadcast_in_dim3A_215 = vector.broadcast %add3A_214 : i32 to vector<16xi32>
      tpu.vector_store_idx %arg6[%broadcast_in_dim3A_215, %iota3A], %broadcast_in_dim3A_5 : memref<256x16xi32, #tpu.memory_space<vmem>>[vector<16xi32>, vector<16xi32>], vector<16xi32>,
      %mul3A_216 = arith.constant 8 : i32
      %mul3A_217 = arith.muli %scan3A_189, %mul3A_216 : i32
      %add3A_218 = arith.constant 5 : i32
      %add3A_219 = arith.addi %mul3A_217, %add3A_218 : i32
      %broadcast_in_dim3A_220 = vector.broadcast %add3A_219 : i32 to vector<16xi32>
      tpu.vector_store_idx %arg6[%broadcast_in_dim3A_220, %iota3A], %broadcast_in_dim3A_5 : memref<256x16xi32, #tpu.memory_space<vmem>>[vector<16xi32>, vector<16xi32>], vector<16xi32>,
      %mul3A_221 = arith.constant 8 : i32
      %mul3A_222 = arith.muli %scan3A_189, %mul3A_221 : i32
      %add3A_223 = arith.constant 6 : i32
      %add3A_224 = arith.addi %mul3A_222, %add3A_223 : i32
      %broadcast_in_dim3A_225 = vector.broadcast %add3A_224 : i32 to vector<16xi32>
      tpu.vector_store_idx %arg6[%broadcast_in_dim3A_225, %iota3A], %broadcast_in_dim3A_5 : memref<256x16xi32, #tpu.memory_space<vmem>>[vector<16xi32>, vector<16xi32>], vector<16xi32>,
      %mul3A_226 = arith.constant 8 : i32
      %mul3A_227 = arith.muli %scan3A_189, %mul3A_226 : i32
      %add3A_228 = arith.constant 7 : i32
      %add3A_229 = arith.addi %mul3A_227, %add3A_228 : i32
      %broadcast_in_dim3A_230 = vector.broadcast %add3A_229 : i32 to vector<16xi32>
      tpu.vector_store_idx %arg6[%broadcast_in_dim3A_230, %iota3A], %broadcast_in_dim3A_5 : memref<256x16xi32, #tpu.memory_space<vmem>>[vector<16xi32>, vector<16xi32>], vector<16xi32>,
      %scan3A_231 = arith.constant 0 : i32
      scf.yield %scan3A_231 : i32
    }
    %scan3A_98 = arith.constant 32 : i32
    %scan3A_99 = arith.constant 0 : i32
    %scan3A_100 = arith.constant 0 : i32
    %scan3A_101 = arith.constant 16 : i32
    %scan3A_102 = arith.addi %scan3A_100, %scan3A_101 : i32
    %scan3A_103 = arith.constant 1 : i32
    %scan3A_104 = scf.for %scan3A_189 = %scan3A_100 to %scan3A_102 step %scan3A_103 iter_args(%scan3A_190 = %scan3A_99) -> (i32)  : i32 {
      %broadcast_in_dim3A_191 = vector.broadcast %scan3A_189 : i32 to vector<16xi32>
      tpu.vector_store_idx %arg7[%broadcast_in_dim3A_191, %iota3A], %broadcast_in_dim3A_5 : memref<16x16xi32, #tpu.memory_space<vmem>>[vector<16xi32>, vector<16xi32>], vector<16xi32>,
      %scan3A_192 = arith.constant 0 : i32
      scf.yield %scan3A_192 : i32
    }
    %scan3A_105 = arith.constant 16 : i32
    %scan3A_106 = arith.constant 0 : i32
    %scan3A_107 = arith.constant 0 : i32
    %scan3A_108 = arith.constant 128 : i32
    %scan3A_109 = arith.addi %scan3A_107, %scan3A_108 : i32
    %scan3A_110 = arith.constant 1 : i32
    %scan3A_111 = scf.for %scan3A_189 = %scan3A_107 to %scan3A_109 step %scan3A_110 iter_args(%scan3A_190 = %scan3A_106) -> (i32)  : i32 {
      %mul3A_191 = arith.constant 4 : i32
      %mul3A_192 = arith.muli %scan3A_189, %mul3A_191 : i32
      %add3A_193 = arith.constant 0 : i32
      %add3A_194 = arith.addi %mul3A_192, %add3A_193 : i32
      %broadcast_in_dim3A_195 = vector.broadcast %add3A_194 : i32 to vector<16xi32>
      %gather3A = tpu.vector_load_idx %arg5[%broadcast_in_dim3A_195, %iota3A] : memref<512x16xi32, #tpu.memory_space<vmem>>[vector<16xi32>, vector<16xi32>], vector<16xi32>,
      %shift_right_arithmetic3A = arith.constant 16 : i32
      %shift_right_arithmetic3A_196 = vector.broadcast %shift_right_arithmetic3A : i32 to vector<16xi32>
      %shift_right_arithmetic3A_197 = arith.shrsi %gather3A, %shift_right_arithmetic3A_196 : vector<16xi32>
      %eq3A = arith.cmpi eq, %shift_right_arithmetic3A_197, %add3A_91 : vector<16xi32>
      %shift_right_arithmetic3A_198 = arith.constant 8 : i32
      %shift_right_arithmetic3A_199 = vector.broadcast %shift_right_arithmetic3A_198 : i32 to vector<16xi32>
      %shift_right_arithmetic3A_200 = arith.shrsi %gather3A, %shift_right_arithmetic3A_199 : vector<16xi32>
      %and3A = arith.constant 255 : i32
      %and3A_201 = vector.broadcast %and3A : i32 to vector<16xi32>
      %and3A_202 = arith.andi %shift_right_arithmetic3A_200, %and3A_201 : vector<16xi32>
      tpu.vector_store_idx %arg6[%and3A_202, %iota3A], %broadcast_in_dim3A_3 masked %eq3A {add = true} : memref<256x16xi32, #tpu.memory_space<vmem>>[vector<16xi32>, vector<16xi32>], vector<16xi32>, vector<16xi1>
      %shift_right_arithmetic3A_203 = arith.constant 4 : i32
      %shift_right_arithmetic3A_204 = vector.broadcast %shift_right_arithmetic3A_203 : i32 to vector<16xi32>
      %shift_right_arithmetic3A_205 = arith.shrsi %and3A_202, %shift_right_arithmetic3A_204 : vector<16xi32>
      tpu.vector_store_idx %arg7[%shift_right_arithmetic3A_205, %iota3A], %broadcast_in_dim3A_3 masked %eq3A {add = true} : memref<16x16xi32, #tpu.memory_space<vmem>>[vector<16xi32>, vector<16xi32>], vector<16xi32>, vector<16xi1>
      %mul3A_206 = arith.constant 4 : i32
      %mul3A_207 = arith.muli %scan3A_189, %mul3A_206 : i32
      %add3A_208 = arith.constant 1 : i32
      %add3A_209 = arith.addi %mul3A_207, %add3A_208 : i32
      %broadcast_in_dim3A_210 = vector.broadcast %add3A_209 : i32 to vector<16xi32>
      %gather3A_211 = tpu.vector_load_idx %arg5[%broadcast_in_dim3A_210, %iota3A] : memref<512x16xi32, #tpu.memory_space<vmem>>[vector<16xi32>, vector<16xi32>], vector<16xi32>,
      %shift_right_arithmetic3A_212 = arith.constant 16 : i32
      %shift_right_arithmetic3A_213 = vector.broadcast %shift_right_arithmetic3A_212 : i32 to vector<16xi32>
      %shift_right_arithmetic3A_214 = arith.shrsi %gather3A_211, %shift_right_arithmetic3A_213 : vector<16xi32>
      %eq3A_215 = arith.cmpi eq, %shift_right_arithmetic3A_214, %add3A_91 : vector<16xi32>
      %shift_right_arithmetic3A_216 = arith.constant 8 : i32
      %shift_right_arithmetic3A_217 = vector.broadcast %shift_right_arithmetic3A_216 : i32 to vector<16xi32>
      %shift_right_arithmetic3A_218 = arith.shrsi %gather3A_211, %shift_right_arithmetic3A_217 : vector<16xi32>
      %and3A_219 = arith.constant 255 : i32
      %and3A_220 = vector.broadcast %and3A_219 : i32 to vector<16xi32>
      %and3A_221 = arith.andi %shift_right_arithmetic3A_218, %and3A_220 : vector<16xi32>
      tpu.vector_store_idx %arg6[%and3A_221, %iota3A], %broadcast_in_dim3A_3 masked %eq3A_215 {add = true} : memref<256x16xi32, #tpu.memory_space<vmem>>[vector<16xi32>, vector<16xi32>], vector<16xi32>, vector<16xi1>
      %shift_right_arithmetic3A_222 = arith.constant 4 : i32
      %shift_right_arithmetic3A_223 = vector.broadcast %shift_right_arithmetic3A_222 : i32 to vector<16xi32>
      %shift_right_arithmetic3A_224 = arith.shrsi %and3A_221, %shift_right_arithmetic3A_223 : vector<16xi32>
      tpu.vector_store_idx %arg7[%shift_right_arithmetic3A_224, %iota3A], %broadcast_in_dim3A_3 masked %eq3A_215 {add = true} : memref<16x16xi32, #tpu.memory_space<vmem>>[vector<16xi32>, vector<16xi32>], vector<16xi32>, vector<16xi1>
      %mul3A_225 = arith.constant 4 : i32
      %mul3A_226 = arith.muli %scan3A_189, %mul3A_225 : i32
      %add3A_227 = arith.constant 2 : i32
      %add3A_228 = arith.addi %mul3A_226, %add3A_227 : i32
      %broadcast_in_dim3A_229 = vector.broadcast %add3A_228 : i32 to vector<16xi32>
      %gather3A_230 = tpu.vector_load_idx %arg5[%broadcast_in_dim3A_229, %iota3A] : memref<512x16xi32, #tpu.memory_space<vmem>>[vector<16xi32>, vector<16xi32>], vector<16xi32>,
      %shift_right_arithmetic3A_231 = arith.constant 16 : i32
      %shift_right_arithmetic3A_232 = vector.broadcast %shift_right_arithmetic3A_231 : i32 to vector<16xi32>
      %shift_right_arithmetic3A_233 = arith.shrsi %gather3A_230, %shift_right_arithmetic3A_232 : vector<16xi32>
      %eq3A_234 = arith.cmpi eq, %shift_right_arithmetic3A_233, %add3A_91 : vector<16xi32>
      %shift_right_arithmetic3A_235 = arith.constant 8 : i32
      %shift_right_arithmetic3A_236 = vector.broadcast %shift_right_arithmetic3A_235 : i32 to vector<16xi32>
      %shift_right_arithmetic3A_237 = arith.shrsi %gather3A_230, %shift_right_arithmetic3A_236 : vector<16xi32>
      %and3A_238 = arith.constant 255 : i32
      %and3A_239 = vector.broadcast %and3A_238 : i32 to vector<16xi32>
      %and3A_240 = arith.andi %shift_right_arithmetic3A_237, %and3A_239 : vector<16xi32>
      tpu.vector_store_idx %arg6[%and3A_240, %iota3A], %broadcast_in_dim3A_3 masked %eq3A_234 {add = true} : memref<256x16xi32, #tpu.memory_space<vmem>>[vector<16xi32>, vector<16xi32>], vector<16xi32>, vector<16xi1>
      %shift_right_arithmetic3A_241 = arith.constant 4 : i32
      %shift_right_arithmetic3A_242 = vector.broadcast %shift_right_arithmetic3A_241 : i32 to vector<16xi32>
      %shift_right_arithmetic3A_243 = arith.shrsi %and3A_240, %shift_right_arithmetic3A_242 : vector<16xi32>
      tpu.vector_store_idx %arg7[%shift_right_arithmetic3A_243, %iota3A], %broadcast_in_dim3A_3 masked %eq3A_234 {add = true} : memref<16x16xi32, #tpu.memory_space<vmem>>[vector<16xi32>, vector<16xi32>], vector<16xi32>, vector<16xi1>
      %mul3A_244 = arith.constant 4 : i32
      %mul3A_245 = arith.muli %scan3A_189, %mul3A_244 : i32
      %add3A_246 = arith.constant 3 : i32
      %add3A_247 = arith.addi %mul3A_245, %add3A_246 : i32
      %broadcast_in_dim3A_248 = vector.broadcast %add3A_247 : i32 to vector<16xi32>
      %gather3A_249 = tpu.vector_load_idx %arg5[%broadcast_in_dim3A_248, %iota3A] : memref<512x16xi32, #tpu.memory_space<vmem>>[vector<16xi32>, vector<16xi32>], vector<16xi32>,
      %shift_right_arithmetic3A_250 = arith.constant 16 : i32
      %shift_right_arithmetic3A_251 = vector.broadcast %shift_right_arithmetic3A_250 : i32 to vector<16xi32>
      %shift_right_arithmetic3A_252 = arith.shrsi %gather3A_249, %shift_right_arithmetic3A_251 : vector<16xi32>
      %eq3A_253 = arith.cmpi eq, %shift_right_arithmetic3A_252, %add3A_91 : vector<16xi32>
      %shift_right_arithmetic3A_254 = arith.constant 8 : i32
      %shift_right_arithmetic3A_255 = vector.broadcast %shift_right_arithmetic3A_254 : i32 to vector<16xi32>
      %shift_right_arithmetic3A_256 = arith.shrsi %gather3A_249, %shift_right_arithmetic3A_255 : vector<16xi32>
      %and3A_257 = arith.constant 255 : i32
      %and3A_258 = vector.broadcast %and3A_257 : i32 to vector<16xi32>
      %and3A_259 = arith.andi %shift_right_arithmetic3A_256, %and3A_258 : vector<16xi32>
      tpu.vector_store_idx %arg6[%and3A_259, %iota3A], %broadcast_in_dim3A_3 masked %eq3A_253 {add = true} : memref<256x16xi32, #tpu.memory_space<vmem>>[vector<16xi32>, vector<16xi32>], vector<16xi32>, vector<16xi1>
      %shift_right_arithmetic3A_260 = arith.constant 4 : i32
      %shift_right_arithmetic3A_261 = vector.broadcast %shift_right_arithmetic3A_260 : i32 to vector<16xi32>
      %shift_right_arithmetic3A_262 = arith.shrsi %and3A_259, %shift_right_arithmetic3A_261 : vector<16xi32>
      tpu.vector_store_idx %arg7[%shift_right_arithmetic3A_262, %iota3A], %broadcast_in_dim3A_3 masked %eq3A_253 {add = true} : memref<16x16xi32, #tpu.memory_space<vmem>>[vector<16xi32>, vector<16xi32>], vector<16xi32>, vector<16xi1>
      %scan3A_263 = arith.constant 0 : i32
      scf.yield %scan3A_263 : i32
    }
    %scan3A_112 = arith.constant 128 : i32
    %sub3A_113 = arith.subi %broadcast_in_dim3A_7, %add3A_88 : vector<16xi32>
    %scan3A_114 = arith.constant 0 : i32
    %scan3A_115 = arith.constant 16 : i32
    %scan3A_116 = arith.addi %scan3A_114, %scan3A_115 : i32
    %scan3A_117 = arith.constant 1 : i32
    %scan3A_118:4 = scf.for %scan3A_189 = %scan3A_114 to %scan3A_116 step %scan3A_117 iter_args(%scan3A_190 = %broadcast_in_dim3A_5, %scan3A_191 = %broadcast_in_dim3A_5, %scan3A_192 = %broadcast_in_dim3A_5, %scan3A_193 = %broadcast_in_dim3A_5) -> (vector<16xi32>, vector<16xi32>, vector<16xi32>, vector<16xi32>)  : i32 {
      %sub3A_194 = arith.constant 15 : i32
      %sub3A_195 = arith.subi %sub3A_194, %scan3A_189 : i32
      %broadcast_in_dim3A_196 = vector.broadcast %sub3A_195 : i32 to vector<16xi32>
      %gather3A = tpu.vector_load_idx %arg7[%broadcast_in_dim3A_196, %iota3A] : memref<16x16xi32, #tpu.memory_space<vmem>>[vector<16xi32>, vector<16xi32>], vector<16xi32>,
      %eq3A = arith.constant 0 : i32
      %eq3A_197 = vector.broadcast %eq3A : i32 to vector<16xi32>
      %eq3A_198 = arith.cmpi eq, %scan3A_193, %eq3A_197 : vector<16xi32>
      %add3A_199 = arith.addi %scan3A_190, %gather3A : vector<16xi32>
      %ge3A = arith.cmpi sge, %add3A_199, %sub3A_113 : vector<16xi32>
      %and3A = arith.andi %eq3A_198, %ge3A : vector<16xi1>
      %select_n3A = arith.select %and3A, %broadcast_in_dim3A_196, %scan3A_191 : vector<16xi1>, vector<16xi32>
      %select_n3A_200 = arith.select %and3A, %scan3A_190, %scan3A_192 : vector<16xi1>, vector<16xi32>
      %select_n3A_201 = arith.select %and3A, %broadcast_in_dim3A_3, %scan3A_193 : vector<16xi1>, vector<16xi32>
      %add3A_202 = arith.addi %scan3A_190, %gather3A : vector<16xi32>
      scf.yield %add3A_202, %select_n3A, %select_n3A_200, %select_n3A_201 : vector<16xi32>, vector<16xi32>, vector<16xi32>, vector<16xi32>
    }
    %scan3A_119 = arith.constant 16 : i32
    %sub3A_120 = arith.subi %sub3A_113, %scan3A_118#2 : vector<16xi32>
    %scan3A_121 = arith.constant 0 : i32
    %scan3A_122 = arith.constant 16 : i32
    %scan3A_123 = arith.addi %scan3A_121, %scan3A_122 : i32
    %scan3A_124 = arith.constant 1 : i32
    %scan3A_125:4 = scf.for %scan3A_189 = %scan3A_121 to %scan3A_123 step %scan3A_124 iter_args(%scan3A_190 = %broadcast_in_dim3A_5, %scan3A_191 = %broadcast_in_dim3A_5, %scan3A_192 = %broadcast_in_dim3A_5, %scan3A_193 = %broadcast_in_dim3A_5) -> (vector<16xi32>, vector<16xi32>, vector<16xi32>, vector<16xi32>)  : i32 {
      %sub3A_194 = arith.constant 15 : i32
      %sub3A_195 = arith.subi %sub3A_194, %scan3A_189 : i32
      %broadcast_in_dim3A_196 = vector.broadcast %sub3A_195 : i32 to vector<16xi32>
      %mul3A_197 = arith.constant 16 : i32
      %mul3A_198 = vector.broadcast %mul3A_197 : i32 to vector<16xi32>
      %mul3A_199 = arith.muli %scan3A_118#1, %mul3A_198 : vector<16xi32>
      %add3A_200 = arith.addi %mul3A_199, %broadcast_in_dim3A_196 : vector<16xi32>
      %gather3A = tpu.vector_load_idx %arg6[%add3A_200, %iota3A] : memref<256x16xi32, #tpu.memory_space<vmem>>[vector<16xi32>, vector<16xi32>], vector<16xi32>,
      %eq3A = arith.constant 0 : i32
      %eq3A_201 = vector.broadcast %eq3A : i32 to vector<16xi32>
      %eq3A_202 = arith.cmpi eq, %scan3A_193, %eq3A_201 : vector<16xi32>
      %add3A_203 = arith.addi %scan3A_190, %gather3A : vector<16xi32>
      %ge3A = arith.cmpi sge, %add3A_203, %sub3A_120 : vector<16xi32>
      %and3A = arith.andi %eq3A_202, %ge3A : vector<16xi1>
      %select_n3A = arith.select %and3A, %broadcast_in_dim3A_196, %scan3A_191 : vector<16xi1>, vector<16xi32>
      %select_n3A_204 = arith.select %and3A, %scan3A_190, %scan3A_192 : vector<16xi1>, vector<16xi32>
      %select_n3A_205 = arith.select %and3A, %broadcast_in_dim3A_3, %scan3A_193 : vector<16xi1>, vector<16xi32>
      %add3A_206 = arith.addi %scan3A_190, %gather3A : vector<16xi32>
      scf.yield %add3A_206, %select_n3A, %select_n3A_204, %select_n3A_205 : vector<16xi32>, vector<16xi32>, vector<16xi32>, vector<16xi32>
    }
    %scan3A_126 = arith.constant 16 : i32
    %mul3A_127 = arith.constant 16 : i32
    %mul3A_128 = vector.broadcast %mul3A_127 : i32 to vector<16xi32>
    %mul3A_129 = arith.muli %scan3A_118#1, %mul3A_128 : vector<16xi32>
    %add3A_130 = arith.addi %mul3A_129, %scan3A_125#1 : vector<16xi32>
    %add3A_131 = arith.addi %scan3A_118#2, %scan3A_125#2 : vector<16xi32>
    %add3A_132 = arith.addi %add3A_88, %add3A_131 : vector<16xi32>
    %shift_left3A_133 = arith.constant 8 : i32
    %shift_left3A_134 = vector.broadcast %shift_left3A_133 : i32 to vector<16xi32>
    %shift_left3A_135 = arith.shli %add3A_91, %shift_left3A_134 : vector<16xi32>
    %add3A_136 = arith.addi %shift_left3A_135, %add3A_130 : vector<16xi32>
    %scan3A_137 = arith.constant 0 : i32
    %scan3A_138 = arith.constant 0 : i32
    %scan3A_139 = arith.constant 32 : i32
    %scan3A_140 = arith.addi %scan3A_138, %scan3A_139 : i32
    %scan3A_141 = arith.constant 1 : i32
    %scan3A_142 = scf.for %scan3A_189 = %scan3A_138 to %scan3A_140 step %scan3A_141 iter_args(%scan3A_190 = %scan3A_137) -> (i32)  : i32 {
      %mul3A_191 = arith.constant 8 : i32
      %mul3A_192 = arith.muli %scan3A_189, %mul3A_191 : i32
      %add3A_193 = arith.constant 0 : i32
      %add3A_194 = arith.addi %mul3A_192, %add3A_193 : i32
      %broadcast_in_dim3A_195 = vector.broadcast %add3A_194 : i32 to vector<16xi32>
      tpu.vector_store_idx %arg6[%broadcast_in_dim3A_195, %iota3A], %broadcast_in_dim3A_5 : memref<256x16xi32, #tpu.memory_space<vmem>>[vector<16xi32>, vector<16xi32>], vector<16xi32>,
      %mul3A_196 = arith.constant 8 : i32
      %mul3A_197 = arith.muli %scan3A_189, %mul3A_196 : i32
      %add3A_198 = arith.constant 1 : i32
      %add3A_199 = arith.addi %mul3A_197, %add3A_198 : i32
      %broadcast_in_dim3A_200 = vector.broadcast %add3A_199 : i32 to vector<16xi32>
      tpu.vector_store_idx %arg6[%broadcast_in_dim3A_200, %iota3A], %broadcast_in_dim3A_5 : memref<256x16xi32, #tpu.memory_space<vmem>>[vector<16xi32>, vector<16xi32>], vector<16xi32>,
      %mul3A_201 = arith.constant 8 : i32
      %mul3A_202 = arith.muli %scan3A_189, %mul3A_201 : i32
      %add3A_203 = arith.constant 2 : i32
      %add3A_204 = arith.addi %mul3A_202, %add3A_203 : i32
      %broadcast_in_dim3A_205 = vector.broadcast %add3A_204 : i32 to vector<16xi32>
      tpu.vector_store_idx %arg6[%broadcast_in_dim3A_205, %iota3A], %broadcast_in_dim3A_5 : memref<256x16xi32, #tpu.memory_space<vmem>>[vector<16xi32>, vector<16xi32>], vector<16xi32>,
      %mul3A_206 = arith.constant 8 : i32
      %mul3A_207 = arith.muli %scan3A_189, %mul3A_206 : i32
      %add3A_208 = arith.constant 3 : i32
      %add3A_209 = arith.addi %mul3A_207, %add3A_208 : i32
      %broadcast_in_dim3A_210 = vector.broadcast %add3A_209 : i32 to vector<16xi32>
      tpu.vector_store_idx %arg6[%broadcast_in_dim3A_210, %iota3A], %broadcast_in_dim3A_5 : memref<256x16xi32, #tpu.memory_space<vmem>>[vector<16xi32>, vector<16xi32>], vector<16xi32>,
      %mul3A_211 = arith.constant 8 : i32
      %mul3A_212 = arith.muli %scan3A_189, %mul3A_211 : i32
      %add3A_213 = arith.constant 4 : i32
      %add3A_214 = arith.addi %mul3A_212, %add3A_213 : i32
      %broadcast_in_dim3A_215 = vector.broadcast %add3A_214 : i32 to vector<16xi32>
      tpu.vector_store_idx %arg6[%broadcast_in_dim3A_215, %iota3A], %broadcast_in_dim3A_5 : memref<256x16xi32, #tpu.memory_space<vmem>>[vector<16xi32>, vector<16xi32>], vector<16xi32>,
      %mul3A_216 = arith.constant 8 : i32
      %mul3A_217 = arith.muli %scan3A_189, %mul3A_216 : i32
      %add3A_218 = arith.constant 5 : i32
      %add3A_219 = arith.addi %mul3A_217, %add3A_218 : i32
      %broadcast_in_dim3A_220 = vector.broadcast %add3A_219 : i32 to vector<16xi32>
      tpu.vector_store_idx %arg6[%broadcast_in_dim3A_220, %iota3A], %broadcast_in_dim3A_5 : memref<256x16xi32, #tpu.memory_space<vmem>>[vector<16xi32>, vector<16xi32>], vector<16xi32>,
      %mul3A_221 = arith.constant 8 : i32
      %mul3A_222 = arith.muli %scan3A_189, %mul3A_221 : i32
      %add3A_223 = arith.constant 6 : i32
      %add3A_224 = arith.addi %mul3A_222, %add3A_223 : i32
      %broadcast_in_dim3A_225 = vector.broadcast %add3A_224 : i32 to vector<16xi32>
      tpu.vector_store_idx %arg6[%broadcast_in_dim3A_225, %iota3A], %broadcast_in_dim3A_5 : memref<256x16xi32, #tpu.memory_space<vmem>>[vector<16xi32>, vector<16xi32>], vector<16xi32>,
      %mul3A_226 = arith.constant 8 : i32
      %mul3A_227 = arith.muli %scan3A_189, %mul3A_226 : i32
      %add3A_228 = arith.constant 7 : i32
      %add3A_229 = arith.addi %mul3A_227, %add3A_228 : i32
      %broadcast_in_dim3A_230 = vector.broadcast %add3A_229 : i32 to vector<16xi32>
      tpu.vector_store_idx %arg6[%broadcast_in_dim3A_230, %iota3A], %broadcast_in_dim3A_5 : memref<256x16xi32, #tpu.memory_space<vmem>>[vector<16xi32>, vector<16xi32>], vector<16xi32>,
      %scan3A_231 = arith.constant 0 : i32
      scf.yield %scan3A_231 : i32
    }
    %scan3A_143 = arith.constant 32 : i32
    %scan3A_144 = arith.constant 0 : i32
    %scan3A_145 = arith.constant 0 : i32
    %scan3A_146 = arith.constant 16 : i32
    %scan3A_147 = arith.addi %scan3A_145, %scan3A_146 : i32
    %scan3A_148 = arith.constant 1 : i32
    %scan3A_149 = scf.for %scan3A_189 = %scan3A_145 to %scan3A_147 step %scan3A_148 iter_args(%scan3A_190 = %scan3A_144) -> (i32)  : i32 {
      %broadcast_in_dim3A_191 = vector.broadcast %scan3A_189 : i32 to vector<16xi32>
      tpu.vector_store_idx %arg7[%broadcast_in_dim3A_191, %iota3A], %broadcast_in_dim3A_5 : memref<16x16xi32, #tpu.memory_space<vmem>>[vector<16xi32>, vector<16xi32>], vector<16xi32>,
      %scan3A_192 = arith.constant 0 : i32
      scf.yield %scan3A_192 : i32
    }
    %scan3A_150 = arith.constant 16 : i32
    %scan3A_151 = arith.constant 0 : i32
    %scan3A_152 = arith.constant 0 : i32
    %scan3A_153 = arith.constant 128 : i32
    %scan3A_154 = arith.addi %scan3A_152, %scan3A_153 : i32
    %scan3A_155 = arith.constant 1 : i32
    %scan3A_156 = scf.for %scan3A_189 = %scan3A_152 to %scan3A_154 step %scan3A_155 iter_args(%scan3A_190 = %scan3A_151) -> (i32)  : i32 {
      %mul3A_191 = arith.constant 4 : i32
      %mul3A_192 = arith.muli %scan3A_189, %mul3A_191 : i32
      %add3A_193 = arith.constant 0 : i32
      %add3A_194 = arith.addi %mul3A_192, %add3A_193 : i32
      %broadcast_in_dim3A_195 = vector.broadcast %add3A_194 : i32 to vector<16xi32>
      %gather3A = tpu.vector_load_idx %arg5[%broadcast_in_dim3A_195, %iota3A] : memref<512x16xi32, #tpu.memory_space<vmem>>[vector<16xi32>, vector<16xi32>], vector<16xi32>,
      %shift_right_arithmetic3A = arith.constant 8 : i32
      %shift_right_arithmetic3A_196 = vector.broadcast %shift_right_arithmetic3A : i32 to vector<16xi32>
      %shift_right_arithmetic3A_197 = arith.shrsi %gather3A, %shift_right_arithmetic3A_196 : vector<16xi32>
      %eq3A = arith.cmpi eq, %shift_right_arithmetic3A_197, %add3A_136 : vector<16xi32>
      %shift_right_arithmetic3A_198 = arith.constant 0 : i32
      %shift_right_arithmetic3A_199 = vector.broadcast %shift_right_arithmetic3A_198 : i32 to vector<16xi32>
      %shift_right_arithmetic3A_200 = arith.shrsi %gather3A, %shift_right_arithmetic3A_199 : vector<16xi32>
      %and3A = arith.constant 255 : i32
      %and3A_201 = vector.broadcast %and3A : i32 to vector<16xi32>
      %and3A_202 = arith.andi %shift_right_arithmetic3A_200, %and3A_201 : vector<16xi32>
      tpu.vector_store_idx %arg6[%and3A_202, %iota3A], %broadcast_in_dim3A_3 masked %eq3A {add = true} : memref<256x16xi32, #tpu.memory_space<vmem>>[vector<16xi32>, vector<16xi32>], vector<16xi32>, vector<16xi1>
      %shift_right_arithmetic3A_203 = arith.constant 4 : i32
      %shift_right_arithmetic3A_204 = vector.broadcast %shift_right_arithmetic3A_203 : i32 to vector<16xi32>
      %shift_right_arithmetic3A_205 = arith.shrsi %and3A_202, %shift_right_arithmetic3A_204 : vector<16xi32>
      tpu.vector_store_idx %arg7[%shift_right_arithmetic3A_205, %iota3A], %broadcast_in_dim3A_3 masked %eq3A {add = true} : memref<16x16xi32, #tpu.memory_space<vmem>>[vector<16xi32>, vector<16xi32>], vector<16xi32>, vector<16xi1>
      %mul3A_206 = arith.constant 4 : i32
      %mul3A_207 = arith.muli %scan3A_189, %mul3A_206 : i32
      %add3A_208 = arith.constant 1 : i32
      %add3A_209 = arith.addi %mul3A_207, %add3A_208 : i32
      %broadcast_in_dim3A_210 = vector.broadcast %add3A_209 : i32 to vector<16xi32>
      %gather3A_211 = tpu.vector_load_idx %arg5[%broadcast_in_dim3A_210, %iota3A] : memref<512x16xi32, #tpu.memory_space<vmem>>[vector<16xi32>, vector<16xi32>], vector<16xi32>,
      %shift_right_arithmetic3A_212 = arith.constant 8 : i32
      %shift_right_arithmetic3A_213 = vector.broadcast %shift_right_arithmetic3A_212 : i32 to vector<16xi32>
      %shift_right_arithmetic3A_214 = arith.shrsi %gather3A_211, %shift_right_arithmetic3A_213 : vector<16xi32>
      %eq3A_215 = arith.cmpi eq, %shift_right_arithmetic3A_214, %add3A_136 : vector<16xi32>
      %shift_right_arithmetic3A_216 = arith.constant 0 : i32
      %shift_right_arithmetic3A_217 = vector.broadcast %shift_right_arithmetic3A_216 : i32 to vector<16xi32>
      %shift_right_arithmetic3A_218 = arith.shrsi %gather3A_211, %shift_right_arithmetic3A_217 : vector<16xi32>
      %and3A_219 = arith.constant 255 : i32
      %and3A_220 = vector.broadcast %and3A_219 : i32 to vector<16xi32>
      %and3A_221 = arith.andi %shift_right_arithmetic3A_218, %and3A_220 : vector<16xi32>
      tpu.vector_store_idx %arg6[%and3A_221, %iota3A], %broadcast_in_dim3A_3 masked %eq3A_215 {add = true} : memref<256x16xi32, #tpu.memory_space<vmem>>[vector<16xi32>, vector<16xi32>], vector<16xi32>, vector<16xi1>
      %shift_right_arithmetic3A_222 = arith.constant 4 : i32
      %shift_right_arithmetic3A_223 = vector.broadcast %shift_right_arithmetic3A_222 : i32 to vector<16xi32>
      %shift_right_arithmetic3A_224 = arith.shrsi %and3A_221, %shift_right_arithmetic3A_223 : vector<16xi32>
      tpu.vector_store_idx %arg7[%shift_right_arithmetic3A_224, %iota3A], %broadcast_in_dim3A_3 masked %eq3A_215 {add = true} : memref<16x16xi32, #tpu.memory_space<vmem>>[vector<16xi32>, vector<16xi32>], vector<16xi32>, vector<16xi1>
      %mul3A_225 = arith.constant 4 : i32
      %mul3A_226 = arith.muli %scan3A_189, %mul3A_225 : i32
      %add3A_227 = arith.constant 2 : i32
      %add3A_228 = arith.addi %mul3A_226, %add3A_227 : i32
      %broadcast_in_dim3A_229 = vector.broadcast %add3A_228 : i32 to vector<16xi32>
      %gather3A_230 = tpu.vector_load_idx %arg5[%broadcast_in_dim3A_229, %iota3A] : memref<512x16xi32, #tpu.memory_space<vmem>>[vector<16xi32>, vector<16xi32>], vector<16xi32>,
      %shift_right_arithmetic3A_231 = arith.constant 8 : i32
      %shift_right_arithmetic3A_232 = vector.broadcast %shift_right_arithmetic3A_231 : i32 to vector<16xi32>
      %shift_right_arithmetic3A_233 = arith.shrsi %gather3A_230, %shift_right_arithmetic3A_232 : vector<16xi32>
      %eq3A_234 = arith.cmpi eq, %shift_right_arithmetic3A_233, %add3A_136 : vector<16xi32>
      %shift_right_arithmetic3A_235 = arith.constant 0 : i32
      %shift_right_arithmetic3A_236 = vector.broadcast %shift_right_arithmetic3A_235 : i32 to vector<16xi32>
      %shift_right_arithmetic3A_237 = arith.shrsi %gather3A_230, %shift_right_arithmetic3A_236 : vector<16xi32>
      %and3A_238 = arith.constant 255 : i32
      %and3A_239 = vector.broadcast %and3A_238 : i32 to vector<16xi32>
      %and3A_240 = arith.andi %shift_right_arithmetic3A_237, %and3A_239 : vector<16xi32>
      tpu.vector_store_idx %arg6[%and3A_240, %iota3A], %broadcast_in_dim3A_3 masked %eq3A_234 {add = true} : memref<256x16xi32, #tpu.memory_space<vmem>>[vector<16xi32>, vector<16xi32>], vector<16xi32>, vector<16xi1>
      %shift_right_arithmetic3A_241 = arith.constant 4 : i32
      %shift_right_arithmetic3A_242 = vector.broadcast %shift_right_arithmetic3A_241 : i32 to vector<16xi32>
      %shift_right_arithmetic3A_243 = arith.shrsi %and3A_240, %shift_right_arithmetic3A_242 : vector<16xi32>
      tpu.vector_store_idx %arg7[%shift_right_arithmetic3A_243, %iota3A], %broadcast_in_dim3A_3 masked %eq3A_234 {add = true} : memref<16x16xi32, #tpu.memory_space<vmem>>[vector<16xi32>, vector<16xi32>], vector<16xi32>, vector<16xi1>
      %mul3A_244 = arith.constant 4 : i32
      %mul3A_245 = arith.muli %scan3A_189, %mul3A_244 : i32
      %add3A_246 = arith.constant 3 : i32
      %add3A_247 = arith.addi %mul3A_245, %add3A_246 : i32
      %broadcast_in_dim3A_248 = vector.broadcast %add3A_247 : i32 to vector<16xi32>
      %gather3A_249 = tpu.vector_load_idx %arg5[%broadcast_in_dim3A_248, %iota3A] : memref<512x16xi32, #tpu.memory_space<vmem>>[vector<16xi32>, vector<16xi32>], vector<16xi32>,
      %shift_right_arithmetic3A_250 = arith.constant 8 : i32
      %shift_right_arithmetic3A_251 = vector.broadcast %shift_right_arithmetic3A_250 : i32 to vector<16xi32>
      %shift_right_arithmetic3A_252 = arith.shrsi %gather3A_249, %shift_right_arithmetic3A_251 : vector<16xi32>
      %eq3A_253 = arith.cmpi eq, %shift_right_arithmetic3A_252, %add3A_136 : vector<16xi32>
      %shift_right_arithmetic3A_254 = arith.constant 0 : i32
      %shift_right_arithmetic3A_255 = vector.broadcast %shift_right_arithmetic3A_254 : i32 to vector<16xi32>
      %shift_right_arithmetic3A_256 = arith.shrsi %gather3A_249, %shift_right_arithmetic3A_255 : vector<16xi32>
      %and3A_257 = arith.constant 255 : i32
      %and3A_258 = vector.broadcast %and3A_257 : i32 to vector<16xi32>
      %and3A_259 = arith.andi %shift_right_arithmetic3A_256, %and3A_258 : vector<16xi32>
      tpu.vector_store_idx %arg6[%and3A_259, %iota3A], %broadcast_in_dim3A_3 masked %eq3A_253 {add = true} : memref<256x16xi32, #tpu.memory_space<vmem>>[vector<16xi32>, vector<16xi32>], vector<16xi32>, vector<16xi1>
      %shift_right_arithmetic3A_260 = arith.constant 4 : i32
      %shift_right_arithmetic3A_261 = vector.broadcast %shift_right_arithmetic3A_260 : i32 to vector<16xi32>
      %shift_right_arithmetic3A_262 = arith.shrsi %and3A_259, %shift_right_arithmetic3A_261 : vector<16xi32>
      tpu.vector_store_idx %arg7[%shift_right_arithmetic3A_262, %iota3A], %broadcast_in_dim3A_3 masked %eq3A_253 {add = true} : memref<16x16xi32, #tpu.memory_space<vmem>>[vector<16xi32>, vector<16xi32>], vector<16xi32>, vector<16xi1>
      %scan3A_263 = arith.constant 0 : i32
      scf.yield %scan3A_263 : i32
    }
    %scan3A_157 = arith.constant 128 : i32
    %sub3A_158 = arith.subi %broadcast_in_dim3A_7, %add3A_132 : vector<16xi32>
    %scan3A_159 = arith.constant 0 : i32
    %scan3A_160 = arith.constant 16 : i32
    %scan3A_161 = arith.addi %scan3A_159, %scan3A_160 : i32
    %scan3A_162 = arith.constant 1 : i32
    %scan3A_163:4 = scf.for %scan3A_189 = %scan3A_159 to %scan3A_161 step %scan3A_162 iter_args(%scan3A_190 = %broadcast_in_dim3A_5, %scan3A_191 = %broadcast_in_dim3A_5, %scan3A_192 = %broadcast_in_dim3A_5, %scan3A_193 = %broadcast_in_dim3A_5) -> (vector<16xi32>, vector<16xi32>, vector<16xi32>, vector<16xi32>)  : i32 {
      %sub3A_194 = arith.constant 15 : i32
      %sub3A_195 = arith.subi %sub3A_194, %scan3A_189 : i32
      %broadcast_in_dim3A_196 = vector.broadcast %sub3A_195 : i32 to vector<16xi32>
      %gather3A = tpu.vector_load_idx %arg7[%broadcast_in_dim3A_196, %iota3A] : memref<16x16xi32, #tpu.memory_space<vmem>>[vector<16xi32>, vector<16xi32>], vector<16xi32>,
      %eq3A = arith.constant 0 : i32
      %eq3A_197 = vector.broadcast %eq3A : i32 to vector<16xi32>
      %eq3A_198 = arith.cmpi eq, %scan3A_193, %eq3A_197 : vector<16xi32>
      %add3A_199 = arith.addi %scan3A_190, %gather3A : vector<16xi32>
      %ge3A = arith.cmpi sge, %add3A_199, %sub3A_158 : vector<16xi32>
      %and3A = arith.andi %eq3A_198, %ge3A : vector<16xi1>
      %select_n3A = arith.select %and3A, %broadcast_in_dim3A_196, %scan3A_191 : vector<16xi1>, vector<16xi32>
      %select_n3A_200 = arith.select %and3A, %scan3A_190, %scan3A_192 : vector<16xi1>, vector<16xi32>
      %select_n3A_201 = arith.select %and3A, %broadcast_in_dim3A_3, %scan3A_193 : vector<16xi1>, vector<16xi32>
      %add3A_202 = arith.addi %scan3A_190, %gather3A : vector<16xi32>
      scf.yield %add3A_202, %select_n3A, %select_n3A_200, %select_n3A_201 : vector<16xi32>, vector<16xi32>, vector<16xi32>, vector<16xi32>
    }
    %scan3A_164 = arith.constant 16 : i32
    %sub3A_165 = arith.subi %sub3A_158, %scan3A_163#2 : vector<16xi32>
    %scan3A_166 = arith.constant 0 : i32
    %scan3A_167 = arith.constant 16 : i32
    %scan3A_168 = arith.addi %scan3A_166, %scan3A_167 : i32
    %scan3A_169 = arith.constant 1 : i32
    %scan3A_170:4 = scf.for %scan3A_189 = %scan3A_166 to %scan3A_168 step %scan3A_169 iter_args(%scan3A_190 = %broadcast_in_dim3A_5, %scan3A_191 = %broadcast_in_dim3A_5, %scan3A_192 = %broadcast_in_dim3A_5, %scan3A_193 = %broadcast_in_dim3A_5) -> (vector<16xi32>, vector<16xi32>, vector<16xi32>, vector<16xi32>)  : i32 {
      %sub3A_194 = arith.constant 15 : i32
      %sub3A_195 = arith.subi %sub3A_194, %scan3A_189 : i32
      %broadcast_in_dim3A_196 = vector.broadcast %sub3A_195 : i32 to vector<16xi32>
      %mul3A_197 = arith.constant 16 : i32
      %mul3A_198 = vector.broadcast %mul3A_197 : i32 to vector<16xi32>
      %mul3A_199 = arith.muli %scan3A_163#1, %mul3A_198 : vector<16xi32>
      %add3A_200 = arith.addi %mul3A_199, %broadcast_in_dim3A_196 : vector<16xi32>
      %gather3A = tpu.vector_load_idx %arg6[%add3A_200, %iota3A] : memref<256x16xi32, #tpu.memory_space<vmem>>[vector<16xi32>, vector<16xi32>], vector<16xi32>,
      %eq3A = arith.constant 0 : i32
      %eq3A_201 = vector.broadcast %eq3A : i32 to vector<16xi32>
      %eq3A_202 = arith.cmpi eq, %scan3A_193, %eq3A_201 : vector<16xi32>
      %add3A_203 = arith.addi %scan3A_190, %gather3A : vector<16xi32>
      %ge3A = arith.cmpi sge, %add3A_203, %sub3A_165 : vector<16xi32>
      %and3A = arith.andi %eq3A_202, %ge3A : vector<16xi1>
      %select_n3A = arith.select %and3A, %broadcast_in_dim3A_196, %scan3A_191 : vector<16xi1>, vector<16xi32>
      %select_n3A_204 = arith.select %and3A, %scan3A_190, %scan3A_192 : vector<16xi1>, vector<16xi32>
      %select_n3A_205 = arith.select %and3A, %broadcast_in_dim3A_3, %scan3A_193 : vector<16xi1>, vector<16xi32>
      %add3A_206 = arith.addi %scan3A_190, %gather3A : vector<16xi32>
      scf.yield %add3A_206, %select_n3A, %select_n3A_204, %select_n3A_205 : vector<16xi32>, vector<16xi32>, vector<16xi32>, vector<16xi32>
    }
    %scan3A_171 = arith.constant 16 : i32
    %mul3A_172 = arith.constant 16 : i32
    %mul3A_173 = vector.broadcast %mul3A_172 : i32 to vector<16xi32>
    %mul3A_174 = arith.muli %scan3A_163#1, %mul3A_173 : vector<16xi32>
    %add3A_175 = arith.addi %mul3A_174, %scan3A_170#1 : vector<16xi32>
    %add3A_176 = arith.addi %scan3A_163#2, %scan3A_170#2 : vector<16xi32>
    %add3A_177 = arith.addi %add3A_132, %add3A_176 : vector<16xi32>
    %shift_left3A_178 = arith.constant 8 : i32
    %shift_left3A_179 = vector.broadcast %shift_left3A_178 : i32 to vector<16xi32>
    %shift_left3A_180 = arith.shli %add3A_136, %shift_left3A_179 : vector<16xi32>
    %add3A_181 = arith.addi %shift_left3A_180, %add3A_175 : vector<16xi32>
    %sub3A_182 = arith.subi %broadcast_in_dim3A_7, %add3A_177 : vector<16xi32>
    %scan3A_183 = arith.constant 0 : i32
    %scan3A_184 = arith.constant 128 : i32
    %scan3A_185 = arith.addi %scan3A_183, %scan3A_184 : i32
    %scan3A_186 = arith.constant 1 : i32
    %scan3A_187 = scf.for %scan3A_189 = %scan3A_183 to %scan3A_185 step %scan3A_186 iter_args(%scan3A_190 = %broadcast_in_dim3A_5) -> (vector<16xi32>)  : i32 {
      %mul3A_191 = arith.constant 4 : i32
      %mul3A_192 = arith.muli %scan3A_189, %mul3A_191 : i32
      %add3A_193 = arith.constant 0 : i32
      %add3A_194 = arith.addi %mul3A_192, %add3A_193 : i32
      %broadcast_in_dim3A_195 = vector.broadcast %add3A_194 : i32 to vector<16xi32>
      %gather3A = tpu.vector_load_idx %arg5[%broadcast_in_dim3A_195, %iota3A] : memref<512x16xi32, #tpu.memory_space<vmem>>[vector<16xi32>, vector<16xi32>], vector<16xi32>,
      %gt3A = arith.cmpi sgt, %gather3A, %add3A_181 : vector<16xi32>
      %eq3A = arith.cmpi eq, %gather3A, %add3A_181 : vector<16xi32>
      %lt3A = arith.cmpi slt, %scan3A_190, %sub3A_182 : vector<16xi32>
      %and3A = arith.andi %eq3A, %lt3A : vector<16xi1>
      %or3A = arith.ori %gt3A, %and3A : vector<16xi1>
      %broadcast_in_dim3A_196 = vector.broadcast %add3A_194 : i32 to vector<16xi32>
      %add3A_197 = vector.broadcast %mul3A_2 : i32 to vector<16xi32>
      %add3A_198 = arith.addi %add3A_197, %iota3A : vector<16xi32>
      %eq3A_199 = arith.cmpi eq, %broadcast_in_dim3A_196, %add3A_198 : vector<16xi32>
      %or3A_200 = arith.ori %or3A, %eq3A_199 : vector<16xi1>
      %broadcast_in_dim3A_201 = vector.broadcast %add3A_194 : i32 to vector<16xi32>
      %jit3A = arith.constant 1.000000e+00 : f32
      %jit3A_202 = arith.constant 0.000000e+00 : f32
      %broadcast_in_dim3A_203 = vector.broadcast %jit3A : f32 to vector<16xf32>
      %broadcast_in_dim3A_204 = vector.broadcast %jit3A_202 : f32 to vector<16xf32>
      %select_n3A = arith.select %or3A_200, %broadcast_in_dim3A_203, %broadcast_in_dim3A_204 : vector<16xi1>, vector<16xf32>
      tpu.vector_store_idx %arg8[%iota3A, %broadcast_in_dim3A_201], %select_n3A : memref<16x512xf32, #tpu.memory_space<vmem>>[vector<16xi32>, vector<16xi32>], vector<16xf32>,
      %convert_element_type3A = arith.extui %eq3A : vector<16xi1> to vector<16xi32>
      %add3A_205 = arith.addi %scan3A_190, %convert_element_type3A : vector<16xi32>
      %mul3A_206 = arith.constant 4 : i32
      %mul3A_207 = arith.muli %scan3A_189, %mul3A_206 : i32
      %add3A_208 = arith.constant 1 : i32
      %add3A_209 = arith.addi %mul3A_207, %add3A_208 : i32
      %broadcast_in_dim3A_210 = vector.broadcast %add3A_209 : i32 to vector<16xi32>
      %gather3A_211 = tpu.vector_load_idx %arg5[%broadcast_in_dim3A_210, %iota3A] : memref<512x16xi32, #tpu.memory_space<vmem>>[vector<16xi32>, vector<16xi32>], vector<16xi32>,
      %gt3A_212 = arith.cmpi sgt, %gather3A_211, %add3A_181 : vector<16xi32>
      %eq3A_213 = arith.cmpi eq, %gather3A_211, %add3A_181 : vector<16xi32>
      %lt3A_214 = arith.cmpi slt, %add3A_205, %sub3A_182 : vector<16xi32>
      %and3A_215 = arith.andi %eq3A_213, %lt3A_214 : vector<16xi1>
      %or3A_216 = arith.ori %gt3A_212, %and3A_215 : vector<16xi1>
      %broadcast_in_dim3A_217 = vector.broadcast %add3A_209 : i32 to vector<16xi32>
      %add3A_218 = vector.broadcast %mul3A_2 : i32 to vector<16xi32>
      %add3A_219 = arith.addi %add3A_218, %iota3A : vector<16xi32>
      %eq3A_220 = arith.cmpi eq, %broadcast_in_dim3A_217, %add3A_219 : vector<16xi32>
      %or3A_221 = arith.ori %or3A_216, %eq3A_220 : vector<16xi1>
      %broadcast_in_dim3A_222 = vector.broadcast %add3A_209 : i32 to vector<16xi32>
      %jit3A_223 = arith.constant 1.000000e+00 : f32
      %jit3A_224 = arith.constant 0.000000e+00 : f32
      %broadcast_in_dim3A_225 = vector.broadcast %jit3A_223 : f32 to vector<16xf32>
      %broadcast_in_dim3A_226 = vector.broadcast %jit3A_224 : f32 to vector<16xf32>
      %select_n3A_227 = arith.select %or3A_221, %broadcast_in_dim3A_225, %broadcast_in_dim3A_226 : vector<16xi1>, vector<16xf32>
      tpu.vector_store_idx %arg8[%iota3A, %broadcast_in_dim3A_222], %select_n3A_227 : memref<16x512xf32, #tpu.memory_space<vmem>>[vector<16xi32>, vector<16xi32>], vector<16xf32>,
      %convert_element_type3A_228 = arith.extui %eq3A_213 : vector<16xi1> to vector<16xi32>
      %add3A_229 = arith.addi %add3A_205, %convert_element_type3A_228 : vector<16xi32>
      %mul3A_230 = arith.constant 4 : i32
      %mul3A_231 = arith.muli %scan3A_189, %mul3A_230 : i32
      %add3A_232 = arith.constant 2 : i32
      %add3A_233 = arith.addi %mul3A_231, %add3A_232 : i32
      %broadcast_in_dim3A_234 = vector.broadcast %add3A_233 : i32 to vector<16xi32>
      %gather3A_235 = tpu.vector_load_idx %arg5[%broadcast_in_dim3A_234, %iota3A] : memref<512x16xi32, #tpu.memory_space<vmem>>[vector<16xi32>, vector<16xi32>], vector<16xi32>,
      %gt3A_236 = arith.cmpi sgt, %gather3A_235, %add3A_181 : vector<16xi32>
      %eq3A_237 = arith.cmpi eq, %gather3A_235, %add3A_181 : vector<16xi32>
      %lt3A_238 = arith.cmpi slt, %add3A_229, %sub3A_182 : vector<16xi32>
      %and3A_239 = arith.andi %eq3A_237, %lt3A_238 : vector<16xi1>
      %or3A_240 = arith.ori %gt3A_236, %and3A_239 : vector<16xi1>
      %broadcast_in_dim3A_241 = vector.broadcast %add3A_233 : i32 to vector<16xi32>
      %add3A_242 = vector.broadcast %mul3A_2 : i32 to vector<16xi32>
      %add3A_243 = arith.addi %add3A_242, %iota3A : vector<16xi32>
      %eq3A_244 = arith.cmpi eq, %broadcast_in_dim3A_241, %add3A_243 : vector<16xi32>
      %or3A_245 = arith.ori %or3A_240, %eq3A_244 : vector<16xi1>
      %broadcast_in_dim3A_246 = vector.broadcast %add3A_233 : i32 to vector<16xi32>
      %jit3A_247 = arith.constant 1.000000e+00 : f32
      %jit3A_248 = arith.constant 0.000000e+00 : f32
      %broadcast_in_dim3A_249 = vector.broadcast %jit3A_247 : f32 to vector<16xf32>
      %broadcast_in_dim3A_250 = vector.broadcast %jit3A_248 : f32 to vector<16xf32>
      %select_n3A_251 = arith.select %or3A_245, %broadcast_in_dim3A_249, %broadcast_in_dim3A_250 : vector<16xi1>, vector<16xf32>
      tpu.vector_store_idx %arg8[%iota3A, %broadcast_in_dim3A_246], %select_n3A_251 : memref<16x512xf32, #tpu.memory_space<vmem>>[vector<16xi32>, vector<16xi32>], vector<16xf32>,
      %convert_element_type3A_252 = arith.extui %eq3A_237 : vector<16xi1> to vector<16xi32>
      %add3A_253 = arith.addi %add3A_229, %convert_element_type3A_252 : vector<16xi32>
      %mul3A_254 = arith.constant 4 : i32
      %mul3A_255 = arith.muli %scan3A_189, %mul3A_254 : i32
      %add3A_256 = arith.constant 3 : i32
      %add3A_257 = arith.addi %mul3A_255, %add3A_256 : i32
      %broadcast_in_dim3A_258 = vector.broadcast %add3A_257 : i32 to vector<16xi32>
      %gather3A_259 = tpu.vector_load_idx %arg5[%broadcast_in_dim3A_258, %iota3A] : memref<512x16xi32, #tpu.memory_space<vmem>>[vector<16xi32>, vector<16xi32>], vector<16xi32>,
      %gt3A_260 = arith.cmpi sgt, %gather3A_259, %add3A_181 : vector<16xi32>
      %eq3A_261 = arith.cmpi eq, %gather3A_259, %add3A_181 : vector<16xi32>
      %lt3A_262 = arith.cmpi slt, %add3A_253, %sub3A_182 : vector<16xi32>
      %and3A_263 = arith.andi %eq3A_261, %lt3A_262 : vector<16xi1>
      %or3A_264 = arith.ori %gt3A_260, %and3A_263 : vector<16xi1>
      %broadcast_in_dim3A_265 = vector.broadcast %add3A_257 : i32 to vector<16xi32>
      %add3A_266 = vector.broadcast %mul3A_2 : i32 to vector<16xi32>
      %add3A_267 = arith.addi %add3A_266, %iota3A : vector<16xi32>
      %eq3A_268 = arith.cmpi eq, %broadcast_in_dim3A_265, %add3A_267 : vector<16xi32>
      %or3A_269 = arith.ori %or3A_264, %eq3A_268 : vector<16xi1>
      %broadcast_in_dim3A_270 = vector.broadcast %add3A_257 : i32 to vector<16xi32>
      %jit3A_271 = arith.constant 1.000000e+00 : f32
      %jit3A_272 = arith.constant 0.000000e+00 : f32
      %broadcast_in_dim3A_273 = vector.broadcast %jit3A_271 : f32 to vector<16xf32>
      %broadcast_in_dim3A_274 = vector.broadcast %jit3A_272 : f32 to vector<16xf32>
      %select_n3A_275 = arith.select %or3A_269, %broadcast_in_dim3A_273, %broadcast_in_dim3A_274 : vector<16xi1>, vector<16xf32>
      tpu.vector_store_idx %arg8[%iota3A, %broadcast_in_dim3A_270], %select_n3A_275 : memref<16x512xf32, #tpu.memory_space<vmem>>[vector<16xi32>, vector<16xi32>], vector<16xf32>,
      %convert_element_type3A_276 = arith.extui %eq3A_261 : vector<16xi1> to vector<16xi32>
      %add3A_277 = arith.addi %add3A_253, %convert_element_type3A_276 : vector<16xi32>
      scf.yield %add3A_277 : vector<16xi32>
    }
    %scan3A_188 = arith.constant 128 : i32
    "tpu.region"() ({
      %run_scoped3A = tpu.sem_alloc : memref<!tpu.dma_semaphore, #tpu.memory_space<semaphore_mem>>
      %dma_start3A = arith.constant 0 : i32
      %dma_start3A_189 = tpu.memref_slice %arg3[%mul3A_2, %dma_start3A] : memref<512x512xf32, #tpu.memory_space<hbm>> -> memref<16x512xf32, #tpu.memory_space<hbm>>
      %dma_start3A_190 = arith.constant 0 : i32
      %dma_start3A_191 = tpu.memref_slice %arg3[%mul3A_2, %dma_start3A_190] : memref<512x512xf32, #tpu.memory_space<hbm>> -> memref<16x512xf32, #tpu.memory_space<hbm>>
      tpu.enqueue_dma source(%arg8 : memref<16x512xf32, #tpu.memory_space<vmem>>) target(%dma_start3A_191 : memref<16x512xf32, #tpu.memory_space<hbm>>) target_semaphore(%run_scoped3A : memref<!tpu.dma_semaphore, #tpu.memory_space<semaphore_mem>>)
      %dma_wait3A = arith.constant 0 : i32
      %dma_wait3A_192 = tpu.memref_slice %arg3[%mul3A_2, %dma_wait3A] : memref<512x512xf32, #tpu.memory_space<hbm>> -> memref<16x512xf32, #tpu.memory_space<hbm>>
      %dma_wait3A_193 = arith.constant 0 : i32
      %dma_wait3A_194 = tpu.memref_slice %arg3[%mul3A_2, %dma_wait3A_193] : memref<512x512xf32, #tpu.memory_space<hbm>> -> memref<16x512xf32, #tpu.memory_space<hbm>>
      tpu.wait_dma2 semaphore(%run_scoped3A : memref<!tpu.dma_semaphore, #tpu.memory_space<semaphore_mem>>) src(%arg8 : memref<16x512xf32, #tpu.memory_space<vmem>>) dst(%dma_wait3A_194 : memref<16x512xf32, #tpu.memory_space<hbm>>)
      tpu.yield
    }) : () -> ()
    return
  }
}

module attributes {stable_mosaic.version = 14 : i64} {
  func.func @_cos_kernel(%arg0: memref<512x128xf32, #tpu.memory_space<vmem>>, %arg1: memref<512x512xf32, #tpu.memory_space<vmem>>) attributes {dimension_semantics = [], scalar_prefetch = 0 : i64, scratch_operands = 0 : i64, tpu.core_type = #tpu.core_type<tc>} {
    %get3A = arith.constant 0 : index
    %get3A_0 = arith.constant 0 : index
    %get3A_1 = vector.load %arg0[%get3A, %get3A_0] : memref<512x128xf32, #tpu.memory_space<vmem>>, vector<512x128xf32>
    %transpose3A = tpu.transpose %get3A_1, [1, 0] : vector<512x128xf32> -> vector<128x512xf32>
    %dot_general3A = arith.constant dense<0.000000e+00> : vector<512x512xf32>
    %dot_general3A_2 = tpu.matmul %get3A_1, %transpose3A, %dot_general3A {dimension_numbers = #tpu.dot_dimension_numbers<[1], [0], [0], [1], [0, 0, 1, 1], [], []>, transpose_lhs_hint = false} : vector<512x128xf32>, vector<128x512xf32>, vector<512x512xf32> -> vector<512x512xf32>
    %mul3A = arith.mulf %get3A_1, %get3A_1 : vector<512x128xf32>
    %reduce_sum3A = arith.constant dense<0.000000e+00> : vector<512xf32>
    %reduce_sum3A_3 = vector.multi_reduction <add>, %mul3A, %reduce_sum3A [1] : vector<512x128xf32> to vector<512xf32>
    %broadcast_in_dim3A = vector.shape_cast %reduce_sum3A_3 : vector<512xf32> to vector<512x1xf32>
    %sqrt3A = math.sqrt %broadcast_in_dim3A : vector<512x1xf32>
    %transpose3A_4 = tpu.transpose %sqrt3A, [1, 0] : vector<512x1xf32> -> vector<1x512xf32>
    %mul3A_5 = vector.broadcast %sqrt3A : vector<512x1xf32> to vector<512x512xf32>
    %mul3A_6 = vector.broadcast %transpose3A_4 : vector<1x512xf32> to vector<512x512xf32>
    %mul3A_7 = arith.mulf %mul3A_5, %mul3A_6 : vector<512x512xf32>
    %div3A = arith.divf %dot_general3A_2, %mul3A_7 : vector<512x512xf32>
    %swap3A = arith.constant 0 : index
    %swap3A_8 = arith.constant 0 : index
    %swap3A_9 = vector.load %arg1[%swap3A, %swap3A_8] : memref<512x512xf32, #tpu.memory_space<vmem>>, vector<512x512xf32>
    tpu.vector_store %arg1[%swap3A, %swap3A_8], %div3A {strides = array<i32>} : memref<512x512xf32, #tpu.memory_space<vmem>>, vector<512x512xf32>,
    return
  }
}

module attributes {stable_mosaic.version = 14 : i64} {
  func.func @_fwd_kernel(%arg0: i32, %arg1: memref<4x512x8xf32, #tpu.memory_space<vmem>>, %arg2: memref<512x512xf32, #tpu.memory_space<vmem>>, %arg3: memref<512x128xf32, #tpu.memory_space<vmem>>, %arg4: memref<8x128xf32, #tpu.memory_space<vmem>>, %arg5: memref<1x128xf32, #tpu.memory_space<vmem>>, %arg6: memref<1x128xf32, #tpu.memory_space<vmem>>, %arg7: memref<1x128xf32, #tpu.memory_space<vmem>>, %arg8: memref<1x128xf32, #tpu.memory_space<vmem>>, %arg9: memref<1x128xf32, #tpu.memory_space<vmem>>, %arg10: memref<1x128xf32, #tpu.memory_space<vmem>>, %arg11: memref<1x128xf32, #tpu.memory_space<vmem>>, %arg12: memref<1x128xf32, #tpu.memory_space<vmem>>, %arg13: memref<1x128xf32, #tpu.memory_space<vmem>>, %arg14: memref<128x256xf32, #tpu.memory_space<vmem>>, %arg15: memref<1x256xf32, #tpu.memory_space<vmem>>, %arg16: memref<1x256xf32, #tpu.memory_space<vmem>>, %arg17: memref<1x256xf32, #tpu.memory_space<vmem>>, %arg18: memref<1x256xf32, #tpu.memory_space<vmem>>, %arg19: memref<1x1xf32, #tpu.memory_space<vmem>>, %arg20: memref<4x1x512xf32, #tpu.memory_space<vmem>>) attributes {dimension_semantics = [#tpu.dimension_semantics<arbitrary>], iteration_bounds = array<i64: 8>, scalar_prefetch = 0 : i64, scratch_operands = 0 : i64, tpu.core_type = #tpu.core_type<tc>, window_params = [{transform_indices = @transform_0, window_bounds = array<i64: 4, 512, 8>}, {pipeline_mode = #tpu.pipeline_mode<synchronous>, transform_indices = @transform_1, window_bounds = array<i64: 512, 512>}, {pipeline_mode = #tpu.pipeline_mode<synchronous>, transform_indices = @transform_2, window_bounds = array<i64: 512, 128>}, {pipeline_mode = #tpu.pipeline_mode<synchronous>, transform_indices = @transform_3, window_bounds = array<i64: 8, 128>}, {pipeline_mode = #tpu.pipeline_mode<synchronous>, transform_indices = @transform_4, window_bounds = array<i64: 1, 128>}, {pipeline_mode = #tpu.pipeline_mode<synchronous>, transform_indices = @transform_5, window_bounds = array<i64: 1, 128>}, {pipeline_mode = #tpu.pipeline_mode<synchronous>, transform_indices = @transform_6, window_bounds = array<i64: 1, 128>}, {pipeline_mode = #tpu.pipeline_mode<synchronous>, transform_indices = @transform_7, window_bounds = array<i64: 1, 128>}, {pipeline_mode = #tpu.pipeline_mode<synchronous>, transform_indices = @transform_8, window_bounds = array<i64: 1, 128>}, {pipeline_mode = #tpu.pipeline_mode<synchronous>, transform_indices = @transform_9, window_bounds = array<i64: 1, 128>}, {pipeline_mode = #tpu.pipeline_mode<synchronous>, transform_indices = @transform_10, window_bounds = array<i64: 1, 128>}, {pipeline_mode = #tpu.pipeline_mode<synchronous>, transform_indices = @transform_11, window_bounds = array<i64: 1, 128>}, {pipeline_mode = #tpu.pipeline_mode<synchronous>, transform_indices = @transform_12, window_bounds = array<i64: 1, 128>}, {pipeline_mode = #tpu.pipeline_mode<synchronous>, transform_indices = @transform_13, window_bounds = array<i64: 128, 256>}, {pipeline_mode = #tpu.pipeline_mode<synchronous>, transform_indices = @transform_14, window_bounds = array<i64: 1, 256>}, {pipeline_mode = #tpu.pipeline_mode<synchronous>, transform_indices = @transform_15, window_bounds = array<i64: 1, 256>}, {pipeline_mode = #tpu.pipeline_mode<synchronous>, transform_indices = @transform_16, window_bounds = array<i64: 1, 256>}, {pipeline_mode = #tpu.pipeline_mode<synchronous>, transform_indices = @transform_17, window_bounds = array<i64: 1, 256>}, {pipeline_mode = #tpu.pipeline_mode<synchronous>, transform_indices = @transform_18, window_bounds = array<i64: 1, 1>}, {transform_indices = @transform_19, window_bounds = array<i64: 4, 1, 512>}]} {
    %get3A = arith.constant 0 : index
    %get3A_0 = arith.constant 0 : index
    %get3A_1 = vector.load %arg3[%get3A, %get3A_0] : memref<512x128xf32, #tpu.memory_space<vmem>>, vector<512x128xf32>
    %get3A_2 = arith.constant 0 : index
    %get3A_3 = arith.constant 0 : index
    %get3A_4 = vector.load %arg2[%get3A_2, %get3A_3] : memref<512x512xf32, #tpu.memory_space<vmem>>, vector<512x512xf32>
    %gt3A = arith.constant 0.000000e+00 : f32
    %gt3A_5 = vector.broadcast %gt3A : f32 to vector<512x512xf32>
    %gt3A_6 = arith.cmpf ogt, %get3A_4, %gt3A_5 : vector<512x512xf32>
    %get3A_7 = arith.constant 0 : index
    %get3A_8 = arith.constant 0 : index
    %get3A_9 = vector.load %arg7[%get3A_7, %get3A_8] : memref<1x128xf32, #tpu.memory_space<vmem>>, vector<1x128xf32>
    %mul3A = vector.broadcast %get3A_9 : vector<1x128xf32> to vector<512x128xf32>
    %mul3A_10 = arith.mulf %get3A_1, %mul3A : vector<512x128xf32>
    %reduce_sum3A = arith.constant dense<0.000000e+00> : vector<512xf32>
    %reduce_sum3A_11 = vector.multi_reduction <add>, %mul3A_10, %reduce_sum3A [1] : vector<512x128xf32> to vector<512xf32>
    %broadcast_in_dim3A = vector.shape_cast %reduce_sum3A_11 : vector<512xf32> to vector<512x1xf32>
    %get3A_12 = arith.constant 0 : index
    %get3A_13 = arith.constant 0 : index
    %get3A_14 = vector.load %arg8[%get3A_12, %get3A_13] : memref<1x128xf32, #tpu.memory_space<vmem>>, vector<1x128xf32>
    %mul3A_15 = vector.broadcast %get3A_14 : vector<1x128xf32> to vector<512x128xf32>
    %mul3A_16 = arith.mulf %get3A_1, %mul3A_15 : vector<512x128xf32>
    %reduce_sum3A_17 = arith.constant dense<0.000000e+00> : vector<512xf32>
    %reduce_sum3A_18 = vector.multi_reduction <add>, %mul3A_16, %reduce_sum3A_17 [1] : vector<512x128xf32> to vector<512xf32>
    %broadcast_in_dim3A_19 = vector.shape_cast %reduce_sum3A_18 : vector<512xf32> to vector<512x1xf32>
    %get3A_20 = arith.constant 0 : index
    %get3A_21 = arith.constant 0 : index
    %get3A_22 = arith.constant 0 : index
    %get3A_23 = vector.load %arg1[%get3A_20, %get3A_21, %get3A_22] : memref<4x512x8xf32, #tpu.memory_space<vmem>>, vector<1x512x8xf32>
    %get3A_24 = vector.shape_cast %get3A_23 : vector<1x512x8xf32> to vector<512x8xf32>
    %get3A_25 = arith.constant 0 : index
    %get3A_26 = arith.constant 0 : index
    %get3A_27 = vector.load %arg4[%get3A_25, %get3A_26] : memref<8x128xf32, #tpu.memory_space<vmem>>, vector<8x128xf32>
    %dot_general3A = arith.constant dense<0.000000e+00> : vector<512x128xf32>
    %dot_general3A_28 = tpu.matmul %get3A_24, %get3A_27, %dot_general3A {dimension_numbers = #tpu.dot_dimension_numbers<[1], [0], [0], [1], [0, 0, 1, 1], [], []>, transpose_lhs_hint = false} : vector<512x8xf32>, vector<8x128xf32>, vector<512x128xf32> -> vector<512x128xf32>
    %get3A_29 = arith.constant 0 : index
    %get3A_30 = arith.constant 0 : index
    %get3A_31 = vector.load %arg5[%get3A_29, %get3A_30] : memref<1x128xf32, #tpu.memory_space<vmem>>, vector<1x128xf32>
    %mul3A_32 = vector.broadcast %get3A_31 : vector<1x128xf32> to vector<512x128xf32>
    %mul3A_33 = arith.mulf %dot_general3A_28, %mul3A_32 : vector<512x128xf32>
    %reduce_sum3A_34 = arith.constant dense<0.000000e+00> : vector<512xf32>
    %reduce_sum3A_35 = vector.multi_reduction <add>, %mul3A_33, %reduce_sum3A_34 [1] : vector<512x128xf32> to vector<512xf32>
    %broadcast_in_dim3A_36 = vector.shape_cast %reduce_sum3A_35 : vector<512xf32> to vector<512x1xf32>
    %add3A = arith.addf %broadcast_in_dim3A_36, %broadcast_in_dim3A : vector<512x1xf32>
    %get3A_37 = arith.constant 0 : index
    %get3A_38 = arith.constant 0 : index
    %get3A_39 = vector.load %arg6[%get3A_37, %get3A_38] : memref<1x128xf32, #tpu.memory_space<vmem>>, vector<1x128xf32>
    %mul3A_40 = vector.broadcast %get3A_39 : vector<1x128xf32> to vector<512x128xf32>
    %mul3A_41 = arith.mulf %dot_general3A_28, %mul3A_40 : vector<512x128xf32>
    %reduce_sum3A_42 = arith.constant dense<0.000000e+00> : vector<512xf32>
    %reduce_sum3A_43 = vector.multi_reduction <add>, %mul3A_41, %reduce_sum3A_42 [1] : vector<512x128xf32> to vector<512xf32>
    %broadcast_in_dim3A_44 = vector.shape_cast %reduce_sum3A_43 : vector<512xf32> to vector<512x1xf32>
    %add3A_45 = arith.addf %broadcast_in_dim3A_44, %broadcast_in_dim3A_19 : vector<512x1xf32>
    %transpose3A = tpu.transpose %add3A_45, [1, 0] : vector<512x1xf32> -> vector<1x512xf32>
    %add3A_46 = vector.broadcast %add3A : vector<512x1xf32> to vector<512x512xf32>
    %add3A_47 = vector.broadcast %transpose3A : vector<1x512xf32> to vector<512x512xf32>
    %add3A_48 = arith.addf %add3A_46, %add3A_47 : vector<512x512xf32>
    %ge3A = arith.constant 0.000000e+00 : f32
    %ge3A_49 = vector.broadcast %ge3A : f32 to vector<512x512xf32>
    %ge3A_50 = arith.cmpf oge, %add3A_48, %ge3A_49 : vector<512x512xf32>
    %mul3A_51 = arith.constant 2.000000e-01 : f32
    %mul3A_52 = vector.broadcast %mul3A_51 : f32 to vector<512x512xf32>
    %mul3A_53 = arith.mulf %mul3A_52, %add3A_48 : vector<512x512xf32>
    %select_n3A = arith.select %ge3A_50, %add3A_48, %mul3A_53 : vector<512x512xi1>, vector<512x512xf32>
    %jit3A = arith.constant 0xFF800000 : f32
    %broadcast_in_dim3A_54 = vector.broadcast %jit3A : f32 to vector<512x512xf32>
    %select_n3A_55 = arith.select %gt3A_6, %select_n3A, %broadcast_in_dim3A_54 : vector<512x512xi1>, vector<512x512xf32>
    %reduce_max3A = arith.constant dense<0xFF800000> : vector<512xf32>
    %reduce_max3A_56 = vector.multi_reduction <maximumf>, %select_n3A_55, %reduce_max3A [1] : vector<512x512xf32> to vector<512xf32>
    %broadcast_in_dim3A_57 = vector.shape_cast %reduce_max3A_56 : vector<512xf32> to vector<512x1xf32>
    %sub3A = vector.broadcast %broadcast_in_dim3A_57 : vector<512x1xf32> to vector<512x512xf32>
    %sub3A_58 = arith.subf %select_n3A_55, %sub3A : vector<512x512xf32>
    %exp3A = math.exp %sub3A_58 : vector<512x512xf32>
    %reduce_sum3A_59 = arith.constant dense<0.000000e+00> : vector<512xf32>
    %reduce_sum3A_60 = vector.multi_reduction <add>, %exp3A, %reduce_sum3A_59 [1] : vector<512x512xf32> to vector<512xf32>
    %broadcast_in_dim3A_61 = vector.shape_cast %reduce_sum3A_60 : vector<512xf32> to vector<512x1xf32>
    %add3A_62 = arith.constant 1.000000e-16 : f32
    %add3A_63 = vector.broadcast %add3A_62 : f32 to vector<512x1xf32>
    %add3A_64 = arith.addf %broadcast_in_dim3A_61, %add3A_63 : vector<512x1xf32>
    %div3A = vector.broadcast %add3A_64 : vector<512x1xf32> to vector<512x512xf32>
    %div3A_65 = arith.divf %exp3A, %div3A : vector<512x512xf32>
    %dot_general3A_66 = arith.constant dense<0.000000e+00> : vector<512x128xf32>
    %dot_general3A_67 = tpu.matmul %div3A_65, %dot_general3A_28, %dot_general3A_66 {dimension_numbers = #tpu.dot_dimension_numbers<[1], [0], [0], [1], [0, 0, 1, 1], [], []>, transpose_lhs_hint = false} : vector<512x512xf32>, vector<512x128xf32>, vector<512x128xf32> -> vector<512x128xf32>
    %get3A_68 = arith.constant 0 : index
    %get3A_69 = arith.constant 0 : index
    %get3A_70 = vector.load %arg9[%get3A_68, %get3A_69] : memref<1x128xf32, #tpu.memory_space<vmem>>, vector<1x128xf32>
    %add3A_71 = vector.broadcast %get3A_70 : vector<1x128xf32> to vector<512x128xf32>
    %add3A_72 = arith.addf %dot_general3A_67, %add3A_71 : vector<512x128xf32>
    %get3A_73 = arith.constant 0 : index
    %get3A_74 = arith.constant 0 : index
    %get3A_75 = vector.load %arg10[%get3A_73, %get3A_74] : memref<1x128xf32, #tpu.memory_space<vmem>>, vector<1x128xf32>
    %rsqrt3A = arith.constant 1.000010e+00 : f32
    %rsqrt3A_76 = math.rsqrt %rsqrt3A : f32
    %mul3A_77 = vector.broadcast %rsqrt3A_76 : f32 to vector<1x128xf32>
    %mul3A_78 = arith.mulf %get3A_75, %mul3A_77 : vector<1x128xf32>
    %mul3A_79 = vector.broadcast %mul3A_78 : vector<1x128xf32> to vector<512x128xf32>
    %mul3A_80 = arith.mulf %add3A_72, %mul3A_79 : vector<512x128xf32>
    %get3A_81 = arith.constant 0 : index
    %get3A_82 = arith.constant 0 : index
    %get3A_83 = vector.load %arg11[%get3A_81, %get3A_82] : memref<1x128xf32, #tpu.memory_space<vmem>>, vector<1x128xf32>
    %add3A_84 = vector.broadcast %get3A_83 : vector<1x128xf32> to vector<512x128xf32>
    %add3A_85 = arith.addf %mul3A_80, %add3A_84 : vector<512x128xf32>
    %max3A = arith.constant 0.000000e+00 : f32
    %max3A_86 = vector.broadcast %max3A : f32 to vector<512x128xf32>
    %max3A_87 = arith.maximumf %add3A_85, %max3A_86 : vector<512x128xf32>
    %mul3A_88 = arith.mulf %max3A_87, %get3A_1 : vector<512x128xf32>
    %get3A_89 = arith.constant 0 : index
    %get3A_90 = arith.constant 0 : index
    %get3A_91 = vector.load %arg12[%get3A_89, %get3A_90] : memref<1x128xf32, #tpu.memory_space<vmem>>, vector<1x128xf32>
    %rsqrt3A_92 = arith.constant 1.000010e+00 : f32
    %rsqrt3A_93 = math.rsqrt %rsqrt3A_92 : f32
    %mul3A_94 = vector.broadcast %rsqrt3A_93 : f32 to vector<1x128xf32>
    %mul3A_95 = arith.mulf %get3A_91, %mul3A_94 : vector<1x128xf32>
    %mul3A_96 = vector.broadcast %mul3A_95 : vector<1x128xf32> to vector<512x128xf32>
    %mul3A_97 = arith.mulf %mul3A_88, %mul3A_96 : vector<512x128xf32>
    %get3A_98 = arith.constant 0 : index
    %get3A_99 = arith.constant 0 : index
    %get3A_100 = vector.load %arg13[%get3A_98, %get3A_99] : memref<1x128xf32, #tpu.memory_space<vmem>>, vector<1x128xf32>
    %add3A_101 = vector.broadcast %get3A_100 : vector<1x128xf32> to vector<512x128xf32>
    %add3A_102 = arith.addf %mul3A_97, %add3A_101 : vector<512x128xf32>
    %max3A_103 = arith.constant 0.000000e+00 : f32
    %max3A_104 = vector.broadcast %max3A_103 : f32 to vector<512x128xf32>
    %max3A_105 = arith.maximumf %add3A_102, %max3A_104 : vector<512x128xf32>
    %get3A_106 = arith.constant 0 : index
    %get3A_107 = arith.constant 0 : index
    %get3A_108 = vector.load %arg14[%get3A_106, %get3A_107] : memref<128x256xf32, #tpu.memory_space<vmem>>, vector<128x256xf32>
    %dot_general3A_109 = arith.constant dense<0.000000e+00> : vector<512x256xf32>
    %dot_general3A_110 = tpu.matmul %max3A_105, %get3A_108, %dot_general3A_109 {dimension_numbers = #tpu.dot_dimension_numbers<[1], [0], [0], [1], [0, 0, 1, 1], [], []>, transpose_lhs_hint = false} : vector<512x128xf32>, vector<128x256xf32>, vector<512x256xf32> -> vector<512x256xf32>
    %get3A_111 = arith.constant 0 : index
    %get3A_112 = arith.constant 0 : index
    %get3A_113 = vector.load %arg15[%get3A_111, %get3A_112] : memref<1x256xf32, #tpu.memory_space<vmem>>, vector<1x256xf32>
    %add3A_114 = vector.broadcast %get3A_113 : vector<1x256xf32> to vector<512x256xf32>
    %add3A_115 = arith.addf %dot_general3A_110, %add3A_114 : vector<512x256xf32>
    %get3A_116 = arith.constant 0 : index
    %get3A_117 = arith.constant 0 : index
    %get3A_118 = vector.load %arg16[%get3A_116, %get3A_117] : memref<1x256xf32, #tpu.memory_space<vmem>>, vector<1x256xf32>
    %rsqrt3A_119 = arith.constant 1.000010e+00 : f32
    %rsqrt3A_120 = math.rsqrt %rsqrt3A_119 : f32
    %mul3A_121 = vector.broadcast %rsqrt3A_120 : f32 to vector<1x256xf32>
    %mul3A_122 = arith.mulf %get3A_118, %mul3A_121 : vector<1x256xf32>
    %mul3A_123 = vector.broadcast %mul3A_122 : vector<1x256xf32> to vector<512x256xf32>
    %mul3A_124 = arith.mulf %add3A_115, %mul3A_123 : vector<512x256xf32>
    %get3A_125 = arith.constant 0 : index
    %get3A_126 = arith.constant 0 : index
    %get3A_127 = vector.load %arg17[%get3A_125, %get3A_126] : memref<1x256xf32, #tpu.memory_space<vmem>>, vector<1x256xf32>
    %add3A_128 = vector.broadcast %get3A_127 : vector<1x256xf32> to vector<512x256xf32>
    %add3A_129 = arith.addf %mul3A_124, %add3A_128 : vector<512x256xf32>
    %max3A_130 = arith.constant 0.000000e+00 : f32
    %max3A_131 = vector.broadcast %max3A_130 : f32 to vector<512x256xf32>
    %max3A_132 = arith.maximumf %add3A_129, %max3A_131 : vector<512x256xf32>
    %get3A_133 = arith.constant 0 : index
    %get3A_134 = arith.constant 0 : index
    %get3A_135 = vector.load %arg18[%get3A_133, %get3A_134] : memref<1x256xf32, #tpu.memory_space<vmem>>, vector<1x256xf32>
    %dot_general3A_136 = arith.constant dense<0.000000e+00> : vector<1x512xf32>
    %dot_general3A_137 = tpu.matmul %get3A_135, %max3A_132, %dot_general3A_136 {dimension_numbers = #tpu.dot_dimension_numbers<[1], [1], [0], [0], [0, 0, 1, 0], [], []>, transpose_lhs_hint = false} : vector<1x256xf32>, vector<512x256xf32>, vector<1x512xf32> -> vector<1x512xf32>
    %get3A_138 = arith.constant 0 : index
    %get3A_139 = arith.constant 0 : index
    %get3A_140 = vector.load %arg19[%get3A_138, %get3A_139] : memref<1x1xf32, #tpu.memory_space<vmem>>, vector<1x1xf32>
    %add3A_141 = vector.broadcast %get3A_140 : vector<1x1xf32> to vector<1x512xf32>
    %add3A_142 = arith.addf %dot_general3A_137, %add3A_141 : vector<1x512xf32>
    %swap3A = arith.constant 0 : index
    %swap3A_143 = arith.constant 0 : index
    %swap3A_144 = arith.constant 0 : index
    %swap3A_145 = vector.load %arg20[%swap3A, %swap3A_143, %swap3A_144] : memref<4x1x512xf32, #tpu.memory_space<vmem>>, vector<1x1x512xf32>
    %swap3A_146 = vector.shape_cast %swap3A_145 : vector<1x1x512xf32> to vector<1x512xf32>
    %swap3A_147 = vector.shape_cast %add3A_142 : vector<1x512xf32> to vector<1x1x512xf32>
    tpu.vector_store %arg20[%swap3A, %swap3A_143, %swap3A_144], %swap3A_147 {strides = array<i32>} : memref<4x1x512xf32, #tpu.memory_space<vmem>>, vector<1x1x512xf32>,
    %get3A_148 = arith.constant 1 : index
    %get3A_149 = arith.constant 0 : index
    %get3A_150 = arith.constant 0 : index
    %get3A_151 = vector.load %arg1[%get3A_148, %get3A_149, %get3A_150] : memref<4x512x8xf32, #tpu.memory_space<vmem>>, vector<1x512x8xf32>
    %get3A_152 = vector.shape_cast %get3A_151 : vector<1x512x8xf32> to vector<512x8xf32>
    %get3A_153 = arith.constant 0 : index
    %get3A_154 = arith.constant 0 : index
    %get3A_155 = vector.load %arg4[%get3A_153, %get3A_154] : memref<8x128xf32, #tpu.memory_space<vmem>>, vector<8x128xf32>
    %dot_general3A_156 = arith.constant dense<0.000000e+00> : vector<512x128xf32>
    %dot_general3A_157 = tpu.matmul %get3A_152, %get3A_155, %dot_general3A_156 {dimension_numbers = #tpu.dot_dimension_numbers<[1], [0], [0], [1], [0, 0, 1, 1], [], []>, transpose_lhs_hint = false} : vector<512x8xf32>, vector<8x128xf32>, vector<512x128xf32> -> vector<512x128xf32>
    %get3A_158 = arith.constant 0 : index
    %get3A_159 = arith.constant 0 : index
    %get3A_160 = vector.load %arg5[%get3A_158, %get3A_159] : memref<1x128xf32, #tpu.memory_space<vmem>>, vector<1x128xf32>
    %mul3A_161 = vector.broadcast %get3A_160 : vector<1x128xf32> to vector<512x128xf32>
    %mul3A_162 = arith.mulf %dot_general3A_157, %mul3A_161 : vector<512x128xf32>
    %reduce_sum3A_163 = arith.constant dense<0.000000e+00> : vector<512xf32>
    %reduce_sum3A_164 = vector.multi_reduction <add>, %mul3A_162, %reduce_sum3A_163 [1] : vector<512x128xf32> to vector<512xf32>
    %broadcast_in_dim3A_165 = vector.shape_cast %reduce_sum3A_164 : vector<512xf32> to vector<512x1xf32>
    %add3A_166 = arith.addf %broadcast_in_dim3A_165, %broadcast_in_dim3A : vector<512x1xf32>
    %get3A_167 = arith.constant 0 : index
    %get3A_168 = arith.constant 0 : index
    %get3A_169 = vector.load %arg6[%get3A_167, %get3A_168] : memref<1x128xf32, #tpu.memory_space<vmem>>, vector<1x128xf32>
    %mul3A_170 = vector.broadcast %get3A_169 : vector<1x128xf32> to vector<512x128xf32>
    %mul3A_171 = arith.mulf %dot_general3A_157, %mul3A_170 : vector<512x128xf32>
    %reduce_sum3A_172 = arith.constant dense<0.000000e+00> : vector<512xf32>
    %reduce_sum3A_173 = vector.multi_reduction <add>, %mul3A_171, %reduce_sum3A_172 [1] : vector<512x128xf32> to vector<512xf32>
    %broadcast_in_dim3A_174 = vector.shape_cast %reduce_sum3A_173 : vector<512xf32> to vector<512x1xf32>
    %add3A_175 = arith.addf %broadcast_in_dim3A_174, %broadcast_in_dim3A_19 : vector<512x1xf32>
    %transpose3A_176 = tpu.transpose %add3A_175, [1, 0] : vector<512x1xf32> -> vector<1x512xf32>
    %add3A_177 = vector.broadcast %add3A_166 : vector<512x1xf32> to vector<512x512xf32>
    %add3A_178 = vector.broadcast %transpose3A_176 : vector<1x512xf32> to vector<512x512xf32>
    %add3A_179 = arith.addf %add3A_177, %add3A_178 : vector<512x512xf32>
    %ge3A_180 = arith.constant 0.000000e+00 : f32
    %ge3A_181 = vector.broadcast %ge3A_180 : f32 to vector<512x512xf32>
    %ge3A_182 = arith.cmpf oge, %add3A_179, %ge3A_181 : vector<512x512xf32>
    %mul3A_183 = arith.constant 2.000000e-01 : f32
    %mul3A_184 = vector.broadcast %mul3A_183 : f32 to vector<512x512xf32>
    %mul3A_185 = arith.mulf %mul3A_184, %add3A_179 : vector<512x512xf32>
    %select_n3A_186 = arith.select %ge3A_182, %add3A_179, %mul3A_185 : vector<512x512xi1>, vector<512x512xf32>
    %jit3A_187 = arith.constant 0xFF800000 : f32
    %broadcast_in_dim3A_188 = vector.broadcast %jit3A_187 : f32 to vector<512x512xf32>
    %select_n3A_189 = arith.select %gt3A_6, %select_n3A_186, %broadcast_in_dim3A_188 : vector<512x512xi1>, vector<512x512xf32>
    %reduce_max3A_190 = arith.constant dense<0xFF800000> : vector<512xf32>
    %reduce_max3A_191 = vector.multi_reduction <maximumf>, %select_n3A_189, %reduce_max3A_190 [1] : vector<512x512xf32> to vector<512xf32>
    %broadcast_in_dim3A_192 = vector.shape_cast %reduce_max3A_191 : vector<512xf32> to vector<512x1xf32>
    %sub3A_193 = vector.broadcast %broadcast_in_dim3A_192 : vector<512x1xf32> to vector<512x512xf32>
    %sub3A_194 = arith.subf %select_n3A_189, %sub3A_193 : vector<512x512xf32>
    %exp3A_195 = math.exp %sub3A_194 : vector<512x512xf32>
    %reduce_sum3A_196 = arith.constant dense<0.000000e+00> : vector<512xf32>
    %reduce_sum3A_197 = vector.multi_reduction <add>, %exp3A_195, %reduce_sum3A_196 [1] : vector<512x512xf32> to vector<512xf32>
    %broadcast_in_dim3A_198 = vector.shape_cast %reduce_sum3A_197 : vector<512xf32> to vector<512x1xf32>
    %add3A_199 = arith.constant 1.000000e-16 : f32
    %add3A_200 = vector.broadcast %add3A_199 : f32 to vector<512x1xf32>
    %add3A_201 = arith.addf %broadcast_in_dim3A_198, %add3A_200 : vector<512x1xf32>
    %div3A_202 = vector.broadcast %add3A_201 : vector<512x1xf32> to vector<512x512xf32>
    %div3A_203 = arith.divf %exp3A_195, %div3A_202 : vector<512x512xf32>
    %dot_general3A_204 = arith.constant dense<0.000000e+00> : vector<512x128xf32>
    %dot_general3A_205 = tpu.matmul %div3A_203, %dot_general3A_157, %dot_general3A_204 {dimension_numbers = #tpu.dot_dimension_numbers<[1], [0], [0], [1], [0, 0, 1, 1], [], []>, transpose_lhs_hint = false} : vector<512x512xf32>, vector<512x128xf32>, vector<512x128xf32> -> vector<512x128xf32>
    %get3A_206 = arith.constant 0 : index
    %get3A_207 = arith.constant 0 : index
    %get3A_208 = vector.load %arg9[%get3A_206, %get3A_207] : memref<1x128xf32, #tpu.memory_space<vmem>>, vector<1x128xf32>
    %add3A_209 = vector.broadcast %get3A_208 : vector<1x128xf32> to vector<512x128xf32>
    %add3A_210 = arith.addf %dot_general3A_205, %add3A_209 : vector<512x128xf32>
    %get3A_211 = arith.constant 0 : index
    %get3A_212 = arith.constant 0 : index
    %get3A_213 = vector.load %arg10[%get3A_211, %get3A_212] : memref<1x128xf32, #tpu.memory_space<vmem>>, vector<1x128xf32>
    %rsqrt3A_214 = arith.constant 1.000010e+00 : f32
    %rsqrt3A_215 = math.rsqrt %rsqrt3A_214 : f32
    %mul3A_216 = vector.broadcast %rsqrt3A_215 : f32 to vector<1x128xf32>
    %mul3A_217 = arith.mulf %get3A_213, %mul3A_216 : vector<1x128xf32>
    %mul3A_218 = vector.broadcast %mul3A_217 : vector<1x128xf32> to vector<512x128xf32>
    %mul3A_219 = arith.mulf %add3A_210, %mul3A_218 : vector<512x128xf32>
    %get3A_220 = arith.constant 0 : index
    %get3A_221 = arith.constant 0 : index
    %get3A_222 = vector.load %arg11[%get3A_220, %get3A_221] : memref<1x128xf32, #tpu.memory_space<vmem>>, vector<1x128xf32>
    %add3A_223 = vector.broadcast %get3A_222 : vector<1x128xf32> to vector<512x128xf32>
    %add3A_224 = arith.addf %mul3A_219, %add3A_223 : vector<512x128xf32>
    %max3A_225 = arith.constant 0.000000e+00 : f32
    %max3A_226 = vector.broadcast %max3A_225 : f32 to vector<512x128xf32>
    %max3A_227 = arith.maximumf %add3A_224, %max3A_226 : vector<512x128xf32>
    %mul3A_228 = arith.mulf %max3A_227, %get3A_1 : vector<512x128xf32>
    %get3A_229 = arith.constant 0 : index
    %get3A_230 = arith.constant 0 : index
    %get3A_231 = vector.load %arg12[%get3A_229, %get3A_230] : memref<1x128xf32, #tpu.memory_space<vmem>>, vector<1x128xf32>
    %rsqrt3A_232 = arith.constant 1.000010e+00 : f32
    %rsqrt3A_233 = math.rsqrt %rsqrt3A_232 : f32
    %mul3A_234 = vector.broadcast %rsqrt3A_233 : f32 to vector<1x128xf32>
    %mul3A_235 = arith.mulf %get3A_231, %mul3A_234 : vector<1x128xf32>
    %mul3A_236 = vector.broadcast %mul3A_235 : vector<1x128xf32> to vector<512x128xf32>
    %mul3A_237 = arith.mulf %mul3A_228, %mul3A_236 : vector<512x128xf32>
    %get3A_238 = arith.constant 0 : index
    %get3A_239 = arith.constant 0 : index
    %get3A_240 = vector.load %arg13[%get3A_238, %get3A_239] : memref<1x128xf32, #tpu.memory_space<vmem>>, vector<1x128xf32>
    %add3A_241 = vector.broadcast %get3A_240 : vector<1x128xf32> to vector<512x128xf32>
    %add3A_242 = arith.addf %mul3A_237, %add3A_241 : vector<512x128xf32>
    %max3A_243 = arith.constant 0.000000e+00 : f32
    %max3A_244 = vector.broadcast %max3A_243 : f32 to vector<512x128xf32>
    %max3A_245 = arith.maximumf %add3A_242, %max3A_244 : vector<512x128xf32>
    %get3A_246 = arith.constant 0 : index
    %get3A_247 = arith.constant 0 : index
    %get3A_248 = vector.load %arg14[%get3A_246, %get3A_247] : memref<128x256xf32, #tpu.memory_space<vmem>>, vector<128x256xf32>
    %dot_general3A_249 = arith.constant dense<0.000000e+00> : vector<512x256xf32>
    %dot_general3A_250 = tpu.matmul %max3A_245, %get3A_248, %dot_general3A_249 {dimension_numbers = #tpu.dot_dimension_numbers<[1], [0], [0], [1], [0, 0, 1, 1], [], []>, transpose_lhs_hint = false} : vector<512x128xf32>, vector<128x256xf32>, vector<512x256xf32> -> vector<512x256xf32>
    %get3A_251 = arith.constant 0 : index
    %get3A_252 = arith.constant 0 : index
    %get3A_253 = vector.load %arg15[%get3A_251, %get3A_252] : memref<1x256xf32, #tpu.memory_space<vmem>>, vector<1x256xf32>
    %add3A_254 = vector.broadcast %get3A_253 : vector<1x256xf32> to vector<512x256xf32>
    %add3A_255 = arith.addf %dot_general3A_250, %add3A_254 : vector<512x256xf32>
    %get3A_256 = arith.constant 0 : index
    %get3A_257 = arith.constant 0 : index
    %get3A_258 = vector.load %arg16[%get3A_256, %get3A_257] : memref<1x256xf32, #tpu.memory_space<vmem>>, vector<1x256xf32>
    %rsqrt3A_259 = arith.constant 1.000010e+00 : f32
    %rsqrt3A_260 = math.rsqrt %rsqrt3A_259 : f32
    %mul3A_261 = vector.broadcast %rsqrt3A_260 : f32 to vector<1x256xf32>
    %mul3A_262 = arith.mulf %get3A_258, %mul3A_261 : vector<1x256xf32>
    %mul3A_263 = vector.broadcast %mul3A_262 : vector<1x256xf32> to vector<512x256xf32>
    %mul3A_264 = arith.mulf %add3A_255, %mul3A_263 : vector<512x256xf32>
    %get3A_265 = arith.constant 0 : index
    %get3A_266 = arith.constant 0 : index
    %get3A_267 = vector.load %arg17[%get3A_265, %get3A_266] : memref<1x256xf32, #tpu.memory_space<vmem>>, vector<1x256xf32>
    %add3A_268 = vector.broadcast %get3A_267 : vector<1x256xf32> to vector<512x256xf32>
    %add3A_269 = arith.addf %mul3A_264, %add3A_268 : vector<512x256xf32>
    %max3A_270 = arith.constant 0.000000e+00 : f32
    %max3A_271 = vector.broadcast %max3A_270 : f32 to vector<512x256xf32>
    %max3A_272 = arith.maximumf %add3A_269, %max3A_271 : vector<512x256xf32>
    %get3A_273 = arith.constant 0 : index
    %get3A_274 = arith.constant 0 : index
    %get3A_275 = vector.load %arg18[%get3A_273, %get3A_274] : memref<1x256xf32, #tpu.memory_space<vmem>>, vector<1x256xf32>
    %dot_general3A_276 = arith.constant dense<0.000000e+00> : vector<1x512xf32>
    %dot_general3A_277 = tpu.matmul %get3A_275, %max3A_272, %dot_general3A_276 {dimension_numbers = #tpu.dot_dimension_numbers<[1], [1], [0], [0], [0, 0, 1, 0], [], []>, transpose_lhs_hint = false} : vector<1x256xf32>, vector<512x256xf32>, vector<1x512xf32> -> vector<1x512xf32>
    %get3A_278 = arith.constant 0 : index
    %get3A_279 = arith.constant 0 : index
    %get3A_280 = vector.load %arg19[%get3A_278, %get3A_279] : memref<1x1xf32, #tpu.memory_space<vmem>>, vector<1x1xf32>
    %add3A_281 = vector.broadcast %get3A_280 : vector<1x1xf32> to vector<1x512xf32>
    %add3A_282 = arith.addf %dot_general3A_277, %add3A_281 : vector<1x512xf32>
    %swap3A_283 = arith.constant 1 : index
    %swap3A_284 = arith.constant 0 : index
    %swap3A_285 = arith.constant 0 : index
    %swap3A_286 = vector.load %arg20[%swap3A_283, %swap3A_284, %swap3A_285] : memref<4x1x512xf32, #tpu.memory_space<vmem>>, vector<1x1x512xf32>
    %swap3A_287 = vector.shape_cast %swap3A_286 : vector<1x1x512xf32> to vector<1x512xf32>
    %swap3A_288 = vector.shape_cast %add3A_282 : vector<1x512xf32> to vector<1x1x512xf32>
    tpu.vector_store %arg20[%swap3A_283, %swap3A_284, %swap3A_285], %swap3A_288 {strides = array<i32>} : memref<4x1x512xf32, #tpu.memory_space<vmem>>, vector<1x1x512xf32>,
    %get3A_289 = arith.constant 2 : index
    %get3A_290 = arith.constant 0 : index
    %get3A_291 = arith.constant 0 : index
    %get3A_292 = vector.load %arg1[%get3A_289, %get3A_290, %get3A_291] : memref<4x512x8xf32, #tpu.memory_space<vmem>>, vector<1x512x8xf32>
    %get3A_293 = vector.shape_cast %get3A_292 : vector<1x512x8xf32> to vector<512x8xf32>
    %get3A_294 = arith.constant 0 : index
    %get3A_295 = arith.constant 0 : index
    %get3A_296 = vector.load %arg4[%get3A_294, %get3A_295] : memref<8x128xf32, #tpu.memory_space<vmem>>, vector<8x128xf32>
    %dot_general3A_297 = arith.constant dense<0.000000e+00> : vector<512x128xf32>
    %dot_general3A_298 = tpu.matmul %get3A_293, %get3A_296, %dot_general3A_297 {dimension_numbers = #tpu.dot_dimension_numbers<[1], [0], [0], [1], [0, 0, 1, 1], [], []>, transpose_lhs_hint = false} : vector<512x8xf32>, vector<8x128xf32>, vector<512x128xf32> -> vector<512x128xf32>
    %get3A_299 = arith.constant 0 : index
    %get3A_300 = arith.constant 0 : index
    %get3A_301 = vector.load %arg5[%get3A_299, %get3A_300] : memref<1x128xf32, #tpu.memory_space<vmem>>, vector<1x128xf32>
    %mul3A_302 = vector.broadcast %get3A_301 : vector<1x128xf32> to vector<512x128xf32>
    %mul3A_303 = arith.mulf %dot_general3A_298, %mul3A_302 : vector<512x128xf32>
    %reduce_sum3A_304 = arith.constant dense<0.000000e+00> : vector<512xf32>
    %reduce_sum3A_305 = vector.multi_reduction <add>, %mul3A_303, %reduce_sum3A_304 [1] : vector<512x128xf32> to vector<512xf32>
    %broadcast_in_dim3A_306 = vector.shape_cast %reduce_sum3A_305 : vector<512xf32> to vector<512x1xf32>
    %add3A_307 = arith.addf %broadcast_in_dim3A_306, %broadcast_in_dim3A : vector<512x1xf32>
    %get3A_308 = arith.constant 0 : index
    %get3A_309 = arith.constant 0 : index
    %get3A_310 = vector.load %arg6[%get3A_308, %get3A_309] : memref<1x128xf32, #tpu.memory_space<vmem>>, vector<1x128xf32>
    %mul3A_311 = vector.broadcast %get3A_310 : vector<1x128xf32> to vector<512x128xf32>
    %mul3A_312 = arith.mulf %dot_general3A_298, %mul3A_311 : vector<512x128xf32>
    %reduce_sum3A_313 = arith.constant dense<0.000000e+00> : vector<512xf32>
    %reduce_sum3A_314 = vector.multi_reduction <add>, %mul3A_312, %reduce_sum3A_313 [1] : vector<512x128xf32> to vector<512xf32>
    %broadcast_in_dim3A_315 = vector.shape_cast %reduce_sum3A_314 : vector<512xf32> to vector<512x1xf32>
    %add3A_316 = arith.addf %broadcast_in_dim3A_315, %broadcast_in_dim3A_19 : vector<512x1xf32>
    %transpose3A_317 = tpu.transpose %add3A_316, [1, 0] : vector<512x1xf32> -> vector<1x512xf32>
    %add3A_318 = vector.broadcast %add3A_307 : vector<512x1xf32> to vector<512x512xf32>
    %add3A_319 = vector.broadcast %transpose3A_317 : vector<1x512xf32> to vector<512x512xf32>
    %add3A_320 = arith.addf %add3A_318, %add3A_319 : vector<512x512xf32>
    %ge3A_321 = arith.constant 0.000000e+00 : f32
    %ge3A_322 = vector.broadcast %ge3A_321 : f32 to vector<512x512xf32>
    %ge3A_323 = arith.cmpf oge, %add3A_320, %ge3A_322 : vector<512x512xf32>
    %mul3A_324 = arith.constant 2.000000e-01 : f32
    %mul3A_325 = vector.broadcast %mul3A_324 : f32 to vector<512x512xf32>
    %mul3A_326 = arith.mulf %mul3A_325, %add3A_320 : vector<512x512xf32>
    %select_n3A_327 = arith.select %ge3A_323, %add3A_320, %mul3A_326 : vector<512x512xi1>, vector<512x512xf32>
    %jit3A_328 = arith.constant 0xFF800000 : f32
    %broadcast_in_dim3A_329 = vector.broadcast %jit3A_328 : f32 to vector<512x512xf32>
    %select_n3A_330 = arith.select %gt3A_6, %select_n3A_327, %broadcast_in_dim3A_329 : vector<512x512xi1>, vector<512x512xf32>
    %reduce_max3A_331 = arith.constant dense<0xFF800000> : vector<512xf32>
    %reduce_max3A_332 = vector.multi_reduction <maximumf>, %select_n3A_330, %reduce_max3A_331 [1] : vector<512x512xf32> to vector<512xf32>
    %broadcast_in_dim3A_333 = vector.shape_cast %reduce_max3A_332 : vector<512xf32> to vector<512x1xf32>
    %sub3A_334 = vector.broadcast %broadcast_in_dim3A_333 : vector<512x1xf32> to vector<512x512xf32>
    %sub3A_335 = arith.subf %select_n3A_330, %sub3A_334 : vector<512x512xf32>
    %exp3A_336 = math.exp %sub3A_335 : vector<512x512xf32>
    %reduce_sum3A_337 = arith.constant dense<0.000000e+00> : vector<512xf32>
    %reduce_sum3A_338 = vector.multi_reduction <add>, %exp3A_336, %reduce_sum3A_337 [1] : vector<512x512xf32> to vector<512xf32>
    %broadcast_in_dim3A_339 = vector.shape_cast %reduce_sum3A_338 : vector<512xf32> to vector<512x1xf32>
    %add3A_340 = arith.constant 1.000000e-16 : f32
    %add3A_341 = vector.broadcast %add3A_340 : f32 to vector<512x1xf32>
    %add3A_342 = arith.addf %broadcast_in_dim3A_339, %add3A_341 : vector<512x1xf32>
    %div3A_343 = vector.broadcast %add3A_342 : vector<512x1xf32> to vector<512x512xf32>
    %div3A_344 = arith.divf %exp3A_336, %div3A_343 : vector<512x512xf32>
    %dot_general3A_345 = arith.constant dense<0.000000e+00> : vector<512x128xf32>
    %dot_general3A_346 = tpu.matmul %div3A_344, %dot_general3A_298, %dot_general3A_345 {dimension_numbers = #tpu.dot_dimension_numbers<[1], [0], [0], [1], [0, 0, 1, 1], [], []>, transpose_lhs_hint = false} : vector<512x512xf32>, vector<512x128xf32>, vector<512x128xf32> -> vector<512x128xf32>
    %get3A_347 = arith.constant 0 : index
    %get3A_348 = arith.constant 0 : index
    %get3A_349 = vector.load %arg9[%get3A_347, %get3A_348] : memref<1x128xf32, #tpu.memory_space<vmem>>, vector<1x128xf32>
    %add3A_350 = vector.broadcast %get3A_349 : vector<1x128xf32> to vector<512x128xf32>
    %add3A_351 = arith.addf %dot_general3A_346, %add3A_350 : vector<512x128xf32>
    %get3A_352 = arith.constant 0 : index
    %get3A_353 = arith.constant 0 : index
    %get3A_354 = vector.load %arg10[%get3A_352, %get3A_353] : memref<1x128xf32, #tpu.memory_space<vmem>>, vector<1x128xf32>
    %rsqrt3A_355 = arith.constant 1.000010e+00 : f32
    %rsqrt3A_356 = math.rsqrt %rsqrt3A_355 : f32
    %mul3A_357 = vector.broadcast %rsqrt3A_356 : f32 to vector<1x128xf32>
    %mul3A_358 = arith.mulf %get3A_354, %mul3A_357 : vector<1x128xf32>
    %mul3A_359 = vector.broadcast %mul3A_358 : vector<1x128xf32> to vector<512x128xf32>
    %mul3A_360 = arith.mulf %add3A_351, %mul3A_359 : vector<512x128xf32>
    %get3A_361 = arith.constant 0 : index
    %get3A_362 = arith.constant 0 : index
    %get3A_363 = vector.load %arg11[%get3A_361, %get3A_362] : memref<1x128xf32, #tpu.memory_space<vmem>>, vector<1x128xf32>
    %add3A_364 = vector.broadcast %get3A_363 : vector<1x128xf32> to vector<512x128xf32>
    %add3A_365 = arith.addf %mul3A_360, %add3A_364 : vector<512x128xf32>
    %max3A_366 = arith.constant 0.000000e+00 : f32
    %max3A_367 = vector.broadcast %max3A_366 : f32 to vector<512x128xf32>
    %max3A_368 = arith.maximumf %add3A_365, %max3A_367 : vector<512x128xf32>
    %mul3A_369 = arith.mulf %max3A_368, %get3A_1 : vector<512x128xf32>
    %get3A_370 = arith.constant 0 : index
    %get3A_371 = arith.constant 0 : index
    %get3A_372 = vector.load %arg12[%get3A_370, %get3A_371] : memref<1x128xf32, #tpu.memory_space<vmem>>, vector<1x128xf32>
    %rsqrt3A_373 = arith.constant 1.000010e+00 : f32
    %rsqrt3A_374 = math.rsqrt %rsqrt3A_373 : f32
    %mul3A_375 = vector.broadcast %rsqrt3A_374 : f32 to vector<1x128xf32>
    %mul3A_376 = arith.mulf %get3A_372, %mul3A_375 : vector<1x128xf32>
    %mul3A_377 = vector.broadcast %mul3A_376 : vector<1x128xf32> to vector<512x128xf32>
    %mul3A_378 = arith.mulf %mul3A_369, %mul3A_377 : vector<512x128xf32>
    %get3A_379 = arith.constant 0 : index
    %get3A_380 = arith.constant 0 : index
    %get3A_381 = vector.load %arg13[%get3A_379, %get3A_380] : memref<1x128xf32, #tpu.memory_space<vmem>>, vector<1x128xf32>
    %add3A_382 = vector.broadcast %get3A_381 : vector<1x128xf32> to vector<512x128xf32>
    %add3A_383 = arith.addf %mul3A_378, %add3A_382 : vector<512x128xf32>
    %max3A_384 = arith.constant 0.000000e+00 : f32
    %max3A_385 = vector.broadcast %max3A_384 : f32 to vector<512x128xf32>
    %max3A_386 = arith.maximumf %add3A_383, %max3A_385 : vector<512x128xf32>
    %get3A_387 = arith.constant 0 : index
    %get3A_388 = arith.constant 0 : index
    %get3A_389 = vector.load %arg14[%get3A_387, %get3A_388] : memref<128x256xf32, #tpu.memory_space<vmem>>, vector<128x256xf32>
    %dot_general3A_390 = arith.constant dense<0.000000e+00> : vector<512x256xf32>
    %dot_general3A_391 = tpu.matmul %max3A_386, %get3A_389, %dot_general3A_390 {dimension_numbers = #tpu.dot_dimension_numbers<[1], [0], [0], [1], [0, 0, 1, 1], [], []>, transpose_lhs_hint = false} : vector<512x128xf32>, vector<128x256xf32>, vector<512x256xf32> -> vector<512x256xf32>
    %get3A_392 = arith.constant 0 : index
    %get3A_393 = arith.constant 0 : index
    %get3A_394 = vector.load %arg15[%get3A_392, %get3A_393] : memref<1x256xf32, #tpu.memory_space<vmem>>, vector<1x256xf32>
    %add3A_395 = vector.broadcast %get3A_394 : vector<1x256xf32> to vector<512x256xf32>
    %add3A_396 = arith.addf %dot_general3A_391, %add3A_395 : vector<512x256xf32>
    %get3A_397 = arith.constant 0 : index
    %get3A_398 = arith.constant 0 : index
    %get3A_399 = vector.load %arg16[%get3A_397, %get3A_398] : memref<1x256xf32, #tpu.memory_space<vmem>>, vector<1x256xf32>
    %rsqrt3A_400 = arith.constant 1.000010e+00 : f32
    %rsqrt3A_401 = math.rsqrt %rsqrt3A_400 : f32
    %mul3A_402 = vector.broadcast %rsqrt3A_401 : f32 to vector<1x256xf32>
    %mul3A_403 = arith.mulf %get3A_399, %mul3A_402 : vector<1x256xf32>
    %mul3A_404 = vector.broadcast %mul3A_403 : vector<1x256xf32> to vector<512x256xf32>
    %mul3A_405 = arith.mulf %add3A_396, %mul3A_404 : vector<512x256xf32>
    %get3A_406 = arith.constant 0 : index
    %get3A_407 = arith.constant 0 : index
    %get3A_408 = vector.load %arg17[%get3A_406, %get3A_407] : memref<1x256xf32, #tpu.memory_space<vmem>>, vector<1x256xf32>
    %add3A_409 = vector.broadcast %get3A_408 : vector<1x256xf32> to vector<512x256xf32>
    %add3A_410 = arith.addf %mul3A_405, %add3A_409 : vector<512x256xf32>
    %max3A_411 = arith.constant 0.000000e+00 : f32
    %max3A_412 = vector.broadcast %max3A_411 : f32 to vector<512x256xf32>
    %max3A_413 = arith.maximumf %add3A_410, %max3A_412 : vector<512x256xf32>
    %get3A_414 = arith.constant 0 : index
    %get3A_415 = arith.constant 0 : index
    %get3A_416 = vector.load %arg18[%get3A_414, %get3A_415] : memref<1x256xf32, #tpu.memory_space<vmem>>, vector<1x256xf32>
    %dot_general3A_417 = arith.constant dense<0.000000e+00> : vector<1x512xf32>
    %dot_general3A_418 = tpu.matmul %get3A_416, %max3A_413, %dot_general3A_417 {dimension_numbers = #tpu.dot_dimension_numbers<[1], [1], [0], [0], [0, 0, 1, 0], [], []>, transpose_lhs_hint = false} : vector<1x256xf32>, vector<512x256xf32>, vector<1x512xf32> -> vector<1x512xf32>
    %get3A_419 = arith.constant 0 : index
    %get3A_420 = arith.constant 0 : index
    %get3A_421 = vector.load %arg19[%get3A_419, %get3A_420] : memref<1x1xf32, #tpu.memory_space<vmem>>, vector<1x1xf32>
    %add3A_422 = vector.broadcast %get3A_421 : vector<1x1xf32> to vector<1x512xf32>
    %add3A_423 = arith.addf %dot_general3A_418, %add3A_422 : vector<1x512xf32>
    %swap3A_424 = arith.constant 2 : index
    %swap3A_425 = arith.constant 0 : index
    %swap3A_426 = arith.constant 0 : index
    %swap3A_427 = vector.load %arg20[%swap3A_424, %swap3A_425, %swap3A_426] : memref<4x1x512xf32, #tpu.memory_space<vmem>>, vector<1x1x512xf32>
    %swap3A_428 = vector.shape_cast %swap3A_427 : vector<1x1x512xf32> to vector<1x512xf32>
    %swap3A_429 = vector.shape_cast %add3A_423 : vector<1x512xf32> to vector<1x1x512xf32>
    tpu.vector_store %arg20[%swap3A_424, %swap3A_425, %swap3A_426], %swap3A_429 {strides = array<i32>} : memref<4x1x512xf32, #tpu.memory_space<vmem>>, vector<1x1x512xf32>,
    %get3A_430 = arith.constant 3 : index
    %get3A_431 = arith.constant 0 : index
    %get3A_432 = arith.constant 0 : index
    %get3A_433 = vector.load %arg1[%get3A_430, %get3A_431, %get3A_432] : memref<4x512x8xf32, #tpu.memory_space<vmem>>, vector<1x512x8xf32>
    %get3A_434 = vector.shape_cast %get3A_433 : vector<1x512x8xf32> to vector<512x8xf32>
    %get3A_435 = arith.constant 0 : index
    %get3A_436 = arith.constant 0 : index
    %get3A_437 = vector.load %arg4[%get3A_435, %get3A_436] : memref<8x128xf32, #tpu.memory_space<vmem>>, vector<8x128xf32>
    %dot_general3A_438 = arith.constant dense<0.000000e+00> : vector<512x128xf32>
    %dot_general3A_439 = tpu.matmul %get3A_434, %get3A_437, %dot_general3A_438 {dimension_numbers = #tpu.dot_dimension_numbers<[1], [0], [0], [1], [0, 0, 1, 1], [], []>, transpose_lhs_hint = false} : vector<512x8xf32>, vector<8x128xf32>, vector<512x128xf32> -> vector<512x128xf32>
    %get3A_440 = arith.constant 0 : index
    %get3A_441 = arith.constant 0 : index
    %get3A_442 = vector.load %arg5[%get3A_440, %get3A_441] : memref<1x128xf32, #tpu.memory_space<vmem>>, vector<1x128xf32>
    %mul3A_443 = vector.broadcast %get3A_442 : vector<1x128xf32> to vector<512x128xf32>
    %mul3A_444 = arith.mulf %dot_general3A_439, %mul3A_443 : vector<512x128xf32>
    %reduce_sum3A_445 = arith.constant dense<0.000000e+00> : vector<512xf32>
    %reduce_sum3A_446 = vector.multi_reduction <add>, %mul3A_444, %reduce_sum3A_445 [1] : vector<512x128xf32> to vector<512xf32>
    %broadcast_in_dim3A_447 = vector.shape_cast %reduce_sum3A_446 : vector<512xf32> to vector<512x1xf32>
    %add3A_448 = arith.addf %broadcast_in_dim3A_447, %broadcast_in_dim3A : vector<512x1xf32>
    %get3A_449 = arith.constant 0 : index
    %get3A_450 = arith.constant 0 : index
    %get3A_451 = vector.load %arg6[%get3A_449, %get3A_450] : memref<1x128xf32, #tpu.memory_space<vmem>>, vector<1x128xf32>
    %mul3A_452 = vector.broadcast %get3A_451 : vector<1x128xf32> to vector<512x128xf32>
    %mul3A_453 = arith.mulf %dot_general3A_439, %mul3A_452 : vector<512x128xf32>
    %reduce_sum3A_454 = arith.constant dense<0.000000e+00> : vector<512xf32>
    %reduce_sum3A_455 = vector.multi_reduction <add>, %mul3A_453, %reduce_sum3A_454 [1] : vector<512x128xf32> to vector<512xf32>
    %broadcast_in_dim3A_456 = vector.shape_cast %reduce_sum3A_455 : vector<512xf32> to vector<512x1xf32>
    %add3A_457 = arith.addf %broadcast_in_dim3A_456, %broadcast_in_dim3A_19 : vector<512x1xf32>
    %transpose3A_458 = tpu.transpose %add3A_457, [1, 0] : vector<512x1xf32> -> vector<1x512xf32>
    %add3A_459 = vector.broadcast %add3A_448 : vector<512x1xf32> to vector<512x512xf32>
    %add3A_460 = vector.broadcast %transpose3A_458 : vector<1x512xf32> to vector<512x512xf32>
    %add3A_461 = arith.addf %add3A_459, %add3A_460 : vector<512x512xf32>
    %ge3A_462 = arith.constant 0.000000e+00 : f32
    %ge3A_463 = vector.broadcast %ge3A_462 : f32 to vector<512x512xf32>
    %ge3A_464 = arith.cmpf oge, %add3A_461, %ge3A_463 : vector<512x512xf32>
    %mul3A_465 = arith.constant 2.000000e-01 : f32
    %mul3A_466 = vector.broadcast %mul3A_465 : f32 to vector<512x512xf32>
    %mul3A_467 = arith.mulf %mul3A_466, %add3A_461 : vector<512x512xf32>
    %select_n3A_468 = arith.select %ge3A_464, %add3A_461, %mul3A_467 : vector<512x512xi1>, vector<512x512xf32>
    %jit3A_469 = arith.constant 0xFF800000 : f32
    %broadcast_in_dim3A_470 = vector.broadcast %jit3A_469 : f32 to vector<512x512xf32>
    %select_n3A_471 = arith.select %gt3A_6, %select_n3A_468, %broadcast_in_dim3A_470 : vector<512x512xi1>, vector<512x512xf32>
    %reduce_max3A_472 = arith.constant dense<0xFF800000> : vector<512xf32>
    %reduce_max3A_473 = vector.multi_reduction <maximumf>, %select_n3A_471, %reduce_max3A_472 [1] : vector<512x512xf32> to vector<512xf32>
    %broadcast_in_dim3A_474 = vector.shape_cast %reduce_max3A_473 : vector<512xf32> to vector<512x1xf32>
    %sub3A_475 = vector.broadcast %broadcast_in_dim3A_474 : vector<512x1xf32> to vector<512x512xf32>
    %sub3A_476 = arith.subf %select_n3A_471, %sub3A_475 : vector<512x512xf32>
    %exp3A_477 = math.exp %sub3A_476 : vector<512x512xf32>
    %reduce_sum3A_478 = arith.constant dense<0.000000e+00> : vector<512xf32>
    %reduce_sum3A_479 = vector.multi_reduction <add>, %exp3A_477, %reduce_sum3A_478 [1] : vector<512x512xf32> to vector<512xf32>
    %broadcast_in_dim3A_480 = vector.shape_cast %reduce_sum3A_479 : vector<512xf32> to vector<512x1xf32>
    %add3A_481 = arith.constant 1.000000e-16 : f32
    %add3A_482 = vector.broadcast %add3A_481 : f32 to vector<512x1xf32>
    %add3A_483 = arith.addf %broadcast_in_dim3A_480, %add3A_482 : vector<512x1xf32>
    %div3A_484 = vector.broadcast %add3A_483 : vector<512x1xf32> to vector<512x512xf32>
    %div3A_485 = arith.divf %exp3A_477, %div3A_484 : vector<512x512xf32>
    %dot_general3A_486 = arith.constant dense<0.000000e+00> : vector<512x128xf32>
    %dot_general3A_487 = tpu.matmul %div3A_485, %dot_general3A_439, %dot_general3A_486 {dimension_numbers = #tpu.dot_dimension_numbers<[1], [0], [0], [1], [0, 0, 1, 1], [], []>, transpose_lhs_hint = false} : vector<512x512xf32>, vector<512x128xf32>, vector<512x128xf32> -> vector<512x128xf32>
    %get3A_488 = arith.constant 0 : index
    %get3A_489 = arith.constant 0 : index
    %get3A_490 = vector.load %arg9[%get3A_488, %get3A_489] : memref<1x128xf32, #tpu.memory_space<vmem>>, vector<1x128xf32>
    %add3A_491 = vector.broadcast %get3A_490 : vector<1x128xf32> to vector<512x128xf32>
    %add3A_492 = arith.addf %dot_general3A_487, %add3A_491 : vector<512x128xf32>
    %get3A_493 = arith.constant 0 : index
    %get3A_494 = arith.constant 0 : index
    %get3A_495 = vector.load %arg10[%get3A_493, %get3A_494] : memref<1x128xf32, #tpu.memory_space<vmem>>, vector<1x128xf32>
    %rsqrt3A_496 = arith.constant 1.000010e+00 : f32
    %rsqrt3A_497 = math.rsqrt %rsqrt3A_496 : f32
    %mul3A_498 = vector.broadcast %rsqrt3A_497 : f32 to vector<1x128xf32>
    %mul3A_499 = arith.mulf %get3A_495, %mul3A_498 : vector<1x128xf32>
    %mul3A_500 = vector.broadcast %mul3A_499 : vector<1x128xf32> to vector<512x128xf32>
    %mul3A_501 = arith.mulf %add3A_492, %mul3A_500 : vector<512x128xf32>
    %get3A_502 = arith.constant 0 : index
    %get3A_503 = arith.constant 0 : index
    %get3A_504 = vector.load %arg11[%get3A_502, %get3A_503] : memref<1x128xf32, #tpu.memory_space<vmem>>, vector<1x128xf32>
    %add3A_505 = vector.broadcast %get3A_504 : vector<1x128xf32> to vector<512x128xf32>
    %add3A_506 = arith.addf %mul3A_501, %add3A_505 : vector<512x128xf32>
    %max3A_507 = arith.constant 0.000000e+00 : f32
    %max3A_508 = vector.broadcast %max3A_507 : f32 to vector<512x128xf32>
    %max3A_509 = arith.maximumf %add3A_506, %max3A_508 : vector<512x128xf32>
    %mul3A_510 = arith.mulf %max3A_509, %get3A_1 : vector<512x128xf32>
    %get3A_511 = arith.constant 0 : index
    %get3A_512 = arith.constant 0 : index
    %get3A_513 = vector.load %arg12[%get3A_511, %get3A_512] : memref<1x128xf32, #tpu.memory_space<vmem>>, vector<1x128xf32>
    %rsqrt3A_514 = arith.constant 1.000010e+00 : f32
    %rsqrt3A_515 = math.rsqrt %rsqrt3A_514 : f32
    %mul3A_516 = vector.broadcast %rsqrt3A_515 : f32 to vector<1x128xf32>
    %mul3A_517 = arith.mulf %get3A_513, %mul3A_516 : vector<1x128xf32>
    %mul3A_518 = vector.broadcast %mul3A_517 : vector<1x128xf32> to vector<512x128xf32>
    %mul3A_519 = arith.mulf %mul3A_510, %mul3A_518 : vector<512x128xf32>
    %get3A_520 = arith.constant 0 : index
    %get3A_521 = arith.constant 0 : index
    %get3A_522 = vector.load %arg13[%get3A_520, %get3A_521] : memref<1x128xf32, #tpu.memory_space<vmem>>, vector<1x128xf32>
    %add3A_523 = vector.broadcast %get3A_522 : vector<1x128xf32> to vector<512x128xf32>
    %add3A_524 = arith.addf %mul3A_519, %add3A_523 : vector<512x128xf32>
    %max3A_525 = arith.constant 0.000000e+00 : f32
    %max3A_526 = vector.broadcast %max3A_525 : f32 to vector<512x128xf32>
    %max3A_527 = arith.maximumf %add3A_524, %max3A_526 : vector<512x128xf32>
    %get3A_528 = arith.constant 0 : index
    %get3A_529 = arith.constant 0 : index
    %get3A_530 = vector.load %arg14[%get3A_528, %get3A_529] : memref<128x256xf32, #tpu.memory_space<vmem>>, vector<128x256xf32>
    %dot_general3A_531 = arith.constant dense<0.000000e+00> : vector<512x256xf32>
    %dot_general3A_532 = tpu.matmul %max3A_527, %get3A_530, %dot_general3A_531 {dimension_numbers = #tpu.dot_dimension_numbers<[1], [0], [0], [1], [0, 0, 1, 1], [], []>, transpose_lhs_hint = false} : vector<512x128xf32>, vector<128x256xf32>, vector<512x256xf32> -> vector<512x256xf32>
    %get3A_533 = arith.constant 0 : index
    %get3A_534 = arith.constant 0 : index
    %get3A_535 = vector.load %arg15[%get3A_533, %get3A_534] : memref<1x256xf32, #tpu.memory_space<vmem>>, vector<1x256xf32>
    %add3A_536 = vector.broadcast %get3A_535 : vector<1x256xf32> to vector<512x256xf32>
    %add3A_537 = arith.addf %dot_general3A_532, %add3A_536 : vector<512x256xf32>
    %get3A_538 = arith.constant 0 : index
    %get3A_539 = arith.constant 0 : index
    %get3A_540 = vector.load %arg16[%get3A_538, %get3A_539] : memref<1x256xf32, #tpu.memory_space<vmem>>, vector<1x256xf32>
    %rsqrt3A_541 = arith.constant 1.000010e+00 : f32
    %rsqrt3A_542 = math.rsqrt %rsqrt3A_541 : f32
    %mul3A_543 = vector.broadcast %rsqrt3A_542 : f32 to vector<1x256xf32>
    %mul3A_544 = arith.mulf %get3A_540, %mul3A_543 : vector<1x256xf32>
    %mul3A_545 = vector.broadcast %mul3A_544 : vector<1x256xf32> to vector<512x256xf32>
    %mul3A_546 = arith.mulf %add3A_537, %mul3A_545 : vector<512x256xf32>
    %get3A_547 = arith.constant 0 : index
    %get3A_548 = arith.constant 0 : index
    %get3A_549 = vector.load %arg17[%get3A_547, %get3A_548] : memref<1x256xf32, #tpu.memory_space<vmem>>, vector<1x256xf32>
    %add3A_550 = vector.broadcast %get3A_549 : vector<1x256xf32> to vector<512x256xf32>
    %add3A_551 = arith.addf %mul3A_546, %add3A_550 : vector<512x256xf32>
    %max3A_552 = arith.constant 0.000000e+00 : f32
    %max3A_553 = vector.broadcast %max3A_552 : f32 to vector<512x256xf32>
    %max3A_554 = arith.maximumf %add3A_551, %max3A_553 : vector<512x256xf32>
    %get3A_555 = arith.constant 0 : index
    %get3A_556 = arith.constant 0 : index
    %get3A_557 = vector.load %arg18[%get3A_555, %get3A_556] : memref<1x256xf32, #tpu.memory_space<vmem>>, vector<1x256xf32>
    %dot_general3A_558 = arith.constant dense<0.000000e+00> : vector<1x512xf32>
    %dot_general3A_559 = tpu.matmul %get3A_557, %max3A_554, %dot_general3A_558 {dimension_numbers = #tpu.dot_dimension_numbers<[1], [1], [0], [0], [0, 0, 1, 0], [], []>, transpose_lhs_hint = false} : vector<1x256xf32>, vector<512x256xf32>, vector<1x512xf32> -> vector<1x512xf32>
    %get3A_560 = arith.constant 0 : index
    %get3A_561 = arith.constant 0 : index
    %get3A_562 = vector.load %arg19[%get3A_560, %get3A_561] : memref<1x1xf32, #tpu.memory_space<vmem>>, vector<1x1xf32>
    %add3A_563 = vector.broadcast %get3A_562 : vector<1x1xf32> to vector<1x512xf32>
    %add3A_564 = arith.addf %dot_general3A_559, %add3A_563 : vector<1x512xf32>
    %swap3A_565 = arith.constant 3 : index
    %swap3A_566 = arith.constant 0 : index
    %swap3A_567 = arith.constant 0 : index
    %swap3A_568 = vector.load %arg20[%swap3A_565, %swap3A_566, %swap3A_567] : memref<4x1x512xf32, #tpu.memory_space<vmem>>, vector<1x1x512xf32>
    %swap3A_569 = vector.shape_cast %swap3A_568 : vector<1x1x512xf32> to vector<1x512xf32>
    %swap3A_570 = vector.shape_cast %add3A_564 : vector<1x512xf32> to vector<1x1x512xf32>
    tpu.vector_store %arg20[%swap3A_565, %swap3A_566, %swap3A_567], %swap3A_570 {strides = array<i32>} : memref<4x1x512xf32, #tpu.memory_space<vmem>>, vector<1x1x512xf32>,
    return
  }
  func.func @transform_0(%arg0: i32) -> (i32, i32, i32) {
    %c0_i32 = arith.constant 0 : i32
    %c0_i32_0 = arith.constant 0 : i32
    %c0_i32_1 = arith.constant 0 : i32
    return %arg0, %c0_i32, %c0_i32_0 : i32, i32, i32
  }
  func.func @transform_1(%arg0: i32) -> (i32, i32) {
    %c0_i32 = arith.constant 0 : i32
    %c0_i32_0 = arith.constant 0 : i32
    %c0_i32_1 = arith.constant 0 : i32
    return %c0_i32, %c0_i32_0 : i32, i32
  }
  func.func @transform_2(%arg0: i32) -> (i32, i32) {
    %c0_i32 = arith.constant 0 : i32
    %c0_i32_0 = arith.constant 0 : i32
    %c0_i32_1 = arith.constant 0 : i32
    return %c0_i32, %c0_i32_0 : i32, i32
  }
  func.func @transform_3(%arg0: i32) -> (i32, i32) {
    %c0_i32 = arith.constant 0 : i32
    %c0_i32_0 = arith.constant 0 : i32
    %c0_i32_1 = arith.constant 0 : i32
    return %c0_i32, %c0_i32_0 : i32, i32
  }
  func.func @transform_4(%arg0: i32) -> (i32, i32) {
    %c0_i32 = arith.constant 0 : i32
    %c0_i32_0 = arith.constant 0 : i32
    %c0_i32_1 = arith.constant 0 : i32
    return %c0_i32, %c0_i32_0 : i32, i32
  }
  func.func @transform_5(%arg0: i32) -> (i32, i32) {
    %c0_i32 = arith.constant 0 : i32
    %c0_i32_0 = arith.constant 0 : i32
    %c0_i32_1 = arith.constant 0 : i32
    return %c0_i32, %c0_i32_0 : i32, i32
  }
  func.func @transform_6(%arg0: i32) -> (i32, i32) {
    %c0_i32 = arith.constant 0 : i32
    %c0_i32_0 = arith.constant 0 : i32
    %c0_i32_1 = arith.constant 0 : i32
    return %c0_i32, %c0_i32_0 : i32, i32
  }
  func.func @transform_7(%arg0: i32) -> (i32, i32) {
    %c0_i32 = arith.constant 0 : i32
    %c0_i32_0 = arith.constant 0 : i32
    %c0_i32_1 = arith.constant 0 : i32
    return %c0_i32, %c0_i32_0 : i32, i32
  }
  func.func @transform_8(%arg0: i32) -> (i32, i32) {
    %c0_i32 = arith.constant 0 : i32
    %c0_i32_0 = arith.constant 0 : i32
    %c0_i32_1 = arith.constant 0 : i32
    return %c0_i32, %c0_i32_0 : i32, i32
  }
  func.func @transform_9(%arg0: i32) -> (i32, i32) {
    %c0_i32 = arith.constant 0 : i32
    %c0_i32_0 = arith.constant 0 : i32
    %c0_i32_1 = arith.constant 0 : i32
    return %c0_i32, %c0_i32_0 : i32, i32
  }
  func.func @transform_10(%arg0: i32) -> (i32, i32) {
    %c0_i32 = arith.constant 0 : i32
    %c0_i32_0 = arith.constant 0 : i32
    %c0_i32_1 = arith.constant 0 : i32
    return %c0_i32, %c0_i32_0 : i32, i32
  }
  func.func @transform_11(%arg0: i32) -> (i32, i32) {
    %c0_i32 = arith.constant 0 : i32
    %c0_i32_0 = arith.constant 0 : i32
    %c0_i32_1 = arith.constant 0 : i32
    return %c0_i32, %c0_i32_0 : i32, i32
  }
  func.func @transform_12(%arg0: i32) -> (i32, i32) {
    %c0_i32 = arith.constant 0 : i32
    %c0_i32_0 = arith.constant 0 : i32
    %c0_i32_1 = arith.constant 0 : i32
    return %c0_i32, %c0_i32_0 : i32, i32
  }
  func.func @transform_13(%arg0: i32) -> (i32, i32) {
    %c0_i32 = arith.constant 0 : i32
    %c0_i32_0 = arith.constant 0 : i32
    %c0_i32_1 = arith.constant 0 : i32
    return %c0_i32, %c0_i32_0 : i32, i32
  }
  func.func @transform_14(%arg0: i32) -> (i32, i32) {
    %c0_i32 = arith.constant 0 : i32
    %c0_i32_0 = arith.constant 0 : i32
    %c0_i32_1 = arith.constant 0 : i32
    return %c0_i32, %c0_i32_0 : i32, i32
  }
  func.func @transform_15(%arg0: i32) -> (i32, i32) {
    %c0_i32 = arith.constant 0 : i32
    %c0_i32_0 = arith.constant 0 : i32
    %c0_i32_1 = arith.constant 0 : i32
    return %c0_i32, %c0_i32_0 : i32, i32
  }
  func.func @transform_16(%arg0: i32) -> (i32, i32) {
    %c0_i32 = arith.constant 0 : i32
    %c0_i32_0 = arith.constant 0 : i32
    %c0_i32_1 = arith.constant 0 : i32
    return %c0_i32, %c0_i32_0 : i32, i32
  }
  func.func @transform_17(%arg0: i32) -> (i32, i32) {
    %c0_i32 = arith.constant 0 : i32
    %c0_i32_0 = arith.constant 0 : i32
    %c0_i32_1 = arith.constant 0 : i32
    return %c0_i32, %c0_i32_0 : i32, i32
  }
  func.func @transform_18(%arg0: i32) -> (i32, i32) {
    %c0_i32 = arith.constant 0 : i32
    %c0_i32_0 = arith.constant 0 : i32
    %c0_i32_1 = arith.constant 0 : i32
    return %c0_i32, %c0_i32_0 : i32, i32
  }
  func.func @transform_19(%arg0: i32) -> (i32, i32, i32) {
    %c0_i32 = arith.constant 0 : i32
    %c0_i32_0 = arith.constant 0 : i32
    %c0_i32_1 = arith.constant 0 : i32
    return %arg0, %c0_i32, %c0_i32_0 : i32, i32, i32
  }
}

</mosaic_0001>

<sc_bundles>
// kernel: kernel.5.cloned.1.call-start
scs
__scs_entry_jumppad:
0x0: {  	(pc) =	sbr.rel $0x88, $3  }
0x1: {  	(tag) =	ssettag $0x0;
	lr =	simm.s32 $0x1  }
0x2: {  	[smem:$0x3F8F] =	sst lr;
	_ =	strace $0xD0000000  }
0x3: {  	_ = 	snop  }
0x4: {  	_ = 	snop  }
0x5: {  	_ = 	snop  }
0x6: {  	_ = 	snop  }
0x7: {  	_ = 	snop  }
__scs_overlays_trampoline_lowered:
0x8: {  	[smem:$0x3F9E] =	sst s0  }
0x9: {  	[smem:$0x3F9F] =	sst s1  }
0xa: {  	[smem:$0x3FA0] =	sst s2  }
0xb: {  	[smem:$0x3FA1] =	sst s3  }
0xc: {  	[smem:$0x3FA2] =	sst s4  }
0xd: {  	[smem:$0x3FA3] =	sst s5  }
0xe: {  	[smem:$0x3FA4] =	sst s6  }
0xf: {  	[smem:$0x3FA5] =	sst s7  }
0x10: {  	[smem:$0x3FA6] =	sst s8  }
0x11: {  	[smem:$0x3FA7] =	sst s9;
	s0 =	simm.s32 @!p0 $0x0  }
0x12: {  	s1 =	sld [smem:$0x3F8D];
	s0 =	simm.s32 @p0 $0x1  }
0x13: {  	[smem:$0x3FA8] =	sst s0;
	s0 =	simm.s32 @!p1 $0x0  }
0x14: {  	s2 =	sld [smem:$0x3F8C];
	s0 =	simm.s32 @p1 $0x1  }
0x15: {  	[smem:$0x3FA9] =	sst s0;
	s0 =	simm.s32 @!p2 $0x0  }
0x16: {  	s3 =	sld [smem:$0x3FDB];
	s0 =	simm.s32 @p2 $0x1  }
0x17: {  	s4 =	simm.s32 $0x1BF5;
	[smem:$0x3FAB] =	sst s0  }
0x18: {  	s0 =	sld [smem:$0x3F8E];
	_ =	swait.ge [sflag:s4], $0x0  }
0x19: {  	s7 =	sld [smem:$0x3F8F]  }
0x1a: {  	s8 =	sadd.s32 $0xFFFFE003, lr  }
0x1b: {  	s9 =	sadd.s32 $0xFFFFFEF7, lr;
	s5 =	simm.s32 $0xFFFFFFFF;
	p2 =	slt.u32 s8, $0xFFFFF086  }
0x1c: {  	p1 =	slt.u32 s9, $0xF7A;
	s5 =	simm.s32 @!p2 $0x0  }
0x1d: {  	s5 =	simm.s32 @p1 $0x1;
	p0 =	seq.s32 s7, s2  }
0x1e: {  	s7 =	smul.u32 @!p0 $0xF7A, s2;
	p2 =	seq.s32 @!p0 s5, $0x0  }
0x1f: {  	s9 =	smul.u32 $0xF7A, s1;
	s8 =	simm.s32 @!p0 $0x1BF5;
	p2 =	por !p2, p0  }
0x20: {  	[sflag:s8] =	ssyncset.s32 @!p0 $0xFFFFF086;
	s6 =	sadd.s32 @!p0 s3, s7;
	s7 =	simm.s32 @!p0 $0x108  }
0x21: {  	s3 =	sadd.s32 s3, s9;
	s6 =	sadd.s32 @!p0 $0x88, s6;
	s7 =	simm.s32 @p2 $0x1082  }
0x22: {  	[simem:s7], [sflag:s8] =	dma.local @!p0 [hbm:s6], $0xF7A  }
0x23: {  	s9 =	sor.u32 $0xD0000000, s2;
	s6 =	simm.s32 $0x108;
	_ =	swait.ge @!p0 [sflag:s8], $0x0  }
0x24: {  	s3 =	sadd.s32 $0x88, s3;
	s6 =	simm.s32 @!p1 $0x1082;
	[sflag:s4] =	ssyncset.s32 $0xFFFFF086  }
0x25: {  	[simem:s6], [sflag:s4] =	dma.local [hbm:s3], $0xF7A  }
0x26: {  	[smem:$0x3F8F] =	sst s1;
	(tag) =	ssettag s2;
	_ =	strace s9  }
0x27: {  	s1 =	sld [smem:$0x3F9F]  }
0x28: {  	s2 =	sld [smem:$0x3FA0]  }
0x29: {  	s4 =	sld [smem:$0x3FA2]  }
0x2a: {  	p0 =	seq.s32 s5, $0x0;
	s5 =	sld [smem:$0x3FA3]  }
0x2b: {  	s6 =	sld [smem:$0x3FA4]  }
0x2c: {  	s7 =	sld [smem:$0x3FA5]  }
0x2d: {  	s3 =	simm.s32 $0x108;
	s8 =	sld [smem:$0x3FA6]  }
0x2e: {  	s3 =	simm.s32 @!p0 $0x1082;
	s9 =	sld [smem:$0x3FA7]  }
0x2f: {  	lr =	sadd.s32 s0, s3;
	s0 =	sld [smem:$0x3F9E]  }
0x30: {  	s3 =	sld [smem:$0x3FA1]  }
0x31: {  	[smem:$0x3FAA] =	sst s10  }
0x32: {  	s10 =	sld [smem:$0x3FA8];
	_ =	sdelay $0x3  }
0x33: {  	p0 =	seq.s32 s10, $0x1;
	s10 =	sld [smem:$0x3FAA];
	_ =	sdelay $0x3  }
0x34: {  	[smem:$0x3FAA] =	sst s10  }
0x35: {  	s10 =	sld [smem:$0x3FA9];
	_ =	sdelay $0x3  }
0x36: {  	p1 =	seq.s32 s10, $0x1;
	s10 =	sld [smem:$0x3FAA];
	_ =	sdelay $0x3  }
0x37: {  	[smem:$0x3FAA] =	sst s10  }
0x38: {  	s10 =	sld [smem:$0x3FAB]  }
0x39: {  	_ = 	snop;
	(pc) =	sbr.ind lr, $3  }
0x3a: {  	_ = 	snop  }
0x3b: {  	_ = 	snop  }
0x3c: {  	p2 =	seq.s32 s10, $0x1;
	s10 =	sld [smem:$0x3FAA]  }
0x3d: {  	_ =	shalt  }
0x3e: {  	_ =	shalt  }
0x3f: {  	_ =	shalt  }
0x40: {  	_ =	shalt  }
0x41: {  	_ =	shalt  }
0x42: {  	_ =	shalt  }
0x43: {  	_ =	shalt  }
0x44: {  	_ =	shalt  }
0x45: {  	_ =	shalt  }
0x46: {  	_ =	shalt  }
0x47: {  	_ =	shalt  }
0x48: {  	_ =	shalt  }
0x49: {  	_ =	shalt  }
0x4a: {  	_ =	shalt  }
0x4b: {  	_ =	shalt  }
0x4c: {  	_ =	shalt  }
0x4d: {  	_ =	shalt  }
0x4e: {  	_ =	shalt  }
0x4f: {  	_ =	shalt  }
0x50: {  	_ =	shalt  }
0x51: {  	_ =	shalt  }
0x52: {  	_ =	shalt  }
0x53: {  	_ =	shalt  }
0x54: {  	_ =	shalt  }
0x55: {  	_ =	shalt  }
0x56: {  	_ =	shalt  }
0x57: {  	_ =	shalt  }
0x58: {  	_ =	shalt  }
0x59: {  	_ =	shalt  }
0x5a: {  	_ =	shalt  }
0x5b: {  	_ =	shalt  }
0x5c: {  	_ =	shalt  }
0x5d: {  	_ =	shalt  }
0x5e: {  	_ =	shalt  }
0x5f: {  	_ =	shalt  }
0x60: {  	_ =	shalt  }
0x61: {  	_ =	shalt  }
0x62: {  	_ =	shalt  }
0x63: {  	_ =	shalt  }
0x64: {  	_ =	shalt  }
0x65: {  	_ =	shalt  }
0x66: {  	_ =	shalt  }
0x67: {  	_ =	shalt  }
0x68: {  	_ =	shalt  }
0x69: {  	_ =	shalt  }
0x6a: {  	_ =	shalt  }
0x6b: {  	_ =	shalt  }
0x6c: {  	_ =	shalt  }
0x6d: {  	_ =	shalt  }
0x6e: {  	_ =	shalt  }
0x6f: {  	_ =	shalt  }
0x70: {  	_ =	shalt  }
0x71: {  	_ =	shalt  }
0x72: {  	_ =	shalt  }
0x73: {  	_ =	shalt  }
0x74: {  	_ =	shalt  }
0x75: {  	_ =	shalt  }
0x76: {  	_ =	shalt  }
0x77: {  	_ =	shalt  }
0x78: {  	_ =	shalt  }
0x79: {  	_ =	shalt  }
0x7a: {  	_ =	shalt  }
0x7b: {  	_ =	shalt  }
0x7c: {  	_ =	shalt  }
0x7d: {  	_ =	shalt  }
0x7e: {  	_ =	shalt  }
0x7f: {  	_ =	shalt  }
0x80: {  	_ =	shalt  }
0x81: {  	_ =	shalt  }
0x82: {  	_ =	shalt  }
0x83: {  	_ =	shalt  }
0x84: {  	_ =	shalt  }
0x85: {  	_ =	shalt  }
0x86: {  	_ =	shalt  }
0x87: {  	_ =	shalt  }
.Lfunc_end0:
.L_simem_size_0:
called_computation_lowered:
.L_overlay_start_0:
0x88: {  	s2 =	sld [smem:$0x3FD9]  }
0x89: {  	s3 =	sld [smem:$0x3FFE];
	_ =	sdelay $0x1  }
0x8a: {  	s1 =	srdreg.scid  }
0x8b: {  	s0 =	sand.u32 $0x1, s1  }
0x8c: {  	s16 =	sshll.u32 s0, $0xA;
	s2 =	sadd.s32 s3, s2  }
0x8d: {  	s2 =	sadd.s32 s2, s16  }
0x8e: {  	[smem:$0x3FB6] =	sst s2  }
0x8f: {  	_ = 	snop  }
0x90: {  	(tm) =	ssettm $0x1  }
0x91: {  	s17 =	sld [smem:$0x3FFB];
	_ =	sdelay $0x3  }
0x92: {  	_ =	strace s17  }
0x93: {  	s2 =	sld [smem:$0x3FFC];
	_ =	sdelay $0x3  }
0x94: {  	_ =	strace s2  }
0x95: {  	s2 =	sld [smem:$0x3FFD];
	_ =	sdelay $0x3  }
0x96: {  	_ =	strace s2  }
0x97: {  	_ =	strace $0x8FFFFFFF  }
0x98: {  	s18 =	sld [smem:$0x3FDB];
	_ =	sdelay $0x1  }
0x99: {  	s19 =	simm.s32 $_scs_section_size  }
0x9a: {  	s4 =	simm.s32 $_size__tile_overlayer_lowered;
	s5 =	simm.s32 $_tile_overlayer_lowered  }
0x9b: {  	s22 =	simm.s32 $0x1BFF;
	s21 =	sshll.u32 s5, $0x1;
	s2 =	sadd.s32 s19, s18  }
0x9c: {  	s6 =	simm.s32 $0x0;
	s20 =	sshll.u32 s4, $0x1;
	s4 =	sadd.s32 s21, s2  }
0x9d: {  	[timem:s6], [sflag:s22] =	dma.local [hbm:s4], s20  }
0x9e: {  	_ =	swait.ge [sflag:s22], s20  }
0x9f: {  	s3 =	ssub.s32 $0x0, s20;
	[sflag:s22] =	ssyncset.done $0x0  }
0xa0: {  	[sflag:s22] =	ssyncadd.s32 s3;
	_ =	sdelay $0x1  }
0xa1: {  	s23 =	simm.s32 $0x1B8B  }
0xa2: {  	_ =	swait.ge [sflag:s23], $0x1  }
0xa3: {  	[sflag:s23] =	ssyncset.done $0x0  }
0xa4: {  	s25 =	simm.s32 $0x1B8E;
	s24 =	sld [smem:$0x3FFE];
	[sflag:s23] =	ssyncadd.s32 $0xFFFFFFFF  }
0xa5: {  	s26 =	simm.s32 $execute0_lowered;
	[smem:$0x3FD2] =	sst s25  }
0xa6: {  	s4 =	sshll.u32 s26, $0x1;
	_ =	strace $0x80000046;
	[dreg:$0x1] =	wrdreg $0xFFFFFFFF  }
0xa7: {  	s28 =	simm.s32 $_size_execute0_lowered;
	s2 =	sadd.s32 s2, s4;
	[dreg:$0x0] =	wrdreg $0x0  }
0xa8: {  	s4 =	sshll.u32 s28, $0x1;
	[dreg:$0x2] =	wrdreg s2  }
0xa9: {  	[dreg:$0x3] =	wrdreg s4  }
0xaa: {  	[dreg:$0x4] =	wrdreg $0xC0  }
0xab: {  	_ =	task [dreg:s6], $0x5FFFF  }
0xac: {  	[dreg:$0x1] =	wrdreg $0xFFFFFFFF  }
0xad: {  	[dreg:$0x0] =	wrdreg $0x60  }
0xae: {  	[dreg:$0x2] =	wrdreg s24  }
0xaf: {  	[dreg:$0x3] =	wrdreg $0x9  }
0xb0: {  	_ =	task.clear_ibuf [dreg:s6], $0x4FFFF;
	_ =	strace $0x90000046  }
0xb1: {  	s29 =	simm.s32 $0x9;
	_ =	strace $0x80000048  }
0xb2: {  	_ =	swait.ge [sflag:s29], $0x1  }
0xb3: {  	[sflag:s29] =	ssyncadd.s32 $0xFFFFFFFF  }
0xb4: {  	_ =	strace $0x90000048  }
0xb5: {  	_ =	sfence  }
0xb6: {  	s30 =	sld [smem:$0x0];
	_ =	sdelay $0x2  }
0xb7: {  	s31 =	sshll.u32 s1, $0xD;
	s1 =	sshrl.u32 s1, $0x2  }
0xb8: {  	s3 =	sand.u32 $0x4000, s31;
	s1 =	sadd.s32 s1, s30  }
0xb9: {  	s0 =	sor.u32 s3, s0;
	s1 =	sshll.u32 s1, $0x11  }
0xba: {  	s0 =	sor.u32 s1, s0  }
0xbb: {  	s0 =	sadd.s32 $0x8F2B, s0  }
0xbc: {  	[sflag:s0] =	ssyncadd.remote.s32 $0x1  }
0xbd: {  	_ =	sfence.sel $0xFFFF  }
0xbe: {  	[dreg:$0x0] =	wrdreg $0xFFFFFFFF;
	(pc) =	sbr.abs _section_cstart, $3  }
0xbf: {  	[dreg:$0x1] =	wrdreg $0xFFFFFFFF  }
0xc0: {  	_ =	task.clear_ibuf [dreg:s6], $0x2FFFF;
	_ =	strace $0x9FFFFFFF  }
0xc1: {  	(tm) =	ssettm $0x7FFFFFFF  }
tec
execute0_lowered:
.L_overlay_start_1:
0x0: {  	(tag) =	ssettag $0x1  }
0x1: {  	v0 =	vimm.s32 $0x1380;
	vm0 =	vcmask $0x300  }
0x2: {  	vm14 =	vcmask $0x704;
	v0 =	vsel vm0, $0x0, v0  }
0x3: {  	vm15 =	vcmask $0xB08;
	v0 =	vsel vm14, $0x80, v0  }
0x4: {  	vm4 =	vcmask $0xF0C;
	v0 =	vsel vm15, $0x100, v0  }
0x5: {  	vm5 =	vcmask $0x1310;
	v0 =	vsel vm4, $0x180, v0  }
0x6: {  	vm6 =	vcmask $0x1714;
	v0 =	vsel vm5, $0x200, v0  }
0x7: {  	vm7 =	vcmask $0x1B18;
	v0 =	vsel vm6, $0x280, v0  }
0x8: {  	s1 =	srdreg.scid;
	vm8 =	vcmask $0x1F1C;
	v0 =	vsel vm7, $0x300, v0  }
0x9: {  	s3 =	rddreg [dreg:$0x0];
	s0 =	stileid.u32;
	vm9 =	vcmask $0x2320;
	s2 =	simm.s32 $0x0;
	v0 =	vsel vm8, $0x380, v0  }
0xa: {  	vm10 =	vcmask $0x2724;
	s8 =	simm.s32 $0x1A000;
	s9 =	simm.s32 $0x2000;
	s4 =	sand.u32 $0x1, s1;
	v0 =	vsel vm9, $0x1000, v0  }
0xb: {  	vm11 =	vcmask $0x2B28;
	s10 =	simm.s32 $0x1A800;
	s5 =	sshll.u32 s0, $0x5;
	s6 =	sshll.u32 s4, $0x4;
	v0 =	vsel vm10, $0x1080, v0  }
0xc: {  	vm12 =	vcmask $0x2F2C;
	s11 =	simm.s32 $0x0;
	s1 =	rddreg [dreg:$0x1];
	s5 =	sor.u32 s6, s5;
	v1 =	vsel vm11, $0x1100, v0  }
0xd: {  	vm13 =	vcmask $0x3330;
	v4 =	vimm.s32 $0x1;
	[smem:$0x7FF] =	sst s2;
	s4 =	ssub.s32 $0x2, s4;
	s6 =	sshll.u32 s5, $0x6;
	v2 =	vsel vm12, $0x1180, v1  }
0xe: {  	v5 =	vimm.f32 $0.0e+00;
	_ =	strace $0x80000047;
	vm14 =	vcmask $0x3734;
	s7 =	sshrl.u32 s4, $0x1;
	s6 =	sadd.s32 s6, s3;
	v3 =	vsel vm13, $0x1200, v2  }
0xf: {  	vm15 =	vcmask $0x3B38;
	s7 =	ssub.s32 s4, s7;
	s3 =	sadd.s32 $0x2A00, s6;
	s4 =	sadd.s32 $0xAA00, s6;
	v0 =	vlaneseq.u32;
	v3 =	vsel vm14, $0x1280, v3  }
0x10: {  	s6 =	simm.s32 $0x1;
	v1 =	vor.u32 s5, v0;
	s5 =	smax.u32 s7, $0x1;
	s7 =	simm.s32 $0x12000;
	v2 =	vimm.s32 $0x0;
	v3 =	vsel vm15, $0x1300, v3  }
.LBB2_1:
0x11: {  	[tilespmem:s2], [sflag:$0x1] =	stream.linear.gather [hbm4b:s3+s2], $0x2000, $0x38;
	[tilespmem:$0x1C800] =	vst v63  }
0x12: {  	s12 =	simm.s32 $0x0  }
0x13: {  	s31 =	simm.s32 $0x80;
	v9 =	vor.u32 s12, v0  }
0x14: {  	s13 =	simm.s32 $0x100;
	v10 =	vor.u32 s31, v0  }
0x15: {  	s15 =	simm.s32 $0x180;
	_ =	swait.ge [sflag:s6], $0x2000;
	v11 =	vor.u32 s13, v0  }
0x16: {  	s16 =	simm.s32 $0x200;
	v7 =	vor.u32 s15, v0;
	[sflag:s6] =	ssyncset.done $0x0  }
0x17: {  	s14 =	simm.s32 $0x300;
	s17 =	simm.s32 $0x280;
	v8 =	vor.u32 s16, v0;
	[sflag:s6] =	ssyncadd.s32 $0xFFFFE000  }
0x18: {  	v6 =	vor.u32 s14, v0;
	s13 =	simm.s32 $0x380;
	s12 =	simm.s32 $0xF;
	[tilespmem:v9+s7+$0x0] =	vst.idx.msk $0xffff, v2;
	v9 =	vor.u32 s17, v0  }
.LBB2_2:
0x19: {  	s14 =	sshll.u32 s12, $0x7;
	p0 =	sne.s32 s12, $0xFF;
	s12 =	sadd.s32 $0x8, s12;
	[tilespmem:v10+s7+$0x0] =	vst.idx.msk $0xffff, v2  }
0x1a: {  	v12 =	vor.u32 s13, v0;
	s15 =	sadd.s32 $0xFFFFFC80, s14;
	s16 =	sadd.s32 $0xFFFFFD00, s14;
	s17 =	sadd.s32 $0xFFFFFD80, s14;
	[tilespmem:v11+s7+$0x0] =	vst.idx.msk $0xffff, v2  }
0x1b: {  	s18 =	sadd.s32 $0xFFFFFE80, s14;
	s19 =	sadd.s32 $0xFFFFFF00, s14;
	v13 =	vor.u32 s15, v0;
	s15 =	sadd.s32 $0xFFFFFE00, s14;
	[tilespmem:v7+s7+$0x0] =	vst.idx.msk $0xffff, v2  }
.Ltmp0:
0x1c: {  	s13 =	smov.u32 s14;
	v10 =	vor.u32 s16, v0;
	s16 =	sadd.s32 $0xFFFFFF80, s14;
	[tilespmem:v8+s7+$0x0] =	vst.idx.msk $0xffff, v2;
	(pc) =	sbr.rel @p0 .LBB2_2-.Ltmp0, $4  }
0x1d: {  	v11 =	vor.u32 s17, v0;
	v8 =	vor.u32 s16, v0;
	[tilespmem:v9+s7+$0x0] =	vst.idx.msk $0xffff, v2  }
0x1e: {  	v7 =	vor.u32 s15, v0;
	[tilespmem:v6+s7+$0x0] =	vst.idx.msk $0xffff, v2;
	v6 =	vmov v8  }
0x1f: {  	v8 =	vor.u32 s18, v0;
	[tilespmem:v12+s7+$0x0] =	vst.idx.msk $0xffff, v2  }
0x20: {  	v9 =	vor.u32 s19, v0;
	[tilespmem:v13+s7+$0x0] =	vst.idx.msk $0xffff, v2  }
0x21: {  	_ =	sdelay $0x3  }
0x22: {  	[tilespmem:v10+s7+$0x0] =	vst.idx.msk $0xffff, v2  }
0x23: {  	v63 =	vor.u32 s13, v0;
	[tilespmem:v11+s7+$0x0] =	vst.idx.msk $0xffff, v2  }
0x24: {  	[tilespmem:v7+s7+$0x0] =	vst.idx.msk $0xffff, v2  }
0x25: {  	[tilespmem:v8+s7+$0x0] =	vst.idx.msk $0xffff, v2  }
0x26: {  	[tilespmem:v9+s7+$0x0] =	vst.idx.msk $0xffff, v2  }
0x27: {  	s14 =	simm.s32 $0x0;
	[tilespmem:v6+s7+$0x0] =	vst.idx.msk $0xffff, v2  }
0x28: {  	s12 =	simm.s32 $0x0;
	s13 =	simm.s32 $0x1;
	v6 =	vor.u32 s14, v0;
	[tilespmem:v63+s7+$0x0] =	vst.idx.msk $0xffff, v2  }
.LBB2_4:
0x29: {  	p0 =	sne.s32 s13, $0xF  }
.Ltmp1:
0x2a: {  	_ = 	snop;
	(pc) =	sbr.rel @p0 .LBB2_4-.Ltmp1, $3  }
0x2b: {  	_ =	sdelay $0x1  }
0x2c: {  	s14 =	sshll.u32 s13, $0x7;
	s13 =	sadd.s32 $0x1, s13;
	[tilespmem:v6+s8+$0x0] =	vst.idx.msk $0xffff, v2  }
0x2d: {  	v6 =	vor.u32 s14, v0  }
0x2e: {  	_ =	sdelay $0x3  }
0x2f: {  	[tilespmem:v6+s8+$0x0] =	vst.idx.msk $0xffff, v2  }
.LBB2_6:
0x30: {  	v6 =	vmov s12  }
0x31: {  	v7 =	vshll.u32 v6, $0x3  }
0x32: {  	v8 =	vand.u32 $0x7C, v6;
	v7 =	vand.u32 $0xC00, v7  }
0x33: {  	v7 =	vor.u32 v7, v8  }
0x34: {  	v7 =	vor.u32 v3, v7;
	_ =	sdelay $0x4  }
0x35: {  	v7 =	vld.idx.msk [tilespmem:v7+s2+$0x0], $0xffff;
	_ =	sdelay $0x4  }
0x36: {  	v7 =	vadd.f32 $0.0e+00, v7;
	_ =	sdelay $0x1  }
0x37: {  	v51 =	vxor.u32 $0x7FFFFFFF, v7;
	vm0 =	vlt.s32 v7, $0x0  }
0x38: {  	s13 =	sadd.s32 $0x1, s12;
	v7 =	vsel vm0, v51, v7  }
0x39: {  	v6 =	vshll.u32 v6, $0x7;
	v10 =	vmov s13;
	v8 =	vshra.s32 v7, $0x18  }
0x3a: {  	v6 =	vor.u32 v0, v6;
	v11 =	vshll.u32 v10, $0x3;
	v8 =	vadd.s32 $0x80, v8  }
0x3b: {  	v12 =	vand.u32 $0x7D, v10;
	v9 =	vshll.u32 v8, $0x7;
	v8 =	vshll.u32 v8, $0x3  }
0x3c: {  	v11 =	vand.u32 $0xC00, v11;
	v9 =	vor.u32 v0, v9;
	v8 =	vand.u32 $0x7FFFFF80, v8  }
0x3d: {  	v11 =	vor.u32 v11, v12;
	v8 =	vor.u32 v0, v8  }
0x3e: {  	v11 =	vor.u32 v3, v11;
	_ =	sdelay $0x1  }
0x3f: {  	[tilespmem:v6+s9+$0x0] =	vst.idx.msk $0xffff, v7  }
0x40: {  	[tilespmem:v9+s7+$0x0] =	vst.idx.add.s32.msk $0xffff, v4  }
0x41: {  	[tilespmem:v8+s8+$0x0] =	vst.idx.add.s32.msk $0xffff, v4  }
0x42: {  	v6 =	vld.idx.msk [tilespmem:v11+s2+$0x0], $0xffff;
	_ =	sdelay $0x4  }
0x43: {  	v6 =	vadd.f32 $0.0e+00, v6;
	_ =	sdelay $0x1  }
0x44: {  	v7 =	vxor.u32 $0x7FFFFFFF, v6;
	vm13 =	vlt.s32 v6, $0x0  }
0x45: {  	s30 =	sadd.s32 $0x2, s12;
	v6 =	vsel vm13, v7, v6  }
0x46: {  	v54 =	vmov s30;
	v52 =	vshll.u32 v10, $0x7;
	v7 =	vshra.s32 v6, $0x18  }
0x47: {  	v55 =	vshll.u32 v54, $0x3;
	v56 =	vand.u32 $0x7E, v54;
	v7 =	vadd.s32 $0x80, v7  }
0x48: {  	v8 =	vor.u32 v0, v52;
	v53 =	vshll.u32 v7, $0x7;
	v7 =	vshll.u32 v7, $0x3  }
0x49: {  	v11 =	vand.u32 $0xC00, v55;
	v9 =	vor.u32 v0, v53;
	v7 =	vand.u32 $0x7FFFFF80, v7  }
0x4a: {  	v11 =	vor.u32 v11, v56;
	v7 =	vor.u32 v0, v7  }
0x4b: {  	v11 =	vor.u32 v3, v11;
	_ =	sdelay $0x1  }
0x4c: {  	[tilespmem:v8+s9+$0x0] =	vst.idx.msk $0xffff, v6  }
0x4d: {  	[tilespmem:v9+s7+$0x0] =	vst.idx.add.s32.msk $0xffff, v4  }
0x4e: {  	[tilespmem:v7+s8+$0x0] =	vst.idx.add.s32.msk $0xffff, v4  }
0x4f: {  	v6 =	vld.idx.msk [tilespmem:v11+s2+$0x0], $0xffff;
	_ =	sdelay $0x4  }
0x50: {  	v6 =	vadd.f32 $0.0e+00, v6;
	_ =	sdelay $0x1  }
0x51: {  	v7 =	vxor.u32 $0x7FFFFFFF, v6;
	vm14 =	vlt.s32 v6, $0x0  }
0x52: {  	s31 =	sadd.s32 $0x3, s12;
	v6 =	vsel vm14, v7, v6  }
0x53: {  	v59 =	vmov s31;
	v57 =	vshll.u32 v54, $0x7;
	v7 =	vshra.s32 v6, $0x18  }
0x54: {  	v60 =	vshll.u32 v59, $0x3;
	v61 =	vand.u32 $0x7F, v59;
	v7 =	vadd.s32 $0x80, v7  }
0x55: {  	v8 =	vor.u32 v0, v57;
	v58 =	vshll.u32 v7, $0x7;
	v7 =	vshll.u32 v7, $0x3  }
0x56: {  	v11 =	vand.u32 $0xC00, v60;
	v9 =	vor.u32 v0, v58;
	v7 =	vand.u32 $0x7FFFFF80, v7  }
0x57: {  	v11 =	vor.u32 v11, v61;
	v7 =	vor.u32 v0, v7  }
0x58: {  	v11 =	vor.u32 v3, v11;
	_ =	sdelay $0x1  }
0x59: {  	[tilespmem:v8+s9+$0x0] =	vst.idx.msk $0xffff, v6  }
0x5a: {  	[tilespmem:v9+s7+$0x0] =	vst.idx.add.s32.msk $0xffff, v4  }
0x5b: {  	[tilespmem:v7+s8+$0x0] =	vst.idx.add.s32.msk $0xffff, v4  }
0x5c: {  	v6 =	vld.idx.msk [tilespmem:v11+s2+$0x0], $0xffff;
	_ =	sdelay $0x4  }
0x5d: {  	v6 =	vadd.f32 $0.0e+00, v6;
	_ =	sdelay $0x1  }
0x5e: {  	v7 =	vxor.u32 $0x7FFFFFFF, v6;
	vm15 =	vlt.s32 v6, $0x0  }
0x5f: {  	v6 =	vsel vm15, v7, v6  }
0x60: {  	v7 =	vshra.s32 v6, $0x18  }
0x61: {  	v62 =	vshll.u32 v59, $0x7;
	v7 =	vadd.s32 $0x80, v7  }
0x62: {  	v8 =	vor.u32 v0, v62;
	v63 =	vshll.u32 v7, $0x7;
	v7 =	vshll.u32 v7, $0x3  }
0x63: {  	v9 =	vor.u32 v0, v63;
	v7 =	vand.u32 $0x7FFFFF80, v7  }
0x64: {  	p0 =	sne.s32 s12, $0x1FC;
	v7 =	vor.u32 v0, v7  }
.Ltmp2:
0x65: {  	_ = 	snop;
	(pc) =	sbr.rel @p0 .LBB2_6-.Ltmp2, $4  }
0x66: {  	_ = 	snop  }
0x67: {  	[tilespmem:v8+s9+$0x0] =	vst.idx.msk $0xffff, v6  }
0x68: {  	[tilespmem:v9+s7+$0x0] =	vst.idx.add.s32.msk $0xffff, v4  }
0x69: {  	s12 =	sadd.s32 $0x4, s12;
	[tilespmem:v7+s8+$0x0] =	vst.idx.add.s32.msk $0xffff, v4  }
0x6a: {  	s12 =	simm.s32 $0xF  }
0x6b: {  	v6 =	vmov s12  }
0x6c: {  	v6 =	vshll.u32 v6, $0x7  }
0x6d: {  	v6 =	vor.u32 v0, v6;
	_ =	sdelay $0x1  }
0x6e: {  	s13 =	simm.s32 $0xE  }
0x6f: {  	v7 =	vmov s13  }
0x70: {  	v7 =	vshll.u32 v7, $0x7  }
0x71: {  	v11 =	vor.u32 v0, v7;
	v12 =	vld.idx.msk [tilespmem:v6+s8+$0x0], $0xffff  }
0x72: {  	v10 =	vimm.s32 $0x0;
	v9 =	vimm.s32 $0x0  }
0x73: {  	s14 =	simm.s32 $0xD;
	v8 =	vimm.s32 $0x0;
	v7 =	vimm.s32 $0x0;
	v6 =	vimm.s32 $0x0  }
.LBB2_8:
0x74: {  	p0 =	sne.s32 s14, $0x0  }
.Ltmp3:
0x75: {  	v13 =	vmov s14;
	s15 =	smov.u32 s14;
	s14 =	sadd.s32 $0xFFFFFFFF, s14;
	(pc) =	sbr.rel @p0 .LBB2_8-.Ltmp3, $4  }
0x76: {  	v13 =	vshll.u32 v13, $0x7;
	v10 =	vadd.s32 v10, v12;
	v12 =	vld.idx.msk [tilespmem:v11+s8+$0x0], $0xffff  }
0x77: {  	vm0 =	veq.s32 v9, $0x0;
	v11 =	vor.u32 v0, v13;
	vm1 =	vgt.s32 v10, $0x1D  }
0x78: {  	vm0 =	vmand vm0, vm1  }
0x79: {  	v7 =	vsel vm0, s12, v7;
	v6 =	vsel vm0, v8, v6;
	v9 =	vsel vm0, $0x1, v9;
	v8 =	vmovc v10;
	s12 =	smov.u32 s13;
	s13 =	smov.u32 s15  }
0x7a: {  	_ =	sdelay $0x3  }
0x7b: {  	v11 =	vld.idx.msk [tilespmem:v11+s8+$0x0], $0xffff;
	_ =	sdelay $0x1  }
0x7c: {  	v10 =	vadd.s32 v10, v12  }
0x7d: {  	vm0 =	veq.s32 v9, $0x0;
	vm1 =	vgt.s32 v10, $0x1D  }
0x7e: {  	vm0 =	vmand vm0, vm1  }
0x7f: {  	v9 =	vsel vm0, $0x1, v9;
	v11 =	vadd.s32 v10, v11  }
0x80: {  	vm15 =	veq.s32 v9, $0x0;
	vm2 =	vgt.s32 v11, $0x1D  }
0x81: {  	v7 =	vsel vm0, s12, v7;
	vm1 =	vmand vm15, vm2  }
0x82: {  	s12 =	simm.s32 $0xF;
	v7 =	vsel vm1, s13, v7  }
0x83: {  	v11 =	vmov s12;
	v9 =	vshll.u32 v7, $0xB  }
0x84: {  	v11 =	vshll.u32 v11, $0x7;
	v9 =	vor.u32 v0, v9  }
0x85: {  	v11 =	vor.u32 v9, v11;
	_ =	sdelay $0x1  }
0x86: {  	v6 =	vsel vm0, v8, v6;
	s13 =	simm.s32 $0xE  }
0x87: {  	v6 =	vsel vm1, v10, v6;
	v10 =	vmov s13  }
0x88: {  	v10 =	vshll.u32 v10, $0x7  }
0x89: {  	v15 =	vor.u32 v9, v10;
	v16 =	vld.idx.msk [tilespmem:v11+s7+$0x0], $0xffff  }
0x8a: {  	v14 =	vimm.s32 $0x0;
	v13 =	vimm.s32 $0x0;
	v12 =	vimm.s32 $0x0  }
0x8b: {  	s14 =	simm.s32 $0xD;
	v8 =	vsub.s32 $0x1E, v6;
	v10 =	vimm.s32 $0x0;
	v11 =	vimm.s32 $0x0  }
.LBB2_10:
0x8c: {  	p0 =	sne.s32 s14, $0x0  }
.Ltmp4:
0x8d: {  	v17 =	vmov s14;
	s15 =	smov.u32 s14;
	s14 =	sadd.s32 $0xFFFFFFFF, s14;
	(pc) =	sbr.rel @p0 .LBB2_10-.Ltmp4, $4  }
0x8e: {  	v17 =	vshll.u32 v17, $0x7;
	v14 =	vadd.s32 v14, v16;
	v16 =	vld.idx.msk [tilespmem:v15+s7+$0x0], $0xffff  }
0x8f: {  	vm0 =	veq.s32 v13, $0x0;
	v15 =	vor.u32 v9, v17;
	vm1 =	vge.s32 v14, v8  }
0x90: {  	vm0 =	vmand vm0, vm1  }
0x91: {  	v10 =	vsel vm0, s12, v10;
	v11 =	vsel vm0, v12, v11;
	v13 =	vsel vm0, $0x1, v13;
	v12 =	vmovc v14;
	s12 =	smov.u32 s13;
	s13 =	smov.u32 s15  }
0x92: {  	_ =	sdelay $0x3  }
0x93: {  	v9 =	vld.idx.msk [tilespmem:v15+s7+$0x0], $0xffff;
	_ =	sdelay $0x1  }
0x94: {  	v14 =	vadd.s32 v14, v16  }
0x95: {  	vm0 =	veq.s32 v13, $0x0;
	vm1 =	vge.s32 v14, v8  }
0x96: {  	vm0 =	vmand vm0, vm1  }
0x97: {  	s14 =	simm.s32 $0x0;
	v13 =	vsel vm0, $0x1, v13;
	v9 =	vadd.s32 v14, v9  }
0x98: {  	v16 =	vor.u32 s14, v0;
	vm14 =	veq.s32 v13, $0x0;
	vm2 =	vge.s32 v9, v8  }
0x99: {  	s29 =	simm.s32 $0x80;
	v8 =	vsel vm0, s12, v10;
	v10 =	vsel vm0, v12, v11;
	vm15 =	vmand vm14, vm2  }
0x9a: {  	s30 =	simm.s32 $0x100;
	v9 =	vsel vm15, s13, v8;
	v8 =	vsel vm15, v14, v10;
	v14 =	vor.u32 s29, v0  }
0x9b: {  	s15 =	simm.s32 $0x180;
	v15 =	vor.u32 s30, v0  }
0x9c: {  	s16 =	simm.s32 $0x200;
	v11 =	vor.u32 s15, v0  }
0x9d: {  	s31 =	simm.s32 $0x300;
	s17 =	simm.s32 $0x280;
	v12 =	vor.u32 s16, v0  }
0x9e: {  	v13 =	vor.u32 s17, v0;
	s12 =	simm.s32 $0xF;
	[tilespmem:v16+s7+$0x0] =	vst.idx.msk $0xffff, v2;
	v10 =	vor.u32 s31, v0;
	s13 =	simm.s32 $0x380  }
.LBB2_12:
0x9f: {  	s14 =	sshll.u32 s12, $0x7;
	p0 =	sne.s32 s12, $0xFF;
	s12 =	sadd.s32 $0x8, s12;
	[tilespmem:v14+s7+$0x0] =	vst.idx.msk $0xffff, v2  }
0xa0: {  	v16 =	vor.u32 s13, v0;
	s15 =	sadd.s32 $0xFFFFFC80, s14;
	s16 =	sadd.s32 $0xFFFFFD00, s14;
	s17 =	sadd.s32 $0xFFFFFD80, s14;
	[tilespmem:v15+s7+$0x0] =	vst.idx.msk $0xffff, v2  }
0xa1: {  	s18 =	sadd.s32 $0xFFFFFE80, s14;
	s19 =	sadd.s32 $0xFFFFFF00, s14;
	v17 =	vor.u32 s15, v0;
	s15 =	sadd.s32 $0xFFFFFE00, s14;
	[tilespmem:v11+s7+$0x0] =	vst.idx.msk $0xffff, v2  }
.Ltmp5:
0xa2: {  	s13 =	smov.u32 s14;
	v14 =	vor.u32 s16, v0;
	s16 =	sadd.s32 $0xFFFFFF80, s14;
	[tilespmem:v12+s7+$0x0] =	vst.idx.msk $0xffff, v2;
	(pc) =	sbr.rel @p0 .LBB2_12-.Ltmp5, $4  }
0xa3: {  	v15 =	vor.u32 s17, v0;
	v12 =	vor.u32 s16, v0;
	[tilespmem:v13+s7+$0x0] =	vst.idx.msk $0xffff, v2  }
0xa4: {  	v11 =	vor.u32 s15, v0;
	[tilespmem:v10+s7+$0x0] =	vst.idx.msk $0xffff, v2;
	v10 =	vmov v12  }
0xa5: {  	v12 =	vor.u32 s18, v0;
	[tilespmem:v16+s7+$0x0] =	vst.idx.msk $0xffff, v2  }
0xa6: {  	v13 =	vor.u32 s19, v0;
	[tilespmem:v17+s7+$0x0] =	vst.idx.msk $0xffff, v2  }
0xa7: {  	_ =	sdelay $0x3  }
0xa8: {  	[tilespmem:v14+s7+$0x0] =	vst.idx.msk $0xffff, v2  }
0xa9: {  	v63 =	vor.u32 s13, v0;
	[tilespmem:v15+s7+$0x0] =	vst.idx.msk $0xffff, v2  }
0xaa: {  	[tilespmem:v11+s7+$0x0] =	vst.idx.msk $0xffff, v2  }
0xab: {  	[tilespmem:v12+s7+$0x0] =	vst.idx.msk $0xffff, v2  }
0xac: {  	[tilespmem:v13+s7+$0x0] =	vst.idx.msk $0xffff, v2  }
0xad: {  	s31 =	simm.s32 $0x0;
	[tilespmem:v10+s7+$0x0] =	vst.idx.msk $0xffff, v2  }
0xae: {  	s12 =	simm.s32 $0x1;
	v10 =	vor.u32 s31, v0;
	[tilespmem:v63+s7+$0x0] =	vst.idx.msk $0xffff, v2  }
.LBB2_14:
0xaf: {  	p0 =	sne.s32 s12, $0xF  }
.Ltmp6:
0xb0: {  	_ = 	snop;
	(pc) =	sbr.rel @p0 .LBB2_14-.Ltmp6, $3  }
0xb1: {  	_ =	sdelay $0x1  }
0xb2: {  	s13 =	sshll.u32 s12, $0x7;
	s12 =	sadd.s32 $0x1, s12;
	[tilespmem:v10+s8+$0x0] =	vst.idx.msk $0xffff, v2  }
0xb3: {  	v10 =	vor.u32 s13, v0  }
0xb4: {  	_ =	sdelay $0x1  }
0xb5: {  	v7 =	vshll.u32 v7, $0x4  }
0xb6: {  	v7 =	vadd.s32 v9, v7  }
0xb7: {  	[tilespmem:v10+s8+$0x0] =	vst.idx.msk $0xffff, v2;
	s12 =	simm.s32 $0x0;
	v7 =	vadd.s32 $0xFFFFFF80, v7  }
.LBB2_16:
0xb8: {  	s13 =	sshll.u32 s12, $0x7  }
0xb9: {  	v9 =	vor.u32 s13, v0;
	_ =	sdelay $0x4  }
0xba: {  	v9 =	vld.idx.msk [tilespmem:v9+s9+$0x0], $0xffff;
	_ =	sdelay $0x4  }
0xbb: {  	v10 =	vshra.s32 v9, $0x18;
	v11 =	vshrl.u32 v9, $0x9  }
0xbc: {  	v9 =	vshrl.u32 v9, $0xD;
	vm0 =	veq.s32 v10, v7;
	v10 =	vand.u32 $0x7F80, v11  }
0xbd: {  	v9 =	vand.u32 $0x780, v9;
	v10 =	vor.u32 v0, v10  }
0xbe: {  	s14 =	sadd.s32 $0x80, s13;
	v9 =	vor.u32 v0, v9  }
0xbf: {  	v11 =	vor.u32 s14, v0;
	_ =	sdelay $0x2  }
0xc0: {  	[tilespmem:v10+s7+$0x0] =	vst.idx.add.s32.msk vm0, v4  }
0xc1: {  	[tilespmem:v9+s8+$0x0] =	vst.idx.add.s32.msk vm0, v4  }
0xc2: {  	v9 =	vld.idx.msk [tilespmem:v11+s9+$0x0], $0xffff;
	_ =	sdelay $0x4  }
0xc3: {  	v10 =	vshra.s32 v9, $0x18;
	v11 =	vshrl.u32 v9, $0x9  }
0xc4: {  	v9 =	vshrl.u32 v9, $0xD;
	vm13 =	veq.s32 v10, v7;
	v10 =	vand.u32 $0x7F80, v11  }
0xc5: {  	v9 =	vand.u32 $0x780, v9;
	v10 =	vor.u32 v0, v10  }
0xc6: {  	s31 =	sadd.s32 $0x100, s13;
	v9 =	vor.u32 v0, v9  }
0xc7: {  	v11 =	vor.u32 s31, v0;
	_ =	sdelay $0x2  }
0xc8: {  	[tilespmem:v10+s7+$0x0] =	vst.idx.add.s32.msk vm13, v4  }
0xc9: {  	[tilespmem:v9+s8+$0x0] =	vst.idx.add.s32.msk vm13, v4  }
0xca: {  	v9 =	vld.idx.msk [tilespmem:v11+s9+$0x0], $0xffff;
	_ =	sdelay $0x4  }
0xcb: {  	v10 =	vshra.s32 v9, $0x18;
	v11 =	vshrl.u32 v9, $0x9  }
0xcc: {  	v9 =	vshrl.u32 v9, $0xD;
	vm14 =	veq.s32 v10, v7;
	v10 =	vand.u32 $0x7F80, v11  }
0xcd: {  	v9 =	vand.u32 $0x780, v9;
	v10 =	vor.u32 v0, v10  }
0xce: {  	s13 =	sadd.s32 $0x180, s13;
	v9 =	vor.u32 v0, v9  }
0xcf: {  	v11 =	vor.u32 s13, v0;
	_ =	sdelay $0x2  }
0xd0: {  	[tilespmem:v10+s7+$0x0] =	vst.idx.add.s32.msk vm14, v4  }
0xd1: {  	[tilespmem:v9+s8+$0x0] =	vst.idx.add.s32.msk vm14, v4  }
0xd2: {  	v9 =	vld.idx.msk [tilespmem:v11+s9+$0x0], $0xffff;
	_ =	sdelay $0x4  }
0xd3: {  	v10 =	vshra.s32 v9, $0x18;
	v11 =	vshrl.u32 v9, $0x9  }
0xd4: {  	v9 =	vshrl.u32 v9, $0xD;
	vm15 =	veq.s32 v10, v7;
	v10 =	vand.u32 $0x7F80, v11  }
0xd5: {  	v9 =	vand.u32 $0x780, v9;
	v10 =	vor.u32 v0, v10  }
0xd6: {  	p0 =	sne.s32 s12, $0x1FC;
	v9 =	vor.u32 v0, v9  }
.Ltmp7:
0xd7: {  	_ = 	snop;
	(pc) =	sbr.rel @p0 .LBB2_16-.Ltmp7, $3  }
0xd8: {  	_ =	sdelay $0x1  }
0xd9: {  	[tilespmem:v10+s7+$0x0] =	vst.idx.add.s32.msk vm15, v4  }
0xda: {  	s12 =	sadd.s32 $0x4, s12;
	[tilespmem:v9+s8+$0x0] =	vst.idx.add.s32.msk vm15, v4  }
0xdb: {  	s12 =	simm.s32 $0xF  }
0xdc: {  	v9 =	vmov s12  }
0xdd: {  	v9 =	vshll.u32 v9, $0x7  }
0xde: {  	v10 =	vor.u32 v0, v9;
	_ =	sdelay $0x1  }
0xdf: {  	s13 =	simm.s32 $0xE  }
0xe0: {  	v6 =	vadd.s32 v6, v8;
	v8 =	vmov s13  }
0xe1: {  	v8 =	vshll.u32 v8, $0x7  }
0xe2: {  	v14 =	vor.u32 v0, v8;
	v15 =	vld.idx.msk [tilespmem:v10+s8+$0x0], $0xffff  }
0xe3: {  	v13 =	vimm.s32 $0x0;
	v12 =	vimm.s32 $0x0;
	v11 =	vimm.s32 $0x0  }
0xe4: {  	s14 =	simm.s32 $0xD;
	v9 =	vsub.s32 $0x1E, v6;
	v8 =	vimm.s32 $0x0;
	v10 =	vimm.s32 $0x0  }
.LBB2_18:
0xe5: {  	p0 =	sne.s32 s14, $0x0  }
.Ltmp8:
0xe6: {  	v16 =	vmov s14;
	s15 =	smov.u32 s14;
	s14 =	sadd.s32 $0xFFFFFFFF, s14;
	(pc) =	sbr.rel @p0 .LBB2_18-.Ltmp8, $4  }
0xe7: {  	v16 =	vshll.u32 v16, $0x7;
	v13 =	vadd.s32 v13, v15;
	v15 =	vld.idx.msk [tilespmem:v14+s8+$0x0], $0xffff  }
0xe8: {  	vm0 =	veq.s32 v12, $0x0;
	v14 =	vor.u32 v0, v16;
	vm1 =	vge.s32 v13, v9  }
0xe9: {  	vm0 =	vmand vm0, vm1  }
0xea: {  	v10 =	vsel vm0, s12, v10;
	v8 =	vsel vm0, v11, v8;
	v12 =	vsel vm0, $0x1, v12;
	v11 =	vmovc v13;
	s12 =	smov.u32 s13;
	s13 =	smov.u32 s15  }
0xeb: {  	_ =	sdelay $0x3  }
0xec: {  	v14 =	vld.idx.msk [tilespmem:v14+s8+$0x0], $0xffff;
	_ =	sdelay $0x1  }
0xed: {  	v13 =	vadd.s32 v13, v15  }
0xee: {  	vm0 =	veq.s32 v12, $0x0;
	vm1 =	vge.s32 v13, v9  }
0xef: {  	vm0 =	vmand vm0, vm1  }
0xf0: {  	v12 =	vsel vm0, $0x1, v12;
	v14 =	vadd.s32 v13, v14  }
0xf1: {  	vm15 =	veq.s32 v12, $0x0;
	vm2 =	vge.s32 v14, v9  }
0xf2: {  	v10 =	vsel vm0, s12, v10;
	vm1 =	vmand vm15, vm2  }
0xf3: {  	s12 =	simm.s32 $0xF;
	v10 =	vsel vm1, s13, v10  }
0xf4: {  	v14 =	vmov s12;
	v12 =	vshll.u32 v10, $0xB  }
0xf5: {  	v14 =	vshll.u32 v14, $0x7;
	v12 =	vor.u32 v0, v12  }
0xf6: {  	v14 =	vor.u32 v12, v14;
	_ =	sdelay $0x1  }
0xf7: {  	s13 =	simm.s32 $0xE  }
0xf8: {  	v8 =	vsel vm0, v11, v8;
	v11 =	vmov s13  }
0xf9: {  	v11 =	vshll.u32 v11, $0x7  }
0xfa: {  	v16 =	vimm.s32 $0x0;
	v17 =	vor.u32 v12, v11;
	v18 =	vld.idx.msk [tilespmem:v14+s7+$0x0], $0xffff  }
0xfb: {  	v15 =	vimm.s32 $0x0;
	v8 =	vsel vm1, v13, v8;
	v13 =	vimm.s32 $0x0  }
0xfc: {  	s14 =	simm.s32 $0xD;
	v9 =	vsub.s32 v9, v8;
	v11 =	vimm.s32 $0x0;
	v14 =	vimm.s32 $0x0  }
.LBB2_20:
0xfd: {  	p0 =	sne.s32 s14, $0x0  }
.Ltmp9:
0xfe: {  	v19 =	vmov s14;
	s15 =	smov.u32 s14;
	s14 =	sadd.s32 $0xFFFFFFFF, s14;
	(pc) =	sbr.rel @p0 .LBB2_20-.Ltmp9, $4  }
0xff: {  	v19 =	vshll.u32 v19, $0x7;
	v16 =	vadd.s32 v16, v18;
	v18 =	vld.idx.msk [tilespmem:v17+s7+$0x0], $0xffff  }
0x100: {  	vm0 =	veq.s32 v15, $0x0;
	v17 =	vor.u32 v12, v19;
	vm1 =	vge.s32 v16, v9  }
0x101: {  	vm0 =	vmand vm0, vm1  }
0x102: {  	v11 =	vsel vm0, s12, v11;
	v13 =	vsel vm0, v14, v13;
	v15 =	vsel vm0, $0x1, v15;
	v14 =	vmovc v16;
	s12 =	smov.u32 s13;
	s13 =	smov.u32 s15  }
0x103: {  	_ =	sdelay $0x3  }
0x104: {  	v12 =	vld.idx.msk [tilespmem:v17+s7+$0x0], $0xffff;
	_ =	sdelay $0x1  }
0x105: {  	v16 =	vadd.s32 v16, v18  }
0x106: {  	vm0 =	veq.s32 v15, $0x0;
	vm1 =	vge.s32 v16, v9  }
0x107: {  	vm0 =	vmand vm0, vm1  }
0x108: {  	s14 =	simm.s32 $0x0;
	v15 =	vsel vm0, $0x1, v15;
	v12 =	vadd.s32 v16, v12  }
0x109: {  	v18 =	vor.u32 s14, v0;
	vm14 =	veq.s32 v15, $0x0;
	vm2 =	vge.s32 v12, v9  }
0x10a: {  	s29 =	simm.s32 $0x80;
	v9 =	vsel vm0, s12, v11;
	v12 =	vsel vm0, v14, v13;
	vm15 =	vmand vm14, vm2  }
0x10b: {  	s30 =	simm.s32 $0x100;
	v11 =	vsel vm15, s13, v9;
	v9 =	vsel vm15, v16, v12;
	v16 =	vor.u32 s29, v0  }
0x10c: {  	s15 =	simm.s32 $0x180;
	v17 =	vor.u32 s30, v0  }
0x10d: {  	s16 =	simm.s32 $0x200;
	v13 =	vor.u32 s15, v0  }
0x10e: {  	s31 =	simm.s32 $0x300;
	s17 =	simm.s32 $0x280;
	v14 =	vor.u32 s16, v0  }
0x10f: {  	v15 =	vor.u32 s17, v0;
	s12 =	simm.s32 $0xF;
	[tilespmem:v18+s7+$0x0] =	vst.idx.msk $0xffff, v2;
	v12 =	vor.u32 s31, v0;
	s13 =	simm.s32 $0x380  }
.LBB2_22:
0x110: {  	s14 =	sshll.u32 s12, $0x7;
	p0 =	sne.s32 s12, $0xFF;
	s12 =	sadd.s32 $0x8, s12;
	[tilespmem:v16+s7+$0x0] =	vst.idx.msk $0xffff, v2  }
0x111: {  	v18 =	vor.u32 s13, v0;
	s15 =	sadd.s32 $0xFFFFFC80, s14;
	s16 =	sadd.s32 $0xFFFFFD00, s14;
	s17 =	sadd.s32 $0xFFFFFD80, s14;
	[tilespmem:v17+s7+$0x0] =	vst.idx.msk $0xffff, v2  }
0x112: {  	s18 =	sadd.s32 $0xFFFFFE80, s14;
	s19 =	sadd.s32 $0xFFFFFF00, s14;
	v19 =	vor.u32 s15, v0;
	s15 =	sadd.s32 $0xFFFFFE00, s14;
	[tilespmem:v13+s7+$0x0] =	vst.idx.msk $0xffff, v2  }
.Ltmp10:
0x113: {  	s13 =	smov.u32 s14;
	v16 =	vor.u32 s16, v0;
	s16 =	sadd.s32 $0xFFFFFF80, s14;
	[tilespmem:v14+s7+$0x0] =	vst.idx.msk $0xffff, v2;
	(pc) =	sbr.rel @p0 .LBB2_22-.Ltmp10, $4  }
0x114: {  	v17 =	vor.u32 s17, v0;
	v14 =	vor.u32 s16, v0;
	[tilespmem:v15+s7+$0x0] =	vst.idx.msk $0xffff, v2  }
0x115: {  	v13 =	vor.u32 s15, v0;
	[tilespmem:v12+s7+$0x0] =	vst.idx.msk $0xffff, v2;
	v12 =	vmov v14  }
0x116: {  	v14 =	vor.u32 s18, v0;
	[tilespmem:v18+s7+$0x0] =	vst.idx.msk $0xffff, v2  }
0x117: {  	v15 =	vor.u32 s19, v0;
	[tilespmem:v19+s7+$0x0] =	vst.idx.msk $0xffff, v2  }
0x118: {  	_ =	sdelay $0x3  }
0x119: {  	[tilespmem:v16+s7+$0x0] =	vst.idx.msk $0xffff, v2  }
0x11a: {  	v63 =	vor.u32 s13, v0;
	[tilespmem:v17+s7+$0x0] =	vst.idx.msk $0xffff, v2  }
0x11b: {  	[tilespmem:v13+s7+$0x0] =	vst.idx.msk $0xffff, v2  }
0x11c: {  	[tilespmem:v14+s7+$0x0] =	vst.idx.msk $0xffff, v2  }
0x11d: {  	[tilespmem:v15+s7+$0x0] =	vst.idx.msk $0xffff, v2  }
0x11e: {  	s31 =	simm.s32 $0x0;
	[tilespmem:v12+s7+$0x0] =	vst.idx.msk $0xffff, v2  }
0x11f: {  	s12 =	simm.s32 $0x1;
	v12 =	vor.u32 s31, v0;
	[tilespmem:v63+s7+$0x0] =	vst.idx.msk $0xffff, v2  }
.LBB2_24:
0x120: {  	p0 =	sne.s32 s12, $0xF  }
.Ltmp11:
0x121: {  	_ = 	snop;
	(pc) =	sbr.rel @p0 .LBB2_24-.Ltmp11, $3  }
0x122: {  	_ =	sdelay $0x1  }
0x123: {  	s13 =	sshll.u32 s12, $0x7;
	s12 =	sadd.s32 $0x1, s12;
	[tilespmem:v12+s8+$0x0] =	vst.idx.msk $0xffff, v2  }
0x124: {  	v12 =	vor.u32 s13, v0  }
0x125: {  	_ =	sdelay $0x1  }
0x126: {  	v10 =	vshll.u32 v10, $0x4;
	v7 =	vshll.u32 v7, $0x8  }
0x127: {  	v7 =	vadd.s32 v7, v10  }
0x128: {  	[tilespmem:v12+s8+$0x0] =	vst.idx.msk $0xffff, v2;
	s12 =	simm.s32 $0x0;
	v7 =	vadd.s32 v11, v7  }
.LBB2_26:
0x129: {  	s13 =	sshll.u32 s12, $0x7  }
0x12a: {  	v10 =	vor.u32 s13, v0;
	_ =	sdelay $0x4  }
0x12b: {  	v10 =	vld.idx.msk [tilespmem:v10+s9+$0x0], $0xffff;
	_ =	sdelay $0x4  }
0x12c: {  	v11 =	vshra.s32 v10, $0x10;
	v12 =	vshrl.u32 v10, $0x1  }
0x12d: {  	v10 =	vshrl.u32 v10, $0x5;
	vm0 =	veq.s32 v11, v7;
	v11 =	vand.u32 $0x7F80, v12  }
0x12e: {  	v10 =	vand.u32 $0x780, v10;
	v11 =	vor.u32 v0, v11  }
0x12f: {  	s14 =	sadd.s32 $0x80, s13;
	v10 =	vor.u32 v0, v10  }
0x130: {  	v61 =	vor.u32 s14, v0;
	_ =	sdelay $0x2  }
0x131: {  	[tilespmem:v11+s7+$0x0] =	vst.idx.add.s32.msk vm0, v4  }
0x132: {  	[tilespmem:v10+s8+$0x0] =	vst.idx.add.s32.msk vm0, v4  }
0x133: {  	v10 =	vld.idx.msk [tilespmem:v61+s9+$0x0], $0xffff;
	_ =	sdelay $0x4  }
0x134: {  	v11 =	vshra.s32 v10, $0x10;
	v12 =	vshrl.u32 v10, $0x1  }
0x135: {  	v10 =	vshrl.u32 v10, $0x5;
	vm13 =	veq.s32 v11, v7;
	v11 =	vand.u32 $0x7F80, v12  }
0x136: {  	v10 =	vand.u32 $0x780, v10;
	v11 =	vor.u32 v0, v11  }
0x137: {  	s31 =	sadd.s32 $0x100, s13;
	v10 =	vor.u32 v0, v10  }
0x138: {  	v62 =	vor.u32 s31, v0;
	_ =	sdelay $0x2  }
0x139: {  	[tilespmem:v11+s7+$0x0] =	vst.idx.add.s32.msk vm13, v4  }
0x13a: {  	[tilespmem:v10+s8+$0x0] =	vst.idx.add.s32.msk vm13, v4  }
0x13b: {  	v10 =	vld.idx.msk [tilespmem:v62+s9+$0x0], $0xffff;
	_ =	sdelay $0x4  }
0x13c: {  	v11 =	vshra.s32 v10, $0x10;
	v12 =	vshrl.u32 v10, $0x1  }
0x13d: {  	v10 =	vshrl.u32 v10, $0x5;
	vm14 =	veq.s32 v11, v7;
	v11 =	vand.u32 $0x7F80, v12  }
0x13e: {  	v10 =	vand.u32 $0x780, v10;
	v11 =	vor.u32 v0, v11  }
0x13f: {  	s13 =	sadd.s32 $0x180, s13;
	v10 =	vor.u32 v0, v10  }
0x140: {  	v63 =	vor.u32 s13, v0;
	_ =	sdelay $0x2  }
0x141: {  	[tilespmem:v11+s7+$0x0] =	vst.idx.add.s32.msk vm14, v4  }
0x142: {  	[tilespmem:v10+s8+$0x0] =	vst.idx.add.s32.msk vm14, v4  }
0x143: {  	v10 =	vld.idx.msk [tilespmem:v63+s9+$0x0], $0xffff;
	_ =	sdelay $0x4  }
0x144: {  	v11 =	vshra.s32 v10, $0x10;
	v12 =	vshrl.u32 v10, $0x1  }
0x145: {  	v10 =	vshrl.u32 v10, $0x5;
	vm15 =	veq.s32 v11, v7;
	v11 =	vand.u32 $0x7F80, v12  }
0x146: {  	v10 =	vand.u32 $0x780, v10;
	v11 =	vor.u32 v0, v11  }
0x147: {  	p0 =	sne.s32 s12, $0x1FC;
	v10 =	vor.u32 v0, v10  }
.Ltmp12:
0x148: {  	_ = 	snop;
	(pc) =	sbr.rel @p0 .LBB2_26-.Ltmp12, $3  }
0x149: {  	_ =	sdelay $0x1  }
0x14a: {  	[tilespmem:v11+s7+$0x0] =	vst.idx.add.s32.msk vm15, v4  }
0x14b: {  	s12 =	sadd.s32 $0x4, s12;
	[tilespmem:v10+s8+$0x0] =	vst.idx.add.s32.msk vm15, v4  }
0x14c: {  	s12 =	simm.s32 $0xF  }
0x14d: {  	v10 =	vmov s12  }
0x14e: {  	v10 =	vshll.u32 v10, $0x7  }
0x14f: {  	v10 =	vor.u32 v0, v10;
	_ =	sdelay $0x1  }
0x150: {  	s13 =	simm.s32 $0xE  }
0x151: {  	v6 =	vadd.s32 v6, v8;
	v8 =	vmov s13  }
0x152: {  	v8 =	vshll.u32 v8, $0x7  }
0x153: {  	v13 =	vimm.s32 $0x0;
	v14 =	vor.u32 v0, v8;
	v15 =	vld.idx.msk [tilespmem:v10+s8+$0x0], $0xffff  }
0x154: {  	v12 =	vimm.s32 $0x0;
	v11 =	vimm.s32 $0x0;
	v6 =	vadd.s32 v9, v6  }
0x155: {  	s14 =	simm.s32 $0xD;
	v9 =	vsub.s32 $0x1E, v6;
	v8 =	vimm.s32 $0x0;
	v10 =	vimm.s32 $0x0  }
.LBB2_28:
0x156: {  	p0 =	sne.s32 s14, $0x0  }
.Ltmp13:
0x157: {  	v16 =	vmov s14;
	s15 =	smov.u32 s14;
	s14 =	sadd.s32 $0xFFFFFFFF, s14;
	(pc) =	sbr.rel @p0 .LBB2_28-.Ltmp13, $4  }
0x158: {  	v16 =	vshll.u32 v16, $0x7;
	v13 =	vadd.s32 v13, v15;
	v15 =	vld.idx.msk [tilespmem:v14+s8+$0x0], $0xffff  }
0x159: {  	vm0 =	veq.s32 v12, $0x0;
	v14 =	vor.u32 v0, v16;
	vm1 =	vge.s32 v13, v9  }
0x15a: {  	vm0 =	vmand vm0, vm1  }
0x15b: {  	v10 =	vsel vm0, s12, v10;
	v8 =	vsel vm0, v11, v8;
	v12 =	vsel vm0, $0x1, v12;
	v11 =	vmovc v13;
	s12 =	smov.u32 s13;
	s13 =	smov.u32 s15  }
0x15c: {  	_ =	sdelay $0x3  }
0x15d: {  	v14 =	vld.idx.msk [tilespmem:v14+s8+$0x0], $0xffff;
	_ =	sdelay $0x1  }
0x15e: {  	v13 =	vadd.s32 v13, v15  }
0x15f: {  	vm0 =	veq.s32 v12, $0x0;
	vm1 =	vge.s32 v13, v9  }
0x160: {  	vm0 =	vmand vm0, vm1  }
0x161: {  	v12 =	vsel vm0, $0x1, v12;
	v14 =	vadd.s32 v13, v14  }
0x162: {  	vm15 =	veq.s32 v12, $0x0;
	vm2 =	vge.s32 v14, v9  }
0x163: {  	v10 =	vsel vm0, s12, v10;
	vm1 =	vmand vm15, vm2  }
0x164: {  	s12 =	simm.s32 $0xF;
	v10 =	vsel vm1, s13, v10  }
0x165: {  	v14 =	vmov s12;
	v12 =	vshll.u32 v10, $0xB  }
0x166: {  	v14 =	vshll.u32 v14, $0x7;
	v12 =	vor.u32 v0, v12  }
0x167: {  	v14 =	vor.u32 v12, v14;
	_ =	sdelay $0x1  }
0x168: {  	s13 =	simm.s32 $0xE  }
0x169: {  	v8 =	vsel vm0, v11, v8;
	v11 =	vmov s13  }
0x16a: {  	v11 =	vshll.u32 v11, $0x7  }
0x16b: {  	v16 =	vimm.s32 $0x0;
	v17 =	vor.u32 v12, v11;
	v18 =	vld.idx.msk [tilespmem:v14+s7+$0x0], $0xffff  }
0x16c: {  	v15 =	vimm.s32 $0x0;
	v8 =	vsel vm1, v13, v8;
	v13 =	vimm.s32 $0x0  }
0x16d: {  	s14 =	simm.s32 $0xD;
	v9 =	vsub.s32 v9, v8;
	v11 =	vimm.s32 $0x0;
	v14 =	vimm.s32 $0x0  }
.LBB2_30:
0x16e: {  	p0 =	sne.s32 s14, $0x0  }
.Ltmp14:
0x16f: {  	v19 =	vmov s14;
	s15 =	smov.u32 s14;
	s14 =	sadd.s32 $0xFFFFFFFF, s14;
	(pc) =	sbr.rel @p0 .LBB2_30-.Ltmp14, $4  }
0x170: {  	v19 =	vshll.u32 v19, $0x7;
	v16 =	vadd.s32 v16, v18;
	v18 =	vld.idx.msk [tilespmem:v17+s7+$0x0], $0xffff  }
0x171: {  	vm0 =	veq.s32 v15, $0x0;
	v17 =	vor.u32 v12, v19;
	vm1 =	vge.s32 v16, v9  }
0x172: {  	vm0 =	vmand vm0, vm1  }
0x173: {  	v11 =	vsel vm0, s12, v11;
	v13 =	vsel vm0, v14, v13;
	v15 =	vsel vm0, $0x1, v15;
	v14 =	vmovc v16;
	s12 =	smov.u32 s13;
	s13 =	smov.u32 s15  }
0x174: {  	_ =	sdelay $0x3  }
0x175: {  	v12 =	vld.idx.msk [tilespmem:v17+s7+$0x0], $0xffff;
	_ =	sdelay $0x1  }
0x176: {  	v16 =	vadd.s32 v16, v18  }
0x177: {  	vm0 =	veq.s32 v15, $0x0;
	vm1 =	vge.s32 v16, v9  }
0x178: {  	vm0 =	vmand vm0, vm1  }
0x179: {  	s14 =	simm.s32 $0x0;
	v15 =	vsel vm0, $0x1, v15;
	v12 =	vadd.s32 v16, v12  }
0x17a: {  	v18 =	vor.u32 s14, v0;
	vm14 =	veq.s32 v15, $0x0;
	vm2 =	vge.s32 v12, v9  }
0x17b: {  	s29 =	simm.s32 $0x80;
	v9 =	vsel vm0, s12, v11;
	v12 =	vsel vm0, v14, v13;
	vm15 =	vmand vm14, vm2  }
0x17c: {  	s30 =	simm.s32 $0x100;
	v11 =	vsel vm15, s13, v9;
	v9 =	vsel vm15, v16, v12;
	v16 =	vor.u32 s29, v0  }
0x17d: {  	s15 =	simm.s32 $0x180;
	v17 =	vor.u32 s30, v0  }
0x17e: {  	s16 =	simm.s32 $0x200;
	v13 =	vor.u32 s15, v0  }
0x17f: {  	s31 =	simm.s32 $0x300;
	s17 =	simm.s32 $0x280;
	v14 =	vor.u32 s16, v0  }
0x180: {  	v15 =	vor.u32 s17, v0;
	s12 =	simm.s32 $0xF;
	[tilespmem:v18+s7+$0x0] =	vst.idx.msk $0xffff, v2;
	v12 =	vor.u32 s31, v0;
	s13 =	simm.s32 $0x380  }
.LBB2_32:
0x181: {  	s14 =	sshll.u32 s12, $0x7;
	p0 =	sne.s32 s12, $0xFF;
	s12 =	sadd.s32 $0x8, s12;
	[tilespmem:v16+s7+$0x0] =	vst.idx.msk $0xffff, v2  }
0x182: {  	v18 =	vor.u32 s13, v0;
	s15 =	sadd.s32 $0xFFFFFC80, s14;
	s16 =	sadd.s32 $0xFFFFFD00, s14;
	s17 =	sadd.s32 $0xFFFFFD80, s14;
	[tilespmem:v17+s7+$0x0] =	vst.idx.msk $0xffff, v2  }
0x183: {  	s18 =	sadd.s32 $0xFFFFFE80, s14;
	s19 =	sadd.s32 $0xFFFFFF00, s14;
	v19 =	vor.u32 s15, v0;
	s15 =	sadd.s32 $0xFFFFFE00, s14;
	[tilespmem:v13+s7+$0x0] =	vst.idx.msk $0xffff, v2  }
.Ltmp15:
0x184: {  	s13 =	smov.u32 s14;
	v16 =	vor.u32 s16, v0;
	s16 =	sadd.s32 $0xFFFFFF80, s14;
	[tilespmem:v14+s7+$0x0] =	vst.idx.msk $0xffff, v2;
	(pc) =	sbr.rel @p0 .LBB2_32-.Ltmp15, $4  }
0x185: {  	v17 =	vor.u32 s17, v0;
	v14 =	vor.u32 s16, v0;
	[tilespmem:v15+s7+$0x0] =	vst.idx.msk $0xffff, v2  }
0x186: {  	v13 =	vor.u32 s15, v0;
	[tilespmem:v12+s7+$0x0] =	vst.idx.msk $0xffff, v2;
	v12 =	vmov v14  }
0x187: {  	v14 =	vor.u32 s18, v0;
	[tilespmem:v18+s7+$0x0] =	vst.idx.msk $0xffff, v2  }
0x188: {  	v15 =	vor.u32 s19, v0;
	[tilespmem:v19+s7+$0x0] =	vst.idx.msk $0xffff, v2  }
0x189: {  	_ =	sdelay $0x3  }
0x18a: {  	[tilespmem:v16+s7+$0x0] =	vst.idx.msk $0xffff, v2  }
0x18b: {  	v63 =	vor.u32 s13, v0;
	[tilespmem:v17+s7+$0x0] =	vst.idx.msk $0xffff, v2  }
0x18c: {  	[tilespmem:v13+s7+$0x0] =	vst.idx.msk $0xffff, v2  }
0x18d: {  	[tilespmem:v14+s7+$0x0] =	vst.idx.msk $0xffff, v2  }
0x18e: {  	[tilespmem:v15+s7+$0x0] =	vst.idx.msk $0xffff, v2  }
0x18f: {  	s31 =	simm.s32 $0x0;
	[tilespmem:v12+s7+$0x0] =	vst.idx.msk $0xffff, v2  }
0x190: {  	s12 =	simm.s32 $0x1;
	v12 =	vor.u32 s31, v0;
	[tilespmem:v63+s7+$0x0] =	vst.idx.msk $0xffff, v2  }
.LBB2_34:
0x191: {  	p0 =	sne.s32 s12, $0xF  }
.Ltmp16:
0x192: {  	_ = 	snop;
	(pc) =	sbr.rel @p0 .LBB2_34-.Ltmp16, $3  }
0x193: {  	_ =	sdelay $0x1  }
0x194: {  	s13 =	sshll.u32 s12, $0x7;
	s12 =	sadd.s32 $0x1, s12;
	[tilespmem:v12+s8+$0x0] =	vst.idx.msk $0xffff, v2  }
0x195: {  	v12 =	vor.u32 s13, v0  }
0x196: {  	_ =	sdelay $0x1  }
0x197: {  	v10 =	vshll.u32 v10, $0x4;
	v7 =	vshll.u32 v7, $0x8  }
0x198: {  	v7 =	vadd.s32 v7, v10  }
0x199: {  	[tilespmem:v12+s8+$0x0] =	vst.idx.msk $0xffff, v2;
	s12 =	simm.s32 $0x0;
	v7 =	vadd.s32 v11, v7  }
.LBB2_36:
0x19a: {  	s13 =	sshll.u32 s12, $0x7  }
0x19b: {  	v10 =	vor.u32 s13, v0;
	_ =	sdelay $0x4  }
0x19c: {  	v10 =	vld.idx.msk [tilespmem:v10+s9+$0x0], $0xffff;
	_ =	sdelay $0x4  }
0x19d: {  	v11 =	vshra.s32 v10, $0x8;
	v12 =	vand.u32 $0xFF, v10  }
0x19e: {  	v10 =	vshll.u32 v10, $0x3;
	vm0 =	veq.s32 v11, v7;
	v11 =	vshll.u32 v12, $0x7  }
0x19f: {  	v10 =	vand.u32 $0x780, v10;
	v11 =	vor.u32 v0, v11  }
0x1a0: {  	s14 =	sadd.s32 $0x80, s13;
	v10 =	vor.u32 v0, v10  }
0x1a1: {  	v61 =	vor.u32 s14, v0;
	_ =	sdelay $0x2  }
0x1a2: {  	[tilespmem:v11+s7+$0x0] =	vst.idx.add.s32.msk vm0, v4  }
0x1a3: {  	[tilespmem:v10+s8+$0x0] =	vst.idx.add.s32.msk vm0, v4  }
0x1a4: {  	v10 =	vld.idx.msk [tilespmem:v61+s9+$0x0], $0xffff;
	_ =	sdelay $0x4  }
0x1a5: {  	v11 =	vshra.s32 v10, $0x8;
	v12 =	vand.u32 $0xFF, v10  }
0x1a6: {  	v10 =	vshll.u32 v10, $0x3;
	vm13 =	veq.s32 v11, v7;
	v11 =	vshll.u32 v12, $0x7  }
0x1a7: {  	v10 =	vand.u32 $0x780, v10;
	v11 =	vor.u32 v0, v11  }
0x1a8: {  	s31 =	sadd.s32 $0x100, s13;
	v10 =	vor.u32 v0, v10  }
0x1a9: {  	v62 =	vor.u32 s31, v0;
	_ =	sdelay $0x2  }
0x1aa: {  	[tilespmem:v11+s7+$0x0] =	vst.idx.add.s32.msk vm13, v4  }
0x1ab: {  	[tilespmem:v10+s8+$0x0] =	vst.idx.add.s32.msk vm13, v4  }
0x1ac: {  	v10 =	vld.idx.msk [tilespmem:v62+s9+$0x0], $0xffff;
	_ =	sdelay $0x4  }
0x1ad: {  	v11 =	vshra.s32 v10, $0x8;
	v12 =	vand.u32 $0xFF, v10  }
0x1ae: {  	v10 =	vshll.u32 v10, $0x3;
	vm14 =	veq.s32 v11, v7;
	v11 =	vshll.u32 v12, $0x7  }
0x1af: {  	v10 =	vand.u32 $0x780, v10;
	v11 =	vor.u32 v0, v11  }
0x1b0: {  	s13 =	sadd.s32 $0x180, s13;
	v10 =	vor.u32 v0, v10  }
0x1b1: {  	v63 =	vor.u32 s13, v0;
	_ =	sdelay $0x2  }
0x1b2: {  	[tilespmem:v11+s7+$0x0] =	vst.idx.add.s32.msk vm14, v4  }
0x1b3: {  	[tilespmem:v10+s8+$0x0] =	vst.idx.add.s32.msk vm14, v4  }
0x1b4: {  	v10 =	vld.idx.msk [tilespmem:v63+s9+$0x0], $0xffff;
	_ =	sdelay $0x4  }
0x1b5: {  	v11 =	vshra.s32 v10, $0x8;
	v12 =	vand.u32 $0xFF, v10  }
0x1b6: {  	v10 =	vshll.u32 v10, $0x3;
	vm15 =	veq.s32 v11, v7;
	v11 =	vshll.u32 v12, $0x7  }
0x1b7: {  	v10 =	vand.u32 $0x780, v10;
	v11 =	vor.u32 v0, v11  }
0x1b8: {  	p0 =	sne.s32 s12, $0x1FC;
	v10 =	vor.u32 v0, v10  }
.Ltmp17:
0x1b9: {  	_ = 	snop;
	(pc) =	sbr.rel @p0 .LBB2_36-.Ltmp17, $3  }
0x1ba: {  	_ =	sdelay $0x1  }
0x1bb: {  	[tilespmem:v11+s7+$0x0] =	vst.idx.add.s32.msk vm15, v4  }
0x1bc: {  	s12 =	sadd.s32 $0x4, s12;
	[tilespmem:v10+s8+$0x0] =	vst.idx.add.s32.msk vm15, v4  }
0x1bd: {  	s12 =	simm.s32 $0xF  }
0x1be: {  	v10 =	vmov s12  }
0x1bf: {  	v10 =	vshll.u32 v10, $0x7  }
0x1c0: {  	v10 =	vor.u32 v0, v10;
	_ =	sdelay $0x1  }
0x1c1: {  	s13 =	simm.s32 $0xE  }
0x1c2: {  	v6 =	vadd.s32 v6, v8;
	v8 =	vmov s13  }
0x1c3: {  	v8 =	vshll.u32 v8, $0x7  }
0x1c4: {  	v13 =	vimm.s32 $0x0;
	v14 =	vor.u32 v0, v8;
	v15 =	vld.idx.msk [tilespmem:v10+s8+$0x0], $0xffff  }
0x1c5: {  	v12 =	vimm.s32 $0x0;
	v11 =	vimm.s32 $0x0;
	v6 =	vadd.s32 v9, v6  }
0x1c6: {  	s14 =	simm.s32 $0xD;
	v9 =	vsub.s32 $0x1E, v6;
	v8 =	vimm.s32 $0x0;
	v10 =	vimm.s32 $0x0  }
.LBB2_38:
0x1c7: {  	p0 =	sne.s32 s14, $0x0  }
.Ltmp18:
0x1c8: {  	v16 =	vmov s14;
	s15 =	smov.u32 s14;
	s14 =	sadd.s32 $0xFFFFFFFF, s14;
	(pc) =	sbr.rel @p0 .LBB2_38-.Ltmp18, $4  }
0x1c9: {  	v16 =	vshll.u32 v16, $0x7;
	v13 =	vadd.s32 v13, v15;
	v15 =	vld.idx.msk [tilespmem:v14+s8+$0x0], $0xffff  }
0x1ca: {  	vm0 =	veq.s32 v12, $0x0;
	v14 =	vor.u32 v0, v16;
	vm1 =	vge.s32 v13, v9  }
0x1cb: {  	vm0 =	vmand vm0, vm1  }
0x1cc: {  	v8 =	vsel vm0, s12, v8;
	v10 =	vsel vm0, v11, v10;
	v12 =	vsel vm0, $0x1, v12;
	v11 =	vmovc v13;
	s12 =	smov.u32 s13;
	s13 =	smov.u32 s15  }
0x1cd: {  	_ =	sdelay $0x3  }
0x1ce: {  	v14 =	vld.idx.msk [tilespmem:v14+s8+$0x0], $0xffff;
	_ =	sdelay $0x1  }
0x1cf: {  	v13 =	vadd.s32 v13, v15  }
0x1d0: {  	vm0 =	veq.s32 v12, $0x0;
	vm1 =	vge.s32 v13, v9  }
0x1d1: {  	vm0 =	vmand vm0, vm1  }
0x1d2: {  	v12 =	vsel vm0, $0x1, v12;
	v14 =	vadd.s32 v13, v14  }
0x1d3: {  	vm15 =	veq.s32 v12, $0x0;
	vm2 =	vge.s32 v14, v9  }
0x1d4: {  	v8 =	vsel vm0, s12, v8;
	vm1 =	vmand vm15, vm2  }
0x1d5: {  	v8 =	vsel vm1, s13, v8;
	s13 =	simm.s32 $0xF  }
0x1d6: {  	v12 =	vshll.u32 v8, $0xB;
	v14 =	vmov s13  }
0x1d7: {  	v12 =	vor.u32 v0, v12;
	v14 =	vshll.u32 v14, $0x7  }
0x1d8: {  	v14 =	vor.u32 v12, v14;
	_ =	sdelay $0x1  }
0x1d9: {  	s12 =	simm.s32 $0xE  }
0x1da: {  	v10 =	vsel vm0, v11, v10;
	v11 =	vmov s12  }
0x1db: {  	v11 =	vshll.u32 v11, $0x7  }
0x1dc: {  	v16 =	vimm.s32 $0x0;
	v17 =	vor.u32 v12, v11;
	v18 =	vld.idx.msk [tilespmem:v14+s7+$0x0], $0xffff  }
0x1dd: {  	v15 =	vimm.s32 $0x0;
	v10 =	vsel vm1, v13, v10;
	v13 =	vimm.s32 $0x0  }
0x1de: {  	s14 =	simm.s32 $0xD;
	v9 =	vsub.s32 v9, v10;
	v11 =	vimm.s32 $0x0;
	v14 =	vimm.s32 $0x0  }
.LBB2_40:
0x1df: {  	p0 =	sne.s32 s14, $0x0  }
.Ltmp19:
0x1e0: {  	v19 =	vmov s14;
	s15 =	smov.u32 s14;
	s14 =	sadd.s32 $0xFFFFFFFF, s14;
	(pc) =	sbr.rel @p0 .LBB2_40-.Ltmp19, $4  }
0x1e1: {  	v19 =	vshll.u32 v19, $0x7;
	v16 =	vadd.s32 v16, v18;
	v18 =	vld.idx.msk [tilespmem:v17+s7+$0x0], $0xffff  }
0x1e2: {  	vm0 =	veq.s32 v13, $0x0;
	v17 =	vor.u32 v12, v19;
	vm1 =	vge.s32 v16, v9  }
0x1e3: {  	vm0 =	vmand vm0, vm1  }
0x1e4: {  	v11 =	vsel vm0, s13, v11;
	v14 =	vsel vm0, v15, v14;
	v13 =	vsel vm0, $0x1, v13;
	v15 =	vmovc v16;
	s13 =	smov.u32 s12;
	s12 =	smov.u32 s15  }
0x1e5: {  	_ =	sdelay $0x3  }
0x1e6: {  	v12 =	vld.idx.msk [tilespmem:v17+s7+$0x0], $0xffff;
	s14 =	simm.s32 $0x0  }
0x1e7: {  	v61 =	vmov s14  }
0x1e8: {  	v16 =	vadd.s32 v16, v18;
	v62 =	vshll.u32 v61, $0x7  }
0x1e9: {  	vm0 =	veq.s32 v13, $0x0;
	vm1 =	vge.s32 v16, v9;
	v18 =	vor.u32 v0, v62  }
0x1ea: {  	vm0 =	vmand vm0, vm1  }
0x1eb: {  	v13 =	vsel vm0, $0x1, v13;
	v12 =	vadd.s32 v16, v12  }
0x1ec: {  	v8 =	vshll.u32 v8, $0x4;
	vm2 =	veq.s32 v13, $0x0;
	vm1 =	vge.s32 v12, v9  }
0x1ed: {  	v7 =	vshll.u32 v7, $0x8;
	v9 =	vsel vm0, v15, v14;
	vm1 =	vmand vm2, vm1  }
0x1ee: {  	v6 =	vadd.s32 v10, v6;
	v11 =	vsel vm0, s13, v11;
	v9 =	vsel vm1, v16, v9;
	v10 =	vld.idx.msk [tilespmem:v18+s9+$0x0], $0xffff  }
0x1ef: {  	v7 =	vadd.s32 v7, v8;
	v11 =	vsel vm1, s12, v11;
	v8 =	vadd.s32 v9, v6  }
0x1f0: {  	v6 =	vadd.s32 v11, v7;
	v7 =	vsub.s32 $0x1E, v8;
	v8 =	vshll.u32 v61, $0x3  }
0x1f1: {  	s29 =	simm.s32 $0x1;
	v9 =	vimm.s32 $0x0;
	v11 =	vand.u32 $0x7C, v61;
	v8 =	vand.u32 $0xC00, v8  }
0x1f2: {  	vm0 =	vlt.s32 v9, v7;
	v8 =	vor.u32 v8, v11;
	v11 =	vmov s29  }
0x1f3: {  	v8 =	vor.u32 v3, v8;
	v12 =	vshll.u32 v11, $0x7;
	vm1 =	veq.s32 v10, v6  }
0x1f4: {  	vm2 =	vgt.s32 v10, v6;
	v12 =	vor.u32 v0, v12;
	vm0 =	vmand vm0, vm1  }
0x1f5: {  	vm3 =	veq.s32 v61, v1;
	vm0 =	vmor vm2, vm0  }
0x1f6: {  	vm0 =	vmor vm3, vm0  }
0x1f7: {  	v10 =	vsel vm0, $0x3F800000, v5  }
0x1f8: {  	[tilespmem:v8+s10+$0x0] =	vst.idx.msk $0xffff, v10  }
0x1f9: {  	v8 =	vld.idx.msk [tilespmem:v12+s9+$0x0], $0xffff  }
0x1fa: {  	v10 =	vshll.u32 v11, $0x3  }
0x1fb: {  	v12 =	vand.u32 $0x7D, v11;
	v10 =	vand.u32 $0xC00, v10  }
0x1fc: {  	s30 =	simm.s32 $0x2;
	v10 =	vor.u32 v10, v12;
	v12 =	vsel vm1, $0x1, v2  }
0x1fd: {  	v9 =	vadd.s32 v12, v9;
	v12 =	vmov s30;
	v10 =	vor.u32 v3, v10  }
0x1fe: {  	v13 =	vshll.u32 v12, $0x7;
	vm0 =	vlt.s32 v9, v7;
	vm1 =	veq.s32 v8, v6  }
0x1ff: {  	vm2 =	vgt.s32 v8, v6;
	v8 =	vor.u32 v0, v13;
	vm0 =	vmand vm1, vm0  }
0x200: {  	vm3 =	veq.s32 v11, v1;
	vm0 =	vmor vm2, vm0  }
0x201: {  	vm0 =	vmor vm3, vm0  }
0x202: {  	v11 =	vsel vm0, $0x3F800000, v5  }
0x203: {  	[tilespmem:v10+s10+$0x0] =	vst.idx.msk $0xffff, v11  }
0x204: {  	v10 =	vld.idx.msk [tilespmem:v8+s9+$0x0], $0xffff  }
0x205: {  	v8 =	vshll.u32 v12, $0x3  }
0x206: {  	s31 =	simm.s32 $0x3;
	v13 =	vsel vm1, $0x1, v2;
	v11 =	vand.u32 $0x7E, v12;
	v8 =	vand.u32 $0xC00, v8  }
0x207: {  	v9 =	vadd.s32 v13, v9;
	v11 =	vor.u32 v8, v11;
	v8 =	vmov s31  }
0x208: {  	vm0 =	vlt.s32 v9, v7;
	v13 =	vshll.u32 v8, $0x7  }
0x209: {  	v11 =	vor.u32 v3, v11;
	v13 =	vor.u32 v0, v13;
	vm2 =	veq.s32 v10, v6  }
0x20a: {  	vm1 =	vgt.s32 v10, v6;
	vm0 =	vmand vm2, vm0;
	v10 =	vsel vm2, $0x1, v2  }
0x20b: {  	vm2 =	veq.s32 v12, v1;
	v12 =	vand.u32 $0x7F, v8;
	vm0 =	vmor vm1, vm0  }
0x20c: {  	s12 =	simm.s32 $0x4;
	v10 =	vadd.s32 v10, v9;
	v9 =	vshll.u32 v8, $0x3;
	vm0 =	vmor vm2, vm0  }
0x20d: {  	v14 =	vand.u32 $0xC00, v9;
	v9 =	vmov s12;
	v15 =	vsel vm0, $0x3F800000, v5  }
0x20e: {  	v63 =	vor.u32 v14, v12;
	v14 =	vshll.u32 v9, $0x3;
	[tilespmem:v11+s10+$0x0] =	vst.idx.msk $0xffff, v15  }
0x20f: {  	v15 =	vand.u32 $0xC00, v14;
	v14 =	vld.idx.msk [tilespmem:v13+s9+$0x0], $0xffff;
	_ =	sdelay $0x1  }
0x210: {  	v12 =	vshll.u32 v9, $0x7  }
0x211: {  	v11 =	vor.u32 v0, v12;
	v12 =	vand.u32 $0x7C, v9  }
0x212: {  	s13 =	simm.s32 $0x8;
	vm0 =	vlt.s32 v10, v7;
	v12 =	vor.u32 v15, v12;
	v13 =	vor.u32 v3, v63  }
.LBB2_42:
0x213: {  	p0 =	sne.s32 s13, $0x1FC;
	vm1 =	vgt.s32 v14, v6;
	vm2 =	veq.s32 v14, v6;
	s14 =	smov.u32 s13;
	s13 =	sadd.s32 $0x4, s13  }
0x214: {  	vm3 =	veq.s32 v8, v1;
	vm0 =	vmand vm2, vm0;
	v8 =	vsel vm2, $0x1, v2  }
0x215: {  	vm0 =	vmor vm1, vm0;
	v8 =	vadd.s32 v8, v10  }
0x216: {  	vm0 =	vmor vm3, vm0  }
0x217: {  	v10 =	vsel vm0, $0x3F800000, v5  }
0x218: {  	[tilespmem:v13+s10+$0x0] =	vst.idx.msk $0xffff, v10  }
0x219: {  	v10 =	vld.idx.msk [tilespmem:v11+s9+$0x0], $0xffff  }
0x21a: {  	s15 =	sadd.s32 $0x1, s12;
	vm0 =	vlt.s32 v8, v7;
	v11 =	vor.u32 v3, v12  }
0x21b: {  	v12 =	vmov s15  }
0x21c: {  	v13 =	vshll.u32 v12, $0x7;
	v14 =	vshll.u32 v12, $0x3  }
0x21d: {  	v15 =	vand.u32 $0x7D, v12  }
0x21e: {  	vm1 =	veq.s32 v9, v1;
	v9 =	vor.u32 v0, v13  }
0x21f: {  	v13 =	vand.u32 $0xC00, v14;
	vm2 =	veq.s32 v10, v6  }
0x220: {  	vm3 =	vgt.s32 v10, v6;
	v10 =	vor.u32 v13, v15;
	vm0 =	vmand vm0, vm2  }
0x221: {  	v13 =	vsel vm2, $0x1, v2;
	vm0 =	vmor vm3, vm0  }
0x222: {  	v8 =	vadd.s32 v13, v8;
	vm0 =	vmor vm1, vm0  }
0x223: {  	v13 =	vsel vm0, $0x3F800000, v5  }
0x224: {  	[tilespmem:v11+s10+$0x0] =	vst.idx.msk $0xffff, v13  }
0x225: {  	v9 =	vld.idx.msk [tilespmem:v9+s9+$0x0], $0xffff;
	_ =	sdelay $0x1  }
0x226: {  	s15 =	sadd.s32 $0x2, s12  }
0x227: {  	vm0 =	veq.s32 v12, v1;
	v11 =	vmov s15  }
0x228: {  	v10 =	vor.u32 v3, v10;
	v12 =	vshll.u32 v11, $0x7;
	v13 =	vshll.u32 v11, $0x3  }
0x229: {  	vm1 =	vlt.s32 v8, v7;
	v14 =	vand.u32 $0x7E, v11;
	v13 =	vand.u32 $0xC00, v13  }
0x22a: {  	vm2 =	vgt.s32 v9, v6;
	vm3 =	veq.s32 v9, v6;
	v9 =	vor.u32 v0, v12  }
0x22b: {  	v13 =	vor.u32 v13, v14;
	vm1 =	vmand vm3, vm1;
	v12 =	vsel vm3, $0x1, v2  }
0x22c: {  	vm1 =	vmor vm2, vm1;
	v12 =	vadd.s32 v12, v8  }
0x22d: {  	vm0 =	vmor vm0, vm1  }
0x22e: {  	v8 =	vsel vm0, $0x3F800000, v5  }
0x22f: {  	[tilespmem:v10+s10+$0x0] =	vst.idx.msk $0xffff, v8  }
0x230: {  	v9 =	vld.idx.msk [tilespmem:v9+s9+$0x0], $0xffff;
	_ =	sdelay $0x2  }
0x231: {  	s15 =	sadd.s32 $0x3, s12;
	s12 =	smov.u32 s14  }
0x232: {  	v8 =	vmov s15  }
0x233: {  	v13 =	vor.u32 v3, v13;
	vm0 =	vlt.s32 v12, v7;
	v10 =	vshll.u32 v8, $0x7  }
0x234: {  	v14 =	vor.u32 v0, v10;
	vm1 =	vgt.s32 v9, v6;
	vm2 =	veq.s32 v9, v6  }
0x235: {  	vm3 =	veq.s32 v11, v1;
	vm0 =	vmand vm2, vm0;
	v9 =	vsel vm2, $0x1, v2  }
0x236: {  	vm0 =	vmor vm1, vm0;
	v10 =	vadd.s32 v9, v12;
	v9 =	vshll.u32 v8, $0x3  }
0x237: {  	v11 =	vand.u32 $0x7F, v8;
	vm0 =	vmor vm3, vm0;
	v9 =	vand.u32 $0xC00, v9  }
0x238: {  	v12 =	vsel vm0, $0x3F800000, v5;
	v15 =	vor.u32 v9, v11  }
0x239: {  	[tilespmem:v13+s10+$0x0] =	vst.idx.msk $0xffff, v12  }
0x23a: {  	v9 =	vmov s12;
	v14 =	vld.idx.msk [tilespmem:v14+s9+$0x0], $0xffff  }
.Ltmp20:
0x23b: {  	v11 =	vshll.u32 v9, $0x7;
	v12 =	vshll.u32 v9, $0x3;
	(pc) =	sbr.rel @p0 .LBB2_42-.Ltmp20, $4  }
0x23c: {  	v11 =	vor.u32 v0, v11;
	v13 =	vand.u32 $0x7C, v9  }
0x23d: {  	v12 =	vand.u32 $0xC00, v12  }
0x23e: {  	v12 =	vor.u32 v12, v13  }
0x23f: {  	vm0 =	vlt.s32 v10, v7;
	v13 =	vor.u32 v3, v15  }
0x240: {  	vm1 =	veq.s32 v14, v6  }
0x241: {  	vm2 =	vgt.s32 v14, v6;
	vm0 =	vmand vm1, vm0  }
0x242: {  	vm3 =	veq.s32 v8, v1;
	vm0 =	vmor vm2, vm0  }
0x243: {  	vm0 =	vmor vm3, vm0  }
0x244: {  	v42 =	vsel vm0, $0x3F800000, v5  }
0x245: {  	[tilespmem:v13+s10+$0x0] =	vst.idx.msk $0xffff, v42  }
0x246: {  	v8 =	vld.idx.msk [tilespmem:v11+s9+$0x0], $0xffff;
	_ =	sdelay $0x2  }
0x247: {  	s13 =	sadd.s32 $0x1, s12;
	v43 =	vsel vm1, $0x1, v2  }
0x248: {  	v12 =	vor.u32 v3, v12;
	v44 =	vmov s13;
	v10 =	vadd.s32 v43, v10  }
0x249: {  	v45 =	vshll.u32 v44, $0x7;
	vm10 =	vlt.s32 v10, v7;
	vm11 =	veq.s32 v8, v6  }
0x24a: {  	v13 =	vor.u32 v0, v45;
	vm12 =	vgt.s32 v8, v6;
	vm0 =	vmand vm10, vm11  }
0x24b: {  	vm13 =	veq.s32 v9, v1;
	vm0 =	vmor vm12, vm0  }
0x24c: {  	vm0 =	vmor vm13, vm0  }
0x24d: {  	v46 =	vsel vm0, $0x3F800000, v5  }
0x24e: {  	[tilespmem:v12+s10+$0x0] =	vst.idx.msk $0xffff, v46  }
0x24f: {  	v8 =	vld.idx.msk [tilespmem:v13+s9+$0x0], $0xffff  }
0x250: {  	s30 =	sadd.s32 $0x2, s12  }
0x251: {  	v50 =	vmov s30;
	v47 =	vshll.u32 v44, $0x3  }
0x252: {  	v48 =	vand.u32 $0x7D, v44;
	v9 =	vand.u32 $0xC00, v47;
	v49 =	vsel vm11, $0x1, v2  }
0x253: {  	v51 =	vshll.u32 v50, $0x7;
	v9 =	vor.u32 v9, v48;
	v10 =	vadd.s32 v49, v10  }
0x254: {  	v9 =	vor.u32 v3, v9;
	vm14 =	vlt.s32 v10, v7;
	vm15 =	veq.s32 v8, v6  }
0x255: {  	v52 =	vor.u32 v0, v51;
	vm6 =	vgt.s32 v8, v6;
	vm0 =	vmand vm15, vm14  }
0x256: {  	vm7 =	veq.s32 v44, v1;
	vm0 =	vmor vm6, vm0  }
0x257: {  	vm0 =	vmor vm7, vm0  }
0x258: {  	v53 =	vsel vm0, $0x3F800000, v5  }
0x259: {  	[tilespmem:v9+s10+$0x0] =	vst.idx.msk $0xffff, v53  }
0x25a: {  	v8 =	vld.idx.msk [tilespmem:v52+s9+$0x0], $0xffff  }
0x25b: {  	s31 =	sadd.s32 $0x3, s12  }
0x25c: {  	v57 =	vmov s31;
	v54 =	vshll.u32 v50, $0x3  }
0x25d: {  	v56 =	vand.u32 $0x7E, v50;
	v55 =	vsel vm15, $0x1, v2;
	v9 =	vand.u32 $0xC00, v54  }
0x25e: {  	v58 =	vshll.u32 v57, $0x7;
	v10 =	vadd.s32 v55, v10;
	v9 =	vor.u32 v9, v56  }
0x25f: {  	vm8 =	vlt.s32 v10, v7;
	v9 =	vor.u32 v3, v9;
	vm9 =	veq.s32 v8, v6  }
0x260: {  	v59 =	vor.u32 v0, v58;
	vm10 =	vgt.s32 v8, v6;
	vm0 =	vmand vm9, vm8  }
0x261: {  	vm11 =	veq.s32 v50, v1;
	vm0 =	vmor vm10, vm0  }
0x262: {  	vm0 =	vmor vm11, vm0  }
0x263: {  	v60 =	vsel vm0, $0x3F800000, v5  }
0x264: {  	[tilespmem:v9+s10+$0x0] =	vst.idx.msk $0xffff, v60  }
0x265: {  	v8 =	vld.idx.msk [tilespmem:v59+s9+$0x0], $0xffff;
	_ =	sdelay $0x1  }
0x266: {  	v61 =	vshll.u32 v57, $0x3  }
0x267: {  	v63 =	vand.u32 $0x7F, v57;
	v62 =	vsel vm9, $0x1, v2;
	v9 =	vand.u32 $0xC00, v61  }
0x268: {  	v10 =	vadd.s32 v62, v10;
	v9 =	vor.u32 v9, v63  }
0x269: {  	vm12 =	vlt.s32 v10, v7;
	v7 =	vor.u32 v3, v9;
	vm13 =	veq.s32 v8, v6  }
0x26a: {  	vm14 =	vgt.s32 v8, v6;
	vm0 =	vmand vm13, vm12  }
0x26b: {  	vm15 =	veq.s32 v57, v1;
	vm0 =	vmor vm14, vm0  }
0x26c: {  	s11 =	sadd.s32 $0x1, s11;
	vm0 =	vmor vm15, vm0  }
0x26d: {  	p0 =	sne.s32 s11, s5;
	v6 =	vsel vm0, $0x3F800000, v5  }
.Ltmp21:
0x26e: {  	[tilespmem:v7+s10+$0x0] =	vst.idx.msk $0xffff, v6;
	(pc) =	sbr.rel @p0 .LBB2_1-.Ltmp21, $4  }
0x26f: {  	[hbm4b:s4+s2] =	stream.linear.scatter [tilespmem:s10], [sflag:$0x1], $0x2000, $0x38;
	[tilespmem:$0x1C800] =	vst v63  }
0x270: {  	_ =	swait.ge [sflag:s6], $0x2000  }
0x271: {  	[sflag:s6] =	ssyncset.done $0x0  }
0x272: {  	[sflag:s6] =	ssyncadd.s32 $0xFFFFE000  }
0x273: {  	_ =	sfence.sel $0x180000  }
0x274: {  	[bflag:$0x0] =	sbarrier.arrive $0xFFFF  }
0x275: {  	p0 =	sne.s32 s0, $0x0;
	_ =	strace $0x90000047  }
0x276: {  	s0 =	sadd.s32 @!p0 $0x100000, s1;
	[bflag:$0x2] =	sbarrier.arrive $0xFFFF  }
0x277: {  	[sflag:s0] =	ssyncadd.tile.s32 @!p0 $0x1;
	_ =	shalt  }
.Lfunc_end2:
_tile_overlayer_lowered:
.L_overlay_start_2:
0x278: {  	(tag) =	ssettag $0x2  }
0x279: {  	s0 =	rddreg [dreg:$0x0];
	s2 =	stileid.u32  }
0x27a: {  	s1 =	rddreg [dreg:$0x1];
	p0 =	sne.s32 s2, $0x0  }
0x27b: {  	s3 =	rddreg [dreg:$0x2];
	[bflag:$0x3] =	sbarrier.arrive $0xFFFF;
	s2 =	simm.s32 @!p0 $0x1C01  }
0x27c: {  	[timem:s3], [sflag:s2] =	dma.local @!p0 [hbm:s0], s1  }
0x27d: {  	s0 =	simm.s32 @!p0 $0x1  }
0x27e: {  	_ =	swait.ge @!p0 [sflag:s0], s1  }
0x27f: {  	s1 =	ssub.s32 @!p0 $0x0, s1;
	[sflag:s0] =	ssyncset.done @!p0 $0x0  }
0x280: {  	[sflag:s0] =	ssyncadd.s32 @!p0 s1  }
0x281: {  	[bflag:$0x3] =	sbarrier.arrive $0xFFFF  }
0x282: {  	_ =	shalt  }

</sc_bundles>
